<compile_context>
chip_gen: v7x
topology: tpu7x:2x2x1
jax: 0.10.2.dev20260603
libtpu: 0.0.44.dev20260713+nightly
codegen_flags: <defaults>
</compile_context>

<pallas_src>
import functools

import jax
import jax.numpy as jnp
from jax import lax
from jax.experimental import pallas as pl
from jax.experimental.pallas import tpu as pltpu
from jax.experimental.pallas import tpu_sc as plsc

N = 10000
E = 160000
D_IN = 256
D_HID = 256
D_OUT = 64

NC = 2
NS = 16
B = 125
NB = E // NS // B
NP = 10240
RPT = NP // NS
IB = 16
NIC = NB // IB
NBC = NB // NC

_MESH = dict(core_axis_name="c", subcore_axis_name="s",
             num_cores=NC, num_subcores=NS)

_UNTILED = pltpu.CompilerParams(use_tc_tiling_on_sc=False)


@functools.partial(
    pl.kernel,
    out_type=jax.ShapeDtypeStruct((NC, NP, 16), jnp.float32),
    mesh=plsc.VectorSubcoreMesh(**_MESH),
    compiler_params=_UNTILED,
    scratch_types=[
        pltpu.VMEM((NBC, B), jnp.int32),
        pltpu.VMEM((B, 16), jnp.float32),
        pltpu.VMEM_SHARED((NP, 16), jnp.float32),
    ],
)
def _deg_kernel(ei, ones_h, zz_h, out, rowb, onesb, acc):
    c = lax.axis_index("c")
    s = lax.axis_index("s")
    pltpu.sync_copy(zz_h, acc.at[pl.ds(s * RPT, RPT)])
    pltpu.sync_copy(ones_h, onesb)
    pltpu.sync_copy(ei.at[0, s, pl.ds(c * NBC, NBC)], rowb)
    plsc.subcore_barrier()

    def body(j, _):
        pltpu.sync_copy(onesb, acc.at[rowb.at[j]], add=True)
        return 0

    lax.fori_loop(0, NBC, body, 0)
    plsc.subcore_barrier()
    pltpu.sync_copy(acc.at[pl.ds(s * RPT, RPT)], out.at[c, pl.ds(s * RPT, RPT)])


@functools.partial(
    pl.kernel,
    out_type=jax.ShapeDtypeStruct((NC, NP, 128), jnp.float32),
    mesh=plsc.VectorSubcoreMesh(**_MESH),
    scratch_types=[
        pltpu.VMEM((IB, B), jnp.int32),
        pltpu.VMEM((IB, B), jnp.int32),
        pltpu.VMEM((2, B, 128), jnp.float32),
        pltpu.VMEM_SHARED((NP, 128), jnp.float32),
        pltpu.SemaphoreType.DMA,
        pltpu.SemaphoreType.DMA,
    ],
)
def _spmm1(x0, x1, ei, zz_h, out, colb, rowb, gbuf, acc, gsem0, gsem1):
    c = lax.axis_index("c")
    s = lax.axis_index("s")
    pltpu.sync_copy(zz_h, acc.at[pl.ds(s * RPT, RPT)])
    plsc.subcore_barrier()

    gsems = (gsem0, gsem1)

    def run(xref):
        def gstart(jj, b):
            pltpu.async_copy(xref.at[colb.at[jj]], gbuf.at[b], gsems[b])

        def gwait(jj, b):
            pltpu.make_async_copy(
                xref.at[colb.at[jj]], gbuf.at[b], gsems[b]).wait()

        def chunk(ic, _):
            pltpu.sync_copy(ei.at[1, s, pl.ds(ic * IB, IB)], colb)
            pltpu.sync_copy(ei.at[0, s, pl.ds(ic * IB, IB)], rowb)
            gstart(0, 0)
            gstart(1, 1)

            def pair(i, _):
                jj0 = i * 2
                for b in range(2):
                    jj = jj0 + b
                    gwait(jj, b)
                    pltpu.sync_copy(gbuf.at[b], acc.at[rowb.at[jj]], add=True)

                    @pl.when(jj + 2 < IB)
                    def _():
                        gstart(jj + 2, b)
                return 0

            lax.fori_loop(0, IB // 2, pair, 0)
            return 0

        lax.fori_loop(0, NIC, chunk, 0)

    @pl.when(c == 0)
    def _():
        run(x0)

    @pl.when(c == 1)
    def _():
        run(x1)

    plsc.subcore_barrier()
    pltpu.sync_copy(acc.at[pl.ds(s * RPT, RPT)], out.at[c, pl.ds(s * RPT, RPT)])


IB2 = 8
NIC2 = NBC // IB2


@functools.partial(
    pl.kernel,
    out_type=jax.ShapeDtypeStruct((NC, NP, D_OUT), jnp.float32),
    mesh=plsc.VectorSubcoreMesh(**_MESH),
    compiler_params=_UNTILED,
    scratch_types=[
        pltpu.VMEM((IB2, B), jnp.int32),
        pltpu.VMEM((IB2, B), jnp.int32),
        pltpu.VMEM((2, B, D_OUT), jnp.float32),
        pltpu.VMEM_SHARED((NP, D_OUT), jnp.float32),
        pltpu.SemaphoreType.DMA,
        pltpu.SemaphoreType.DMA,
    ],
)
def _spmm2(x, ei, zz_h, out, colb, rowb, gbuf, acc, gsem0, gsem1):
    c = lax.axis_index("c")
    s = lax.axis_index("s")
    pltpu.sync_copy(zz_h, acc.at[pl.ds(s * RPT, RPT)])
    plsc.subcore_barrier()

    gsems = (gsem0, gsem1)

    def gstart(jj, b):
        pltpu.async_copy(x.at[colb.at[jj]], gbuf.at[b], gsems[b])

    def gwait(jj, b):
        pltpu.make_async_copy(x.at[colb.at[jj]], gbuf.at[b], gsems[b]).wait()

    def chunk(ic, _):
        base = c * NBC + ic * IB2
        pltpu.sync_copy(ei.at[1, s, pl.ds(base, IB2)], colb)
        pltpu.sync_copy(ei.at[0, s, pl.ds(base, IB2)], rowb)
        gstart(0, 0)
        gstart(1, 1)

        def pair(i, _):
            jj0 = i * 2
            for b in range(2):
                jj = jj0 + b
                gwait(jj, b)
                pltpu.sync_copy(gbuf.at[b], acc.at[rowb.at[jj]], add=True)

                @pl.when(jj + 2 < IB2)
                def _():
                    gstart(jj + 2, b)
            return 0

        lax.fori_loop(0, IB2 // 2, pair, 0)
        return 0

    lax.fori_loop(0, NIC2, chunk, 0)
    plsc.subcore_barrier()
    pltpu.sync_copy(acc.at[pl.ds(s * RPT, RPT)], out.at[c, pl.ds(s * RPT, RPT)])


_RB = 1000
_CB = 2560


def _norm_from(deg2_blk):
    d = deg2_blk[0, :, 0:1] + deg2_blk[1, :, 0:1]
    return lax.rsqrt(jnp.maximum(d, 1.0))


def _mm1_body(h_ref, w_ref, deg_ref, o0_ref, o1_ref):
    nrm = _norm_from(deg_ref[...])
    t = lax.dot_general(h_ref[...], w_ref[...], (((1,), (1,)), ((), ())),
                        preferred_element_type=jnp.float32)
    t = t * nrm
    o0_ref[...] = t[:, :D_HID // 2]
    o1_ref[...] = t[:, D_HID // 2:]


def _mm2_body(a0_ref, a1_ref, w_ref, deg_ref, o_ref):
    nrm = _norm_from(deg_ref[...])
    z = jnp.concatenate([a0_ref[0], a1_ref[0]], axis=1) * nrm
    z = jnp.maximum(z, 0.0)
    t = lax.dot_general(z, w_ref[...], (((1,), (1,)), ((), ())),
                        preferred_element_type=jnp.float32)
    t = t * nrm
    o_ref[...] = t


def _mmc_body(b0_ref, b1_ref, deg_ref, out_ref):
    z = b0_ref[0] + b1_ref[0]
    out_ref[...] = z * _norm_from(deg_ref[...])


def _mm3_body(zi_ref, zj_ref, out_ref):
    out_ref[...] = lax.dot_general(zi_ref[...], zj_ref[...],
                                   (((1,), (1,)), ((), ())),
                                   preferred_element_type=jnp.float32)


def _mm1(h, W0, deg2):
    return pl.pallas_call(
        _mm1_body,
        grid=(N // _RB,),
        in_specs=[
            pl.BlockSpec((_RB, D_IN), lambda i: (i, 0)),
            pl.BlockSpec((D_HID, D_IN), lambda i: (0, 0)),
            pl.BlockSpec((NC, _RB, 16), lambda i: (0, i, 0)),
        ],
        out_specs=[
            pl.BlockSpec((_RB, D_HID // 2), lambda i: (i, 0)),
            pl.BlockSpec((_RB, D_HID // 2), lambda i: (i, 0)),
        ],
        out_shape=[jax.ShapeDtypeStruct((N, D_HID // 2), jnp.float32)] * 2,
    )(h, W0, deg2)


def _mm2(s_all, W1, deg2):
    return pl.pallas_call(
        _mm2_body,
        grid=(N // _RB,),
        in_specs=[
            pl.BlockSpec((1, _RB, 128), lambda i: (0, i, 0)),
            pl.BlockSpec((1, _RB, 128), lambda i: (1, i, 0)),
            pl.BlockSpec((D_OUT, D_HID), lambda i: (0, 0)),
            pl.BlockSpec((NC, _RB, 16), lambda i: (0, i, 0)),
        ],
        out_specs=pl.BlockSpec((_RB, D_OUT), lambda i: (i, 0)),
        out_shape=jax.ShapeDtypeStruct((N, D_OUT), jnp.float32),
    )(s_all, s_all, W1, deg2)


def _mmc(u_all, deg2):
    return pl.pallas_call(
        _mmc_body,
        grid=(N // _RB,),
        in_specs=[
            pl.BlockSpec((1, _RB, D_OUT), lambda i: (0, i, 0)),
            pl.BlockSpec((1, _RB, D_OUT), lambda i: (1, i, 0)),
            pl.BlockSpec((NC, _RB, 16), lambda i: (0, i, 0)),
        ],
        out_specs=pl.BlockSpec((_RB, D_OUT), lambda i: (i, 0)),
        out_shape=jax.ShapeDtypeStruct((N, D_OUT), jnp.float32),
    )(u_all, u_all, deg2)


def _mm3(z):
    ncb = pl.cdiv(N, _CB)
    return pl.pallas_call(
        _mm3_body,
        grid=(N // _RB, ncb),
        in_specs=[
            pl.BlockSpec((_RB, D_OUT), lambda i, j: (i, 0)),
            pl.BlockSpec((_CB, D_OUT), lambda i, j: (j, 0)),
        ],
        out_specs=pl.BlockSpec((_RB, _CB), lambda i, j: (i, j)),
        out_shape=jax.ShapeDtypeStruct((N, N), jnp.float32),
    )(z, z)


def kernel(h, edge_index, W0, W1):
    ei4 = edge_index.reshape(2, NS, NB, B)
    ones16 = jnp.ones((B, 16), jnp.float32)
    zz16 = jnp.zeros((RPT, 16), jnp.float32)
    zz64 = jnp.zeros((RPT, D_OUT), jnp.float32)
    zz128 = jnp.zeros((RPT, 128), jnp.float32)
    deg2 = _deg_kernel(ei4, ones16, zz16)
    x0, x1 = _mm1(h, W0, deg2)
    s_all = _spmm1(x0, x1, ei4, zz128)
    t2 = _mm2(s_all, W1, deg2)
    u_all = _spmm2(t2, ei4, zz64)
    z = _mmc(u_all, deg2)
    return _mm3(z)

# --- scband reference (transcript-rebuilt; emitter-appended) ---
"""Pipeline reference for scband-graph-auto-encoder-8160437862603 (READ-ONLY COPY).

The authoritative reference and input builder live on the scoring server;
editing this copy changes nothing except your own understanding.
"""

import jax, jax.numpy as jnp
import numpy as np

N = 10000
E = 160000
D_IN = 256
D_HID = 256
D_OUT = 64


def _xavier(key, out_f, in_f):
    limit = np.sqrt(6.0 / (in_f + out_f))
    return jax.random.uniform(key, (out_f, in_f), dtype=jnp.float32, minval=-limit, maxval=limit)


def setup_inputs(seed: int = 0) -> dict:
    key = jax.random.key(seed)
    k1, k2, k3, k4 = jax.random.split(key, 4)
    h = jax.random.normal(k1, (N, D_IN), dtype=jnp.float32)
    edge_index = jax.random.randint(k2, (2, E), 0, N, dtype=jnp.int32)
    W0 = _xavier(k3, D_HID, D_IN)
    W1 = _xavier(k4, D_OUT, D_HID)
    return {"h": h, "edge_index": edge_index, "W0": W0, "W1": W1}


def _gcn_layer(h, W, row, col, norm, use_relu):
    # h = h * d^{-1/2}; h = Linear(h); h = A @ h (scatter-add over edges); h = h * d^{-1/2}
    h = h * norm
    h = h @ W.T
    h = jax.ops.segment_sum(jnp.take(h, col, axis=0), row, num_segments=N)
    h = h * norm
    if use_relu:
        h = jax.nn.relu(h)
    return h


def reference(h, edge_index, W0, W1):
    row = edge_index[0]
    col = edge_index[1]
    # degree = row-sums of sparse adjacency (multi-edges counted, like COO values sum)
    deg = jax.ops.segment_sum(jnp.ones((E,), dtype=jnp.float32), row, num_segments=N)
    deg = jnp.clip(deg, 1.0, None)
    norm = (deg ** -0.5)[:, None]
    z = _gcn_layer(h, W0, row, col, norm, True)
    z = _gcn_layer(z, W1, row, col, norm, False)
    a_hat = z @ z.T
    return a_hat

if __name__ == "__main__":
    import jax
    _d = setup_inputs()
    print(jax.jit(kernel)(*tuple(_d.values())))

</pallas_src>

<mosaic_0001>
#map = affine_map<(d0, d1) -> (0, 0, 0, 0)>
#map1 = affine_map<(d0, d1) -> (0, 0)>
#map2 = affine_map<(d0, d1) -> (0, 0, 0)>
module attributes {stable_mosaic.version = 14 : i64} {
  func.func @_deg_kernel(%arg0: i32, %arg1: i32, %arg2: memref<2x16x80x125xi32, #tpu.memory_space<hbm>>, %arg3: memref<125x16xf32, #tpu.memory_space<hbm>>, %arg4: memref<640x16xf32, #tpu.memory_space<hbm>>, %arg5: memref<2x10240x16xf32, #tpu.memory_space<hbm>>, %arg6: memref<40x125xi32, #tpu.memory_space<vmem>>, %arg7: memref<125x16xf32, #tpu.memory_space<vmem>>, %arg8: memref<10240x16xf32, #tpu.memory_space<vmem_shared>>) attributes {dimension_semantics = [#tpu.dimension_semantics<core_parallel>, #tpu.dimension_semantics<subcore_parallel>], iteration_bounds = array<i64: 2, 16>, scalar_prefetch = 0 : i64, scratch_operands = 3 : i64, tpu.core_type = #tpu.core_type<sc_vector_subcore>, window_params = [{transform_indices = #map}, {transform_indices = #map1}, {transform_indices = #map1}, {transform_indices = #map2}]} {
    %mul3A = arith.constant 640 : i32
    %mul3A_0 = arith.muli %arg1, %mul3A : i32
    "tpu.region"() ({
      %run_scoped3A_14 = tpu.sem_alloc : memref<!tpu.dma_semaphore, #tpu.memory_space<semaphore_mem>>
      %dma_start3A = arith.constant 0 : i32
      %dma_start3A_15 = tpu.memref_slice %arg8[%mul3A_0, %dma_start3A] : memref<10240x16xf32, #tpu.memory_space<vmem_shared>> -> memref<640x16xf32, #tpu.memory_space<vmem_shared>>
      tpu.enqueue_dma source(%arg4 : memref<640x16xf32, #tpu.memory_space<hbm>>) target(%dma_start3A_15 : memref<640x16xf32, #tpu.memory_space<vmem_shared>>) target_semaphore(%run_scoped3A_14 : memref<!tpu.dma_semaphore, #tpu.memory_space<semaphore_mem>>)
      %dma_wait3A = arith.constant 0 : i32
      %dma_wait3A_16 = tpu.memref_slice %arg8[%mul3A_0, %dma_wait3A] : memref<10240x16xf32, #tpu.memory_space<vmem_shared>> -> memref<640x16xf32, #tpu.memory_space<vmem_shared>>
      tpu.wait_dma2 semaphore(%run_scoped3A_14 : memref<!tpu.dma_semaphore, #tpu.memory_space<semaphore_mem>>) src(%arg4 : memref<640x16xf32, #tpu.memory_space<hbm>>) dst(%dma_wait3A_16 : memref<640x16xf32, #tpu.memory_space<vmem_shared>>)
      tpu.yield
    }) : () -> ()
    "tpu.region"() ({
      %run_scoped3A_14 = tpu.sem_alloc : memref<!tpu.dma_semaphore, #tpu.memory_space<semaphore_mem>>
      tpu.enqueue_dma source(%arg3 : memref<125x16xf32, #tpu.memory_space<hbm>>) target(%arg7 : memref<125x16xf32, #tpu.memory_space<vmem>>) target_semaphore(%run_scoped3A_14 : memref<!tpu.dma_semaphore, #tpu.memory_space<semaphore_mem>>)
      tpu.wait_dma2 semaphore(%run_scoped3A_14 : memref<!tpu.dma_semaphore, #tpu.memory_space<semaphore_mem>>) src(%arg3 : memref<125x16xf32, #tpu.memory_space<hbm>>) dst(%arg7 : memref<125x16xf32, #tpu.memory_space<vmem>>)
      tpu.yield
    }) : () -> ()
    %mul3A_1 = arith.constant 40 : i32
    %mul3A_2 = arith.muli %arg0, %mul3A_1 : i32
    %run_scoped3A = arith.constant 0 : i32
    "tpu.region"() ({
      %run_scoped3A_14 = tpu.sem_alloc : memref<!tpu.dma_semaphore, #tpu.memory_space<semaphore_mem>>
      %dma_start3A = arith.constant 0 : i32
      %dma_start3A_15 = tpu.memref_slice %arg2[%run_scoped3A, %arg1, %mul3A_2, %dma_start3A] : memref<2x16x80x125xi32, #tpu.memory_space<hbm>> -> memref<1x1x40x125xi32, #tpu.memory_space<hbm>>
      %dma_start3A_16 = tpu.memref_squeeze %dma_start3A_15 : memref<1x1x40x125xi32, #tpu.memory_space<hbm>> -> memref<40x125xi32, #tpu.memory_space<hbm>>
      %dma_start3A_17 = arith.constant 0 : i32
      %dma_start3A_18 = tpu.memref_slice %arg2[%run_scoped3A, %arg1, %mul3A_2, %dma_start3A_17] : memref<2x16x80x125xi32, #tpu.memory_space<hbm>> -> memref<1x1x40x125xi32, #tpu.memory_space<hbm>>
      %dma_start3A_19 = tpu.memref_squeeze %dma_start3A_18 : memref<1x1x40x125xi32, #tpu.memory_space<hbm>> -> memref<40x125xi32, #tpu.memory_space<hbm>>
      tpu.enqueue_dma source(%dma_start3A_19 : memref<40x125xi32, #tpu.memory_space<hbm>>) target(%arg6 : memref<40x125xi32, #tpu.memory_space<vmem>>) target_semaphore(%run_scoped3A_14 : memref<!tpu.dma_semaphore, #tpu.memory_space<semaphore_mem>>)
      %dma_wait3A = arith.constant 0 : i32
      %dma_wait3A_20 = tpu.memref_slice %arg2[%run_scoped3A, %arg1, %mul3A_2, %dma_wait3A] : memref<2x16x80x125xi32, #tpu.memory_space<hbm>> -> memref<1x1x40x125xi32, #tpu.memory_space<hbm>>
      %dma_wait3A_21 = tpu.memref_squeeze %dma_wait3A_20 : memref<1x1x40x125xi32, #tpu.memory_space<hbm>> -> memref<40x125xi32, #tpu.memory_space<hbm>>
      %dma_wait3A_22 = arith.constant 0 : i32
      %dma_wait3A_23 = tpu.memref_slice %arg2[%run_scoped3A, %arg1, %mul3A_2, %dma_wait3A_22] : memref<2x16x80x125xi32, #tpu.memory_space<hbm>> -> memref<1x1x40x125xi32, #tpu.memory_space<hbm>>
      %dma_wait3A_24 = tpu.memref_squeeze %dma_wait3A_23 : memref<1x1x40x125xi32, #tpu.memory_space<hbm>> -> memref<40x125xi32, #tpu.memory_space<hbm>>
      tpu.wait_dma2 semaphore(%run_scoped3A_14 : memref<!tpu.dma_semaphore, #tpu.memory_space<semaphore_mem>>) src(%dma_wait3A_24 : memref<40x125xi32, #tpu.memory_space<hbm>>) dst(%arg6 : memref<40x125xi32, #tpu.memory_space<vmem>>)
      tpu.yield
    }) : () -> ()
    %barrier3A = arith.constant 0 : index
    tpu.barrier barrier_id(%barrier3A)
    %scan3A = arith.constant 0 : i32
    %scan3A_3 = arith.constant 0 : i32
    %scan3A_4 = arith.constant 40 : i32
    %scan3A_5 = arith.addi %scan3A_3, %scan3A_4 : i32
    %scan3A_6 = arith.constant 1 : i32
    %scan3A_7 = scf.for %scan3A_14 = %scan3A_3 to %scan3A_5 step %scan3A_6 iter_args(%scan3A_15 = %scan3A) -> (i32)  : i32 {
      "tpu.region"() ({
        %run_scoped3A_17 = tpu.sem_alloc : memref<!tpu.dma_semaphore, #tpu.memory_space<semaphore_mem>>
        %dma_start3A = arith.constant 0 : i32
        %dma_start3A_18 = tpu.memref_slice %arg6[%scan3A_14, %dma_start3A] : memref<40x125xi32, #tpu.memory_space<vmem>> -> memref<1x125xi32, #tpu.memory_space<vmem>>
        %dma_start3A_19 = tpu.memref_squeeze %dma_start3A_18 : memref<1x125xi32, #tpu.memory_space<vmem>> -> memref<125xi32, #tpu.memory_space<vmem>>
        %dma_start3A_20 = arith.constant 0 : i32
        %dma_start3A_21 = arith.constant 0 : i32
        %dma_start3A_22 = tpu.memref_slice %arg8[%dma_start3A_20, %dma_start3A_21] : memref<10240x16xf32, #tpu.memory_space<vmem_shared>> -> memref<10240x16xf32, #tpu.memory_space<vmem_shared>>
        tpu.enqueue_indirect_dma source(%arg7 : memref<125x16xf32, #tpu.memory_space<vmem>>) target(%dma_start3A_22 : memref<10240x16xf32, #tpu.memory_space<vmem_shared>>) offsets(%dma_start3A_19 : memref<125xi32, #tpu.memory_space<vmem>>) semaphore(%run_scoped3A_17 : memref<!tpu.dma_semaphore, #tpu.memory_space<semaphore_mem>>) {add = true}
        %dma_wait3A = arith.constant 0 : i32
        %dma_wait3A_23 = tpu.memref_slice %arg6[%scan3A_14, %dma_wait3A] : memref<40x125xi32, #tpu.memory_space<vmem>> -> memref<1x125xi32, #tpu.memory_space<vmem>>
        %dma_wait3A_24 = tpu.memref_squeeze %dma_wait3A_23 : memref<1x125xi32, #tpu.memory_space<vmem>> -> memref<125xi32, #tpu.memory_space<vmem>>
        %dma_wait3A_25 = arith.constant 0 : i32
        %dma_wait3A_26 = arith.constant 0 : i32
        %dma_wait3A_27 = tpu.memref_slice %arg8[%dma_wait3A_25, %dma_wait3A_26] : memref<10240x16xf32, #tpu.memory_space<vmem_shared>> -> memref<10240x16xf32, #tpu.memory_space<vmem_shared>>
        tpu.wait_indirect_dma semaphore(%run_scoped3A_17 : memref<!tpu.dma_semaphore, #tpu.memory_space<semaphore_mem>>) src(%arg7 : memref<125x16xf32, #tpu.memory_space<vmem>>) dst(%dma_wait3A_27 : memref<10240x16xf32, #tpu.memory_space<vmem_shared>>)
        tpu.yield
      }) : () -> ()
      %scan3A_16 = arith.constant 0 : i32
      scf.yield %scan3A_16 : i32
    }
    %scan3A_8 = arith.constant 40 : i32
    %barrier3A_9 = arith.constant 0 : index
    tpu.barrier barrier_id(%barrier3A_9)
    %mul3A_10 = arith.constant 640 : i32
    %mul3A_11 = arith.muli %arg1, %mul3A_10 : i32
    %mul3A_12 = arith.constant 640 : i32
    %mul3A_13 = arith.muli %arg1, %mul3A_12 : i32
    "tpu.region"() ({
      %run_scoped3A_14 = tpu.sem_alloc : memref<!tpu.dma_semaphore, #tpu.memory_space<semaphore_mem>>
      %dma_start3A = arith.constant 0 : i32
      %dma_start3A_15 = tpu.memref_slice %arg5[%arg0, %mul3A_13, %dma_start3A] : memref<2x10240x16xf32, #tpu.memory_space<hbm>> -> memref<1x640x16xf32, #tpu.memory_space<hbm>>
      %dma_start3A_16 = tpu.memref_squeeze %dma_start3A_15 : memref<1x640x16xf32, #tpu.memory_space<hbm>> -> memref<640x16xf32, #tpu.memory_space<hbm>>
      %dma_start3A_17 = arith.constant 0 : i32
      %dma_start3A_18 = tpu.memref_slice %arg8[%mul3A_11, %dma_start3A_17] : memref<10240x16xf32, #tpu.memory_space<vmem_shared>> -> memref<640x16xf32, #tpu.memory_space<vmem_shared>>
      tpu.enqueue_dma source(%dma_start3A_18 : memref<640x16xf32, #tpu.memory_space<vmem_shared>>) target(%dma_start3A_16 : memref<640x16xf32, #tpu.memory_space<hbm>>) target_semaphore(%run_scoped3A_14 : memref<!tpu.dma_semaphore, #tpu.memory_space<semaphore_mem>>)
      %dma_wait3A = arith.constant 0 : i32
      %dma_wait3A_19 = tpu.memref_slice %arg5[%arg0, %mul3A_13, %dma_wait3A] : memref<2x10240x16xf32, #tpu.memory_space<hbm>> -> memref<1x640x16xf32, #tpu.memory_space<hbm>>
      %dma_wait3A_20 = tpu.memref_squeeze %dma_wait3A_19 : memref<1x640x16xf32, #tpu.memory_space<hbm>> -> memref<640x16xf32, #tpu.memory_space<hbm>>
      %dma_wait3A_21 = arith.constant 0 : i32
      %dma_wait3A_22 = tpu.memref_slice %arg8[%mul3A_11, %dma_wait3A_21] : memref<10240x16xf32, #tpu.memory_space<vmem_shared>> -> memref<640x16xf32, #tpu.memory_space<vmem_shared>>
      tpu.wait_dma2 semaphore(%run_scoped3A_14 : memref<!tpu.dma_semaphore, #tpu.memory_space<semaphore_mem>>) src(%dma_wait3A_22 : memref<640x16xf32, #tpu.memory_space<vmem_shared>>) dst(%dma_wait3A_20 : memref<640x16xf32, #tpu.memory_space<hbm>>)
      tpu.yield
    }) : () -> ()
    return
  }
}

#map = affine_map<(d0, d1) -> (0, 0)>
#map1 = affine_map<(d0, d1) -> (0, 0, 0, 0)>
#map2 = affine_map<(d0, d1) -> (0, 0, 0)>
module attributes {stable_mosaic.version = 14 : i64} {
  func.func @_spmm1(%arg0: i32, %arg1: i32, %arg2: memref<10000x128xf32, #tpu.memory_space<hbm>>, %arg3: memref<10000x128xf32, #tpu.memory_space<hbm>>, %arg4: memref<2x16x80x125xi32, #tpu.memory_space<hbm>>, %arg5: memref<640x128xf32, #tpu.memory_space<hbm>>, %arg6: memref<2x10240x128xf32, #tpu.memory_space<hbm>>, %arg7: memref<16x125xi32, #tpu.memory_space<vmem>>, %arg8: memref<16x125xi32, #tpu.memory_space<vmem>>, %arg9: memref<2x125x128xf32, #tpu.memory_space<vmem>>, %arg10: memref<10240x128xf32, #tpu.memory_space<vmem_shared>>, %arg11: memref<!tpu.dma_semaphore, #tpu.memory_space<semaphore_mem>>, %arg12: memref<!tpu.dma_semaphore, #tpu.memory_space<semaphore_mem>>) attributes {dimension_semantics = [#tpu.dimension_semantics<core_parallel>, #tpu.dimension_semantics<subcore_parallel>], iteration_bounds = array<i64: 2, 16>, scalar_prefetch = 0 : i64, scratch_operands = 6 : i64, tpu.core_type = #tpu.core_type<sc_vector_subcore>, window_params = [{transform_indices = #map}, {transform_indices = #map}, {transform_indices = #map1}, {transform_indices = #map}, {transform_indices = #map2}]} {
    %mul3A = arith.constant 640 : i32
    %mul3A_0 = arith.muli %arg1, %mul3A : i32
    "tpu.region"() ({
      %run_scoped3A = tpu.sem_alloc : memref<!tpu.dma_semaphore, #tpu.memory_space<semaphore_mem>>
      %dma_start3A = arith.constant 0 : i32
      %dma_start3A_13 = tpu.memref_slice %arg10[%mul3A_0, %dma_start3A] : memref<10240x128xf32, #tpu.memory_space<vmem_shared>> -> memref<640x128xf32, #tpu.memory_space<vmem_shared>>
      tpu.enqueue_dma source(%arg5 : memref<640x128xf32, #tpu.memory_space<hbm>>) target(%dma_start3A_13 : memref<640x128xf32, #tpu.memory_space<vmem_shared>>) target_semaphore(%run_scoped3A : memref<!tpu.dma_semaphore, #tpu.memory_space<semaphore_mem>>)
      %dma_wait3A = arith.constant 0 : i32
      %dma_wait3A_14 = tpu.memref_slice %arg10[%mul3A_0, %dma_wait3A] : memref<10240x128xf32, #tpu.memory_space<vmem_shared>> -> memref<640x128xf32, #tpu.memory_space<vmem_shared>>
      tpu.wait_dma2 semaphore(%run_scoped3A : memref<!tpu.dma_semaphore, #tpu.memory_space<semaphore_mem>>) src(%arg5 : memref<640x128xf32, #tpu.memory_space<hbm>>) dst(%dma_wait3A_14 : memref<640x128xf32, #tpu.memory_space<vmem_shared>>)
      tpu.yield
    }) : () -> ()
    %barrier3A = arith.constant 0 : index
    tpu.barrier barrier_id(%barrier3A)
    %eq3A = arith.constant 0 : i32
    %eq3A_1 = arith.cmpi eq, %arg0, %eq3A : i32
    %convert_element_type3A = arith.extui %eq3A_1 : i1 to i32
    %cond3A = arith.constant 0 : i32
    %cond3A_2 = arith.cmpi ne, %convert_element_type3A, %cond3A : i32
    scf.if %cond3A_2 {
      %scan3A = arith.constant 0 : i32
      %scan3A_13 = arith.constant 0 : i32
      %scan3A_14 = arith.constant 5 : i32
      %scan3A_15 = arith.addi %scan3A_13, %scan3A_14 : i32
      %scan3A_16 = arith.constant 1 : i32
      %scan3A_17 = scf.for %scan3A_19 = %scan3A_13 to %scan3A_15 step %scan3A_16 iter_args(%scan3A_20 = %scan3A) -> (i32)  : i32 {
        %mul3A_21 = arith.constant 16 : i32
        %mul3A_22 = arith.muli %scan3A_19, %mul3A_21 : i32
        %run_scoped3A = arith.constant 1 : i32
        "tpu.region"() ({
          %run_scoped3A_57 = tpu.sem_alloc : memref<!tpu.dma_semaphore, #tpu.memory_space<semaphore_mem>>
          %dma_start3A_58 = arith.constant 0 : i32
          %dma_start3A_59 = tpu.memref_slice %arg4[%run_scoped3A, %arg1, %mul3A_22, %dma_start3A_58] : memref<2x16x80x125xi32, #tpu.memory_space<hbm>> -> memref<1x1x16x125xi32, #tpu.memory_space<hbm>>
          %dma_start3A_60 = tpu.memref_squeeze %dma_start3A_59 : memref<1x1x16x125xi32, #tpu.memory_space<hbm>> -> memref<16x125xi32, #tpu.memory_space<hbm>>
          %dma_start3A_61 = arith.constant 0 : i32
          %dma_start3A_62 = tpu.memref_slice %arg4[%run_scoped3A, %arg1, %mul3A_22, %dma_start3A_61] : memref<2x16x80x125xi32, #tpu.memory_space<hbm>> -> memref<1x1x16x125xi32, #tpu.memory_space<hbm>>
          %dma_start3A_63 = tpu.memref_squeeze %dma_start3A_62 : memref<1x1x16x125xi32, #tpu.memory_space<hbm>> -> memref<16x125xi32, #tpu.memory_space<hbm>>
          tpu.enqueue_dma source(%dma_start3A_63 : memref<16x125xi32, #tpu.memory_space<hbm>>) target(%arg7 : memref<16x125xi32, #tpu.memory_space<vmem>>) target_semaphore(%run_scoped3A_57 : memref<!tpu.dma_semaphore, #tpu.memory_space<semaphore_mem>>)
          %dma_wait3A = arith.constant 0 : i32
          %dma_wait3A_64 = tpu.memref_slice %arg4[%run_scoped3A, %arg1, %mul3A_22, %dma_wait3A] : memref<2x16x80x125xi32, #tpu.memory_space<hbm>> -> memref<1x1x16x125xi32, #tpu.memory_space<hbm>>
          %dma_wait3A_65 = tpu.memref_squeeze %dma_wait3A_64 : memref<1x1x16x125xi32, #tpu.memory_space<hbm>> -> memref<16x125xi32, #tpu.memory_space<hbm>>
          %dma_wait3A_66 = arith.constant 0 : i32
          %dma_wait3A_67 = tpu.memref_slice %arg4[%run_scoped3A, %arg1, %mul3A_22, %dma_wait3A_66] : memref<2x16x80x125xi32, #tpu.memory_space<hbm>> -> memref<1x1x16x125xi32, #tpu.memory_space<hbm>>
          %dma_wait3A_68 = tpu.memref_squeeze %dma_wait3A_67 : memref<1x1x16x125xi32, #tpu.memory_space<hbm>> -> memref<16x125xi32, #tpu.memory_space<hbm>>
          tpu.wait_dma2 semaphore(%run_scoped3A_57 : memref<!tpu.dma_semaphore, #tpu.memory_space<semaphore_mem>>) src(%dma_wait3A_68 : memref<16x125xi32, #tpu.memory_space<hbm>>) dst(%arg7 : memref<16x125xi32, #tpu.memory_space<vmem>>)
          tpu.yield
        }) : () -> ()
        %mul3A_23 = arith.constant 16 : i32
        %mul3A_24 = arith.muli %scan3A_19, %mul3A_23 : i32
        %run_scoped3A_25 = arith.constant 0 : i32
        "tpu.region"() ({
          %run_scoped3A_57 = tpu.sem_alloc : memref<!tpu.dma_semaphore, #tpu.memory_space<semaphore_mem>>
          %dma_start3A_58 = arith.constant 0 : i32
          %dma_start3A_59 = tpu.memref_slice %arg4[%run_scoped3A_25, %arg1, %mul3A_24, %dma_start3A_58] : memref<2x16x80x125xi32, #tpu.memory_space<hbm>> -> memref<1x1x16x125xi32, #tpu.memory_space<hbm>>
          %dma_start3A_60 = tpu.memref_squeeze %dma_start3A_59 : memref<1x1x16x125xi32, #tpu.memory_space<hbm>> -> memref<16x125xi32, #tpu.memory_space<hbm>>
          %dma_start3A_61 = arith.constant 0 : i32
          %dma_start3A_62 = tpu.memref_slice %arg4[%run_scoped3A_25, %arg1, %mul3A_24, %dma_start3A_61] : memref<2x16x80x125xi32, #tpu.memory_space<hbm>> -> memref<1x1x16x125xi32, #tpu.memory_space<hbm>>
          %dma_start3A_63 = tpu.memref_squeeze %dma_start3A_62 : memref<1x1x16x125xi32, #tpu.memory_space<hbm>> -> memref<16x125xi32, #tpu.memory_space<hbm>>
          tpu.enqueue_dma source(%dma_start3A_63 : memref<16x125xi32, #tpu.memory_space<hbm>>) target(%arg8 : memref<16x125xi32, #tpu.memory_space<vmem>>) target_semaphore(%run_scoped3A_57 : memref<!tpu.dma_semaphore, #tpu.memory_space<semaphore_mem>>)
          %dma_wait3A = arith.constant 0 : i32
          %dma_wait3A_64 = tpu.memref_slice %arg4[%run_scoped3A_25, %arg1, %mul3A_24, %dma_wait3A] : memref<2x16x80x125xi32, #tpu.memory_space<hbm>> -> memref<1x1x16x125xi32, #tpu.memory_space<hbm>>
          %dma_wait3A_65 = tpu.memref_squeeze %dma_wait3A_64 : memref<1x1x16x125xi32, #tpu.memory_space<hbm>> -> memref<16x125xi32, #tpu.memory_space<hbm>>
          %dma_wait3A_66 = arith.constant 0 : i32
          %dma_wait3A_67 = tpu.memref_slice %arg4[%run_scoped3A_25, %arg1, %mul3A_24, %dma_wait3A_66] : memref<2x16x80x125xi32, #tpu.memory_space<hbm>> -> memref<1x1x16x125xi32, #tpu.memory_space<hbm>>
          %dma_wait3A_68 = tpu.memref_squeeze %dma_wait3A_67 : memref<1x1x16x125xi32, #tpu.memory_space<hbm>> -> memref<16x125xi32, #tpu.memory_space<hbm>>
          tpu.wait_dma2 semaphore(%run_scoped3A_57 : memref<!tpu.dma_semaphore, #tpu.memory_space<semaphore_mem>>) src(%dma_wait3A_68 : memref<16x125xi32, #tpu.memory_space<hbm>>) dst(%arg8 : memref<16x125xi32, #tpu.memory_space<vmem>>)
          tpu.yield
        }) : () -> ()
        %dma_start3A = arith.constant 0 : i32
        %dma_start3A_26 = arith.constant 0 : i32
        %dma_start3A_27 = arith.constant 0 : i32
        %dma_start3A_28 = arith.constant 0 : i32
        %dma_start3A_29 = tpu.memref_slice %arg9[%dma_start3A_26, %dma_start3A_27, %dma_start3A_28] : memref<2x125x128xf32, #tpu.memory_space<vmem>> -> memref<1x125x128xf32, #tpu.memory_space<vmem>>
        %dma_start3A_30 = tpu.memref_squeeze %dma_start3A_29 : memref<1x125x128xf32, #tpu.memory_space<vmem>> -> memref<125x128xf32, #tpu.memory_space<vmem>>
        %dma_start3A_31 = arith.constant 0 : i32
        %dma_start3A_32 = tpu.memref_slice %arg7[%dma_start3A, %dma_start3A_31] : memref<16x125xi32, #tpu.memory_space<vmem>> -> memref<1x125xi32, #tpu.memory_space<vmem>>
        %dma_start3A_33 = tpu.memref_squeeze %dma_start3A_32 : memref<1x125xi32, #tpu.memory_space<vmem>> -> memref<125xi32, #tpu.memory_space<vmem>>
        %dma_start3A_34 = arith.constant 0 : i32
        %dma_start3A_35 = arith.constant 0 : i32
        %dma_start3A_36 = tpu.memref_slice %arg2[%dma_start3A_34, %dma_start3A_35] : memref<10000x128xf32, #tpu.memory_space<hbm>> -> memref<10000x128xf32, #tpu.memory_space<hbm>>
        tpu.enqueue_indirect_dma source(%dma_start3A_36 : memref<10000x128xf32, #tpu.memory_space<hbm>>) target(%dma_start3A_30 : memref<125x128xf32, #tpu.memory_space<vmem>>) offsets(%dma_start3A_33 : memref<125xi32, #tpu.memory_space<vmem>>) semaphore(%arg11 : memref<!tpu.dma_semaphore, #tpu.memory_space<semaphore_mem>>)
        %dma_start3A_37 = arith.constant 1 : i32
        %dma_start3A_38 = arith.constant 1 : i32
        %dma_start3A_39 = arith.constant 0 : i32
        %dma_start3A_40 = arith.constant 0 : i32
        %dma_start3A_41 = tpu.memref_slice %arg9[%dma_start3A_38, %dma_start3A_39, %dma_start3A_40] : memref<2x125x128xf32, #tpu.memory_space<vmem>> -> memref<1x125x128xf32, #tpu.memory_space<vmem>>
        %dma_start3A_42 = tpu.memref_squeeze %dma_start3A_41 : memref<1x125x128xf32, #tpu.memory_space<vmem>> -> memref<125x128xf32, #tpu.memory_space<vmem>>
        %dma_start3A_43 = arith.constant 0 : i32
        %dma_start3A_44 = tpu.memref_slice %arg7[%dma_start3A_37, %dma_start3A_43] : memref<16x125xi32, #tpu.memory_space<vmem>> -> memref<1x125xi32, #tpu.memory_space<vmem>>
        %dma_start3A_45 = tpu.memref_squeeze %dma_start3A_44 : memref<1x125xi32, #tpu.memory_space<vmem>> -> memref<125xi32, #tpu.memory_space<vmem>>
        %dma_start3A_46 = arith.constant 0 : i32
        %dma_start3A_47 = arith.constant 0 : i32
        %dma_start3A_48 = tpu.memref_slice %arg2[%dma_start3A_46, %dma_start3A_47] : memref<10000x128xf32, #tpu.memory_space<hbm>> -> memref<10000x128xf32, #tpu.memory_space<hbm>>
        tpu.enqueue_indirect_dma source(%dma_start3A_48 : memref<10000x128xf32, #tpu.memory_space<hbm>>) target(%dma_start3A_42 : memref<125x128xf32, #tpu.memory_space<vmem>>) offsets(%dma_start3A_45 : memref<125xi32, #tpu.memory_space<vmem>>) semaphore(%arg12 : memref<!tpu.dma_semaphore, #tpu.memory_space<semaphore_mem>>)
        %scan3A_49 = arith.constant 0 : i32
        %scan3A_50 = arith.constant 0 : i32
        %scan3A_51 = arith.constant 8 : i32
        %scan3A_52 = arith.addi %scan3A_50, %scan3A_51 : i32
        %scan3A_53 = arith.constant 1 : i32
        %scan3A_54 = scf.for %scan3A_57 = %scan3A_50 to %scan3A_52 step %scan3A_53 iter_args(%scan3A_58 = %scan3A_49) -> (i32)  : i32 {
          %mul3A_59 = arith.constant 2 : i32
          %mul3A_60 = arith.muli %scan3A_57, %mul3A_59 : i32
          %add3A = arith.constant 0 : i32
          %add3A_61 = arith.addi %mul3A_60, %add3A : i32
          %dma_wait3A = arith.constant 0 : i32
          %dma_wait3A_62 = arith.constant 0 : i32
          %dma_wait3A_63 = arith.constant 0 : i32
          %dma_wait3A_64 = tpu.memref_slice %arg9[%dma_wait3A, %dma_wait3A_62, %dma_wait3A_63] : memref<2x125x128xf32, #tpu.memory_space<vmem>> -> memref<1x125x128xf32, #tpu.memory_space<vmem>>
          %dma_wait3A_65 = tpu.memref_squeeze %dma_wait3A_64 : memref<1x125x128xf32, #tpu.memory_space<vmem>> -> memref<125x128xf32, #tpu.memory_space<vmem>>
          %dma_wait3A_66 = arith.constant 0 : i32
          %dma_wait3A_67 = tpu.memref_slice %arg7[%add3A_61, %dma_wait3A_66] : memref<16x125xi32, #tpu.memory_space<vmem>> -> memref<1x125xi32, #tpu.memory_space<vmem>>
          %dma_wait3A_68 = tpu.memref_squeeze %dma_wait3A_67 : memref<1x125xi32, #tpu.memory_space<vmem>> -> memref<125xi32, #tpu.memory_space<vmem>>
          %dma_wait3A_69 = arith.constant 0 : i32
          %dma_wait3A_70 = arith.constant 0 : i32
          %dma_wait3A_71 = tpu.memref_slice %arg2[%dma_wait3A_69, %dma_wait3A_70] : memref<10000x128xf32, #tpu.memory_space<hbm>> -> memref<10000x128xf32, #tpu.memory_space<hbm>>
          tpu.wait_indirect_dma semaphore(%arg11 : memref<!tpu.dma_semaphore, #tpu.memory_space<semaphore_mem>>) src(%dma_wait3A_71 : memref<10000x128xf32, #tpu.memory_space<hbm>>) dst(%dma_wait3A_65 : memref<125x128xf32, #tpu.memory_space<vmem>>)
          %run_scoped3A_72 = arith.constant 0 : i32
          "tpu.region"() ({
            %run_scoped3A_101 = tpu.sem_alloc : memref<!tpu.dma_semaphore, #tpu.memory_space<semaphore_mem>>
            %dma_start3A_102 = arith.constant 0 : i32
            %dma_start3A_103 = arith.constant 0 : i32
            %dma_start3A_104 = tpu.memref_slice %arg9[%run_scoped3A_72, %dma_start3A_102, %dma_start3A_103] : memref<2x125x128xf32, #tpu.memory_space<vmem>> -> memref<1x125x128xf32, #tpu.memory_space<vmem>>
            %dma_start3A_105 = tpu.memref_squeeze %dma_start3A_104 : memref<1x125x128xf32, #tpu.memory_space<vmem>> -> memref<125x128xf32, #tpu.memory_space<vmem>>
            %dma_start3A_106 = arith.constant 0 : i32
            %dma_start3A_107 = tpu.memref_slice %arg8[%add3A_61, %dma_start3A_106] : memref<16x125xi32, #tpu.memory_space<vmem>> -> memref<1x125xi32, #tpu.memory_space<vmem>>
            %dma_start3A_108 = tpu.memref_squeeze %dma_start3A_107 : memref<1x125xi32, #tpu.memory_space<vmem>> -> memref<125xi32, #tpu.memory_space<vmem>>
            %dma_start3A_109 = arith.constant 0 : i32
            %dma_start3A_110 = arith.constant 0 : i32
            %dma_start3A_111 = tpu.memref_slice %arg10[%dma_start3A_109, %dma_start3A_110] : memref<10240x128xf32, #tpu.memory_space<vmem_shared>> -> memref<10240x128xf32, #tpu.memory_space<vmem_shared>>
            tpu.enqueue_indirect_dma source(%dma_start3A_105 : memref<125x128xf32, #tpu.memory_space<vmem>>) target(%dma_start3A_111 : memref<10240x128xf32, #tpu.memory_space<vmem_shared>>) offsets(%dma_start3A_108 : memref<125xi32, #tpu.memory_space<vmem>>) semaphore(%run_scoped3A_101 : memref<!tpu.dma_semaphore, #tpu.memory_space<semaphore_mem>>) {add = true}
            %dma_wait3A_112 = arith.constant 0 : i32
            %dma_wait3A_113 = arith.constant 0 : i32
            %dma_wait3A_114 = tpu.memref_slice %arg9[%run_scoped3A_72, %dma_wait3A_112, %dma_wait3A_113] : memref<2x125x128xf32, #tpu.memory_space<vmem>> -> memref<1x125x128xf32, #tpu.memory_space<vmem>>
            %dma_wait3A_115 = tpu.memref_squeeze %dma_wait3A_114 : memref<1x125x128xf32, #tpu.memory_space<vmem>> -> memref<125x128xf32, #tpu.memory_space<vmem>>
            %dma_wait3A_116 = arith.constant 0 : i32
            %dma_wait3A_117 = tpu.memref_slice %arg8[%add3A_61, %dma_wait3A_116] : memref<16x125xi32, #tpu.memory_space<vmem>> -> memref<1x125xi32, #tpu.memory_space<vmem>>
            %dma_wait3A_118 = tpu.memref_squeeze %dma_wait3A_117 : memref<1x125xi32, #tpu.memory_space<vmem>> -> memref<125xi32, #tpu.memory_space<vmem>>
            %dma_wait3A_119 = arith.constant 0 : i32
            %dma_wait3A_120 = arith.constant 0 : i32
            %dma_wait3A_121 = tpu.memref_slice %arg10[%dma_wait3A_119, %dma_wait3A_120] : memref<10240x128xf32, #tpu.memory_space<vmem_shared>> -> memref<10240x128xf32, #tpu.memory_space<vmem_shared>>
            tpu.wait_indirect_dma semaphore(%run_scoped3A_101 : memref<!tpu.dma_semaphore, #tpu.memory_space<semaphore_mem>>) src(%dma_wait3A_115 : memref<125x128xf32, #tpu.memory_space<vmem>>) dst(%dma_wait3A_121 : memref<10240x128xf32, #tpu.memory_space<vmem_shared>>)
            tpu.yield
          }) : () -> ()
          %add3A_73 = arith.constant 2 : i32
          %add3A_74 = arith.addi %add3A_61, %add3A_73 : i32
          %lt3A = arith.constant 16 : i32
          %lt3A_75 = arith.cmpi slt, %add3A_74, %lt3A : i32
          %convert_element_type3A_76 = arith.extui %lt3A_75 : i1 to i32
          %cond3A_77 = arith.constant 0 : i32
          %cond3A_78 = arith.cmpi ne, %convert_element_type3A_76, %cond3A_77 : i32
          scf.if %cond3A_78 {
            %add3A_101 = arith.constant 2 : i32
            %add3A_102 = arith.addi %add3A_61, %add3A_101 : i32
            %dma_start3A_103 = arith.constant 0 : i32
            %dma_start3A_104 = arith.constant 0 : i32
            %dma_start3A_105 = arith.constant 0 : i32
            %dma_start3A_106 = tpu.memref_slice %arg9[%dma_start3A_103, %dma_start3A_104, %dma_start3A_105] : memref<2x125x128xf32, #tpu.memory_space<vmem>> -> memref<1x125x128xf32, #tpu.memory_space<vmem>>
            %dma_start3A_107 = tpu.memref_squeeze %dma_start3A_106 : memref<1x125x128xf32, #tpu.memory_space<vmem>> -> memref<125x128xf32, #tpu.memory_space<vmem>>
            %dma_start3A_108 = arith.constant 0 : i32
            %dma_start3A_109 = tpu.memref_slice %arg7[%add3A_102, %dma_start3A_108] : memref<16x125xi32, #tpu.memory_space<vmem>> -> memref<1x125xi32, #tpu.memory_space<vmem>>
            %dma_start3A_110 = tpu.memref_squeeze %dma_start3A_109 : memref<1x125xi32, #tpu.memory_space<vmem>> -> memref<125xi32, #tpu.memory_space<vmem>>
            %dma_start3A_111 = arith.constant 0 : i32
            %dma_start3A_112 = arith.constant 0 : i32
            %dma_start3A_113 = tpu.memref_slice %arg2[%dma_start3A_111, %dma_start3A_112] : memref<10000x128xf32, #tpu.memory_space<hbm>> -> memref<10000x128xf32, #tpu.memory_space<hbm>>
            tpu.enqueue_indirect_dma source(%dma_start3A_113 : memref<10000x128xf32, #tpu.memory_space<hbm>>) target(%dma_start3A_107 : memref<125x128xf32, #tpu.memory_space<vmem>>) offsets(%dma_start3A_110 : memref<125xi32, #tpu.memory_space<vmem>>) semaphore(%arg11 : memref<!tpu.dma_semaphore, #tpu.memory_space<semaphore_mem>>)
          } else {
          }
          %add3A_79 = arith.constant 1 : i32
          %add3A_80 = arith.addi %mul3A_60, %add3A_79 : i32
          %dma_wait3A_81 = arith.constant 1 : i32
          %dma_wait3A_82 = arith.constant 0 : i32
          %dma_wait3A_83 = arith.constant 0 : i32
          %dma_wait3A_84 = tpu.memref_slice %arg9[%dma_wait3A_81, %dma_wait3A_82, %dma_wait3A_83] : memref<2x125x128xf32, #tpu.memory_space<vmem>> -> memref<1x125x128xf32, #tpu.memory_space<vmem>>
          %dma_wait3A_85 = tpu.memref_squeeze %dma_wait3A_84 : memref<1x125x128xf32, #tpu.memory_space<vmem>> -> memref<125x128xf32, #tpu.memory_space<vmem>>
          %dma_wait3A_86 = arith.constant 0 : i32
          %dma_wait3A_87 = tpu.memref_slice %arg7[%add3A_80, %dma_wait3A_86] : memref<16x125xi32, #tpu.memory_space<vmem>> -> memref<1x125xi32, #tpu.memory_space<vmem>>
          %dma_wait3A_88 = tpu.memref_squeeze %dma_wait3A_87 : memref<1x125xi32, #tpu.memory_space<vmem>> -> memref<125xi32, #tpu.memory_space<vmem>>
          %dma_wait3A_89 = arith.constant 0 : i32
          %dma_wait3A_90 = arith.constant 0 : i32
          %dma_wait3A_91 = tpu.memref_slice %arg2[%dma_wait3A_89, %dma_wait3A_90] : memref<10000x128xf32, #tpu.memory_space<hbm>> -> memref<10000x128xf32, #tpu.memory_space<hbm>>
          tpu.wait_indirect_dma semaphore(%arg12 : memref<!tpu.dma_semaphore, #tpu.memory_space<semaphore_mem>>) src(%dma_wait3A_91 : memref<10000x128xf32, #tpu.memory_space<hbm>>) dst(%dma_wait3A_85 : memref<125x128xf32, #tpu.memory_space<vmem>>)
          %run_scoped3A_92 = arith.constant 1 : i32
          "tpu.region"() ({
            %run_scoped3A_101 = tpu.sem_alloc : memref<!tpu.dma_semaphore, #tpu.memory_space<semaphore_mem>>
            %dma_start3A_102 = arith.constant 0 : i32
            %dma_start3A_103 = arith.constant 0 : i32
            %dma_start3A_104 = tpu.memref_slice %arg9[%run_scoped3A_92, %dma_start3A_102, %dma_start3A_103] : memref<2x125x128xf32, #tpu.memory_space<vmem>> -> memref<1x125x128xf32, #tpu.memory_space<vmem>>
            %dma_start3A_105 = tpu.memref_squeeze %dma_start3A_104 : memref<1x125x128xf32, #tpu.memory_space<vmem>> -> memref<125x128xf32, #tpu.memory_space<vmem>>
            %dma_start3A_106 = arith.constant 0 : i32
            %dma_start3A_107 = tpu.memref_slice %arg8[%add3A_80, %dma_start3A_106] : memref<16x125xi32, #tpu.memory_space<vmem>> -> memref<1x125xi32, #tpu.memory_space<vmem>>
            %dma_start3A_108 = tpu.memref_squeeze %dma_start3A_107 : memref<1x125xi32, #tpu.memory_space<vmem>> -> memref<125xi32, #tpu.memory_space<vmem>>
            %dma_start3A_109 = arith.constant 0 : i32
            %dma_start3A_110 = arith.constant 0 : i32
            %dma_start3A_111 = tpu.memref_slice %arg10[%dma_start3A_109, %dma_start3A_110] : memref<10240x128xf32, #tpu.memory_space<vmem_shared>> -> memref<10240x128xf32, #tpu.memory_space<vmem_shared>>
            tpu.enqueue_indirect_dma source(%dma_start3A_105 : memref<125x128xf32, #tpu.memory_space<vmem>>) target(%dma_start3A_111 : memref<10240x128xf32, #tpu.memory_space<vmem_shared>>) offsets(%dma_start3A_108 : memref<125xi32, #tpu.memory_space<vmem>>) semaphore(%run_scoped3A_101 : memref<!tpu.dma_semaphore, #tpu.memory_space<semaphore_mem>>) {add = true}
            %dma_wait3A_112 = arith.constant 0 : i32
            %dma_wait3A_113 = arith.constant 0 : i32
            %dma_wait3A_114 = tpu.memref_slice %arg9[%run_scoped3A_92, %dma_wait3A_112, %dma_wait3A_113] : memref<2x125x128xf32, #tpu.memory_space<vmem>> -> memref<1x125x128xf32, #tpu.memory_space<vmem>>
            %dma_wait3A_115 = tpu.memref_squeeze %dma_wait3A_114 : memref<1x125x128xf32, #tpu.memory_space<vmem>> -> memref<125x128xf32, #tpu.memory_space<vmem>>
            %dma_wait3A_116 = arith.constant 0 : i32
            %dma_wait3A_117 = tpu.memref_slice %arg8[%add3A_80, %dma_wait3A_116] : memref<16x125xi32, #tpu.memory_space<vmem>> -> memref<1x125xi32, #tpu.memory_space<vmem>>
            %dma_wait3A_118 = tpu.memref_squeeze %dma_wait3A_117 : memref<1x125xi32, #tpu.memory_space<vmem>> -> memref<125xi32, #tpu.memory_space<vmem>>
            %dma_wait3A_119 = arith.constant 0 : i32
            %dma_wait3A_120 = arith.constant 0 : i32
            %dma_wait3A_121 = tpu.memref_slice %arg10[%dma_wait3A_119, %dma_wait3A_120] : memref<10240x128xf32, #tpu.memory_space<vmem_shared>> -> memref<10240x128xf32, #tpu.memory_space<vmem_shared>>
            tpu.wait_indirect_dma semaphore(%run_scoped3A_101 : memref<!tpu.dma_semaphore, #tpu.memory_space<semaphore_mem>>) src(%dma_wait3A_115 : memref<125x128xf32, #tpu.memory_space<vmem>>) dst(%dma_wait3A_121 : memref<10240x128xf32, #tpu.memory_space<vmem_shared>>)
            tpu.yield
          }) : () -> ()
          %add3A_93 = arith.constant 2 : i32
          %add3A_94 = arith.addi %add3A_80, %add3A_93 : i32
          %lt3A_95 = arith.constant 16 : i32
          %lt3A_96 = arith.cmpi slt, %add3A_94, %lt3A_95 : i32
          %convert_element_type3A_97 = arith.extui %lt3A_96 : i1 to i32
          %cond3A_98 = arith.constant 0 : i32
          %cond3A_99 = arith.cmpi ne, %convert_element_type3A_97, %cond3A_98 : i32
          scf.if %cond3A_99 {
            %add3A_101 = arith.constant 2 : i32
            %add3A_102 = arith.addi %add3A_80, %add3A_101 : i32
            %dma_start3A_103 = arith.constant 1 : i32
            %dma_start3A_104 = arith.constant 0 : i32
            %dma_start3A_105 = arith.constant 0 : i32
            %dma_start3A_106 = tpu.memref_slice %arg9[%dma_start3A_103, %dma_start3A_104, %dma_start3A_105] : memref<2x125x128xf32, #tpu.memory_space<vmem>> -> memref<1x125x128xf32, #tpu.memory_space<vmem>>
            %dma_start3A_107 = tpu.memref_squeeze %dma_start3A_106 : memref<1x125x128xf32, #tpu.memory_space<vmem>> -> memref<125x128xf32, #tpu.memory_space<vmem>>
            %dma_start3A_108 = arith.constant 0 : i32
            %dma_start3A_109 = tpu.memref_slice %arg7[%add3A_102, %dma_start3A_108] : memref<16x125xi32, #tpu.memory_space<vmem>> -> memref<1x125xi32, #tpu.memory_space<vmem>>
            %dma_start3A_110 = tpu.memref_squeeze %dma_start3A_109 : memref<1x125xi32, #tpu.memory_space<vmem>> -> memref<125xi32, #tpu.memory_space<vmem>>
            %dma_start3A_111 = arith.constant 0 : i32
            %dma_start3A_112 = arith.constant 0 : i32
            %dma_start3A_113 = tpu.memref_slice %arg2[%dma_start3A_111, %dma_start3A_112] : memref<10000x128xf32, #tpu.memory_space<hbm>> -> memref<10000x128xf32, #tpu.memory_space<hbm>>
            tpu.enqueue_indirect_dma source(%dma_start3A_113 : memref<10000x128xf32, #tpu.memory_space<hbm>>) target(%dma_start3A_107 : memref<125x128xf32, #tpu.memory_space<vmem>>) offsets(%dma_start3A_110 : memref<125xi32, #tpu.memory_space<vmem>>) semaphore(%arg12 : memref<!tpu.dma_semaphore, #tpu.memory_space<semaphore_mem>>)
          } else {
          }
          %scan3A_100 = arith.constant 0 : i32
          scf.yield %scan3A_100 : i32
        }
        %scan3A_55 = arith.constant 8 : i32
        %scan3A_56 = arith.constant 0 : i32
        scf.yield %scan3A_56 : i32
      }
      %scan3A_18 = arith.constant 5 : i32
    } else {
    }
    %eq3A_3 = arith.constant 1 : i32
    %eq3A_4 = arith.cmpi eq, %arg0, %eq3A_3 : i32
    %convert_element_type3A_5 = arith.extui %eq3A_4 : i1 to i32
    %cond3A_6 = arith.constant 0 : i32
    %cond3A_7 = arith.cmpi ne, %convert_element_type3A_5, %cond3A_6 : i32
    scf.if %cond3A_7 {
      %scan3A = arith.constant 0 : i32
      %scan3A_13 = arith.constant 0 : i32
      %scan3A_14 = arith.constant 5 : i32
      %scan3A_15 = arith.addi %scan3A_13, %scan3A_14 : i32
      %scan3A_16 = arith.constant 1 : i32
      %scan3A_17 = scf.for %scan3A_19 = %scan3A_13 to %scan3A_15 step %scan3A_16 iter_args(%scan3A_20 = %scan3A) -> (i32)  : i32 {
        %mul3A_21 = arith.constant 16 : i32
        %mul3A_22 = arith.muli %scan3A_19, %mul3A_21 : i32
        %run_scoped3A = arith.constant 1 : i32
        "tpu.region"() ({
          %run_scoped3A_57 = tpu.sem_alloc : memref<!tpu.dma_semaphore, #tpu.memory_space<semaphore_mem>>
          %dma_start3A_58 = arith.constant 0 : i32
          %dma_start3A_59 = tpu.memref_slice %arg4[%run_scoped3A, %arg1, %mul3A_22, %dma_start3A_58] : memref<2x16x80x125xi32, #tpu.memory_space<hbm>> -> memref<1x1x16x125xi32, #tpu.memory_space<hbm>>
          %dma_start3A_60 = tpu.memref_squeeze %dma_start3A_59 : memref<1x1x16x125xi32, #tpu.memory_space<hbm>> -> memref<16x125xi32, #tpu.memory_space<hbm>>
          %dma_start3A_61 = arith.constant 0 : i32
          %dma_start3A_62 = tpu.memref_slice %arg4[%run_scoped3A, %arg1, %mul3A_22, %dma_start3A_61] : memref<2x16x80x125xi32, #tpu.memory_space<hbm>> -> memref<1x1x16x125xi32, #tpu.memory_space<hbm>>
          %dma_start3A_63 = tpu.memref_squeeze %dma_start3A_62 : memref<1x1x16x125xi32, #tpu.memory_space<hbm>> -> memref<16x125xi32, #tpu.memory_space<hbm>>
          tpu.enqueue_dma source(%dma_start3A_63 : memref<16x125xi32, #tpu.memory_space<hbm>>) target(%arg7 : memref<16x125xi32, #tpu.memory_space<vmem>>) target_semaphore(%run_scoped3A_57 : memref<!tpu.dma_semaphore, #tpu.memory_space<semaphore_mem>>)
          %dma_wait3A = arith.constant 0 : i32
          %dma_wait3A_64 = tpu.memref_slice %arg4[%run_scoped3A, %arg1, %mul3A_22, %dma_wait3A] : memref<2x16x80x125xi32, #tpu.memory_space<hbm>> -> memref<1x1x16x125xi32, #tpu.memory_space<hbm>>
          %dma_wait3A_65 = tpu.memref_squeeze %dma_wait3A_64 : memref<1x1x16x125xi32, #tpu.memory_space<hbm>> -> memref<16x125xi32, #tpu.memory_space<hbm>>
          %dma_wait3A_66 = arith.constant 0 : i32
          %dma_wait3A_67 = tpu.memref_slice %arg4[%run_scoped3A, %arg1, %mul3A_22, %dma_wait3A_66] : memref<2x16x80x125xi32, #tpu.memory_space<hbm>> -> memref<1x1x16x125xi32, #tpu.memory_space<hbm>>
          %dma_wait3A_68 = tpu.memref_squeeze %dma_wait3A_67 : memref<1x1x16x125xi32, #tpu.memory_space<hbm>> -> memref<16x125xi32, #tpu.memory_space<hbm>>
          tpu.wait_dma2 semaphore(%run_scoped3A_57 : memref<!tpu.dma_semaphore, #tpu.memory_space<semaphore_mem>>) src(%dma_wait3A_68 : memref<16x125xi32, #tpu.memory_space<hbm>>) dst(%arg7 : memref<16x125xi32, #tpu.memory_space<vmem>>)
          tpu.yield
        }) : () -> ()
        %mul3A_23 = arith.constant 16 : i32
        %mul3A_24 = arith.muli %scan3A_19, %mul3A_23 : i32
        %run_scoped3A_25 = arith.constant 0 : i32
        "tpu.region"() ({
          %run_scoped3A_57 = tpu.sem_alloc : memref<!tpu.dma_semaphore, #tpu.memory_space<semaphore_mem>>
          %dma_start3A_58 = arith.constant 0 : i32
          %dma_start3A_59 = tpu.memref_slice %arg4[%run_scoped3A_25, %arg1, %mul3A_24, %dma_start3A_58] : memref<2x16x80x125xi32, #tpu.memory_space<hbm>> -> memref<1x1x16x125xi32, #tpu.memory_space<hbm>>
          %dma_start3A_60 = tpu.memref_squeeze %dma_start3A_59 : memref<1x1x16x125xi32, #tpu.memory_space<hbm>> -> memref<16x125xi32, #tpu.memory_space<hbm>>
          %dma_start3A_61 = arith.constant 0 : i32
          %dma_start3A_62 = tpu.memref_slice %arg4[%run_scoped3A_25, %arg1, %mul3A_24, %dma_start3A_61] : memref<2x16x80x125xi32, #tpu.memory_space<hbm>> -> memref<1x1x16x125xi32, #tpu.memory_space<hbm>>
          %dma_start3A_63 = tpu.memref_squeeze %dma_start3A_62 : memref<1x1x16x125xi32, #tpu.memory_space<hbm>> -> memref<16x125xi32, #tpu.memory_space<hbm>>
          tpu.enqueue_dma source(%dma_start3A_63 : memref<16x125xi32, #tpu.memory_space<hbm>>) target(%arg8 : memref<16x125xi32, #tpu.memory_space<vmem>>) target_semaphore(%run_scoped3A_57 : memref<!tpu.dma_semaphore, #tpu.memory_space<semaphore_mem>>)
          %dma_wait3A = arith.constant 0 : i32
          %dma_wait3A_64 = tpu.memref_slice %arg4[%run_scoped3A_25, %arg1, %mul3A_24, %dma_wait3A] : memref<2x16x80x125xi32, #tpu.memory_space<hbm>> -> memref<1x1x16x125xi32, #tpu.memory_space<hbm>>
          %dma_wait3A_65 = tpu.memref_squeeze %dma_wait3A_64 : memref<1x1x16x125xi32, #tpu.memory_space<hbm>> -> memref<16x125xi32, #tpu.memory_space<hbm>>
          %dma_wait3A_66 = arith.constant 0 : i32
          %dma_wait3A_67 = tpu.memref_slice %arg4[%run_scoped3A_25, %arg1, %mul3A_24, %dma_wait3A_66] : memref<2x16x80x125xi32, #tpu.memory_space<hbm>> -> memref<1x1x16x125xi32, #tpu.memory_space<hbm>>
          %dma_wait3A_68 = tpu.memref_squeeze %dma_wait3A_67 : memref<1x1x16x125xi32, #tpu.memory_space<hbm>> -> memref<16x125xi32, #tpu.memory_space<hbm>>
          tpu.wait_dma2 semaphore(%run_scoped3A_57 : memref<!tpu.dma_semaphore, #tpu.memory_space<semaphore_mem>>) src(%dma_wait3A_68 : memref<16x125xi32, #tpu.memory_space<hbm>>) dst(%arg8 : memref<16x125xi32, #tpu.memory_space<vmem>>)
          tpu.yield
        }) : () -> ()
        %dma_start3A = arith.constant 0 : i32
        %dma_start3A_26 = arith.constant 0 : i32
        %dma_start3A_27 = arith.constant 0 : i32
        %dma_start3A_28 = arith.constant 0 : i32
        %dma_start3A_29 = tpu.memref_slice %arg9[%dma_start3A_26, %dma_start3A_27, %dma_start3A_28] : memref<2x125x128xf32, #tpu.memory_space<vmem>> -> memref<1x125x128xf32, #tpu.memory_space<vmem>>
        %dma_start3A_30 = tpu.memref_squeeze %dma_start3A_29 : memref<1x125x128xf32, #tpu.memory_space<vmem>> -> memref<125x128xf32, #tpu.memory_space<vmem>>
        %dma_start3A_31 = arith.constant 0 : i32
        %dma_start3A_32 = tpu.memref_slice %arg7[%dma_start3A, %dma_start3A_31] : memref<16x125xi32, #tpu.memory_space<vmem>> -> memref<1x125xi32, #tpu.memory_space<vmem>>
        %dma_start3A_33 = tpu.memref_squeeze %dma_start3A_32 : memref<1x125xi32, #tpu.memory_space<vmem>> -> memref<125xi32, #tpu.memory_space<vmem>>
        %dma_start3A_34 = arith.constant 0 : i32
        %dma_start3A_35 = arith.constant 0 : i32
        %dma_start3A_36 = tpu.memref_slice %arg3[%dma_start3A_34, %dma_start3A_35] : memref<10000x128xf32, #tpu.memory_space<hbm>> -> memref<10000x128xf32, #tpu.memory_space<hbm>>
        tpu.enqueue_indirect_dma source(%dma_start3A_36 : memref<10000x128xf32, #tpu.memory_space<hbm>>) target(%dma_start3A_30 : memref<125x128xf32, #tpu.memory_space<vmem>>) offsets(%dma_start3A_33 : memref<125xi32, #tpu.memory_space<vmem>>) semaphore(%arg11 : memref<!tpu.dma_semaphore, #tpu.memory_space<semaphore_mem>>)
        %dma_start3A_37 = arith.constant 1 : i32
        %dma_start3A_38 = arith.constant 1 : i32
        %dma_start3A_39 = arith.constant 0 : i32
        %dma_start3A_40 = arith.constant 0 : i32
        %dma_start3A_41 = tpu.memref_slice %arg9[%dma_start3A_38, %dma_start3A_39, %dma_start3A_40] : memref<2x125x128xf32, #tpu.memory_space<vmem>> -> memref<1x125x128xf32, #tpu.memory_space<vmem>>
        %dma_start3A_42 = tpu.memref_squeeze %dma_start3A_41 : memref<1x125x128xf32, #tpu.memory_space<vmem>> -> memref<125x128xf32, #tpu.memory_space<vmem>>
        %dma_start3A_43 = arith.constant 0 : i32
        %dma_start3A_44 = tpu.memref_slice %arg7[%dma_start3A_37, %dma_start3A_43] : memref<16x125xi32, #tpu.memory_space<vmem>> -> memref<1x125xi32, #tpu.memory_space<vmem>>
        %dma_start3A_45 = tpu.memref_squeeze %dma_start3A_44 : memref<1x125xi32, #tpu.memory_space<vmem>> -> memref<125xi32, #tpu.memory_space<vmem>>
        %dma_start3A_46 = arith.constant 0 : i32
        %dma_start3A_47 = arith.constant 0 : i32
        %dma_start3A_48 = tpu.memref_slice %arg3[%dma_start3A_46, %dma_start3A_47] : memref<10000x128xf32, #tpu.memory_space<hbm>> -> memref<10000x128xf32, #tpu.memory_space<hbm>>
        tpu.enqueue_indirect_dma source(%dma_start3A_48 : memref<10000x128xf32, #tpu.memory_space<hbm>>) target(%dma_start3A_42 : memref<125x128xf32, #tpu.memory_space<vmem>>) offsets(%dma_start3A_45 : memref<125xi32, #tpu.memory_space<vmem>>) semaphore(%arg12 : memref<!tpu.dma_semaphore, #tpu.memory_space<semaphore_mem>>)
        %scan3A_49 = arith.constant 0 : i32
        %scan3A_50 = arith.constant 0 : i32
        %scan3A_51 = arith.constant 8 : i32
        %scan3A_52 = arith.addi %scan3A_50, %scan3A_51 : i32
        %scan3A_53 = arith.constant 1 : i32
        %scan3A_54 = scf.for %scan3A_57 = %scan3A_50 to %scan3A_52 step %scan3A_53 iter_args(%scan3A_58 = %scan3A_49) -> (i32)  : i32 {
          %mul3A_59 = arith.constant 2 : i32
          %mul3A_60 = arith.muli %scan3A_57, %mul3A_59 : i32
          %add3A = arith.constant 0 : i32
          %add3A_61 = arith.addi %mul3A_60, %add3A : i32
          %dma_wait3A = arith.constant 0 : i32
          %dma_wait3A_62 = arith.constant 0 : i32
          %dma_wait3A_63 = arith.constant 0 : i32
          %dma_wait3A_64 = tpu.memref_slice %arg9[%dma_wait3A, %dma_wait3A_62, %dma_wait3A_63] : memref<2x125x128xf32, #tpu.memory_space<vmem>> -> memref<1x125x128xf32, #tpu.memory_space<vmem>>
          %dma_wait3A_65 = tpu.memref_squeeze %dma_wait3A_64 : memref<1x125x128xf32, #tpu.memory_space<vmem>> -> memref<125x128xf32, #tpu.memory_space<vmem>>
          %dma_wait3A_66 = arith.constant 0 : i32
          %dma_wait3A_67 = tpu.memref_slice %arg7[%add3A_61, %dma_wait3A_66] : memref<16x125xi32, #tpu.memory_space<vmem>> -> memref<1x125xi32, #tpu.memory_space<vmem>>
          %dma_wait3A_68 = tpu.memref_squeeze %dma_wait3A_67 : memref<1x125xi32, #tpu.memory_space<vmem>> -> memref<125xi32, #tpu.memory_space<vmem>>
          %dma_wait3A_69 = arith.constant 0 : i32
          %dma_wait3A_70 = arith.constant 0 : i32
          %dma_wait3A_71 = tpu.memref_slice %arg3[%dma_wait3A_69, %dma_wait3A_70] : memref<10000x128xf32, #tpu.memory_space<hbm>> -> memref<10000x128xf32, #tpu.memory_space<hbm>>
          tpu.wait_indirect_dma semaphore(%arg11 : memref<!tpu.dma_semaphore, #tpu.memory_space<semaphore_mem>>) src(%dma_wait3A_71 : memref<10000x128xf32, #tpu.memory_space<hbm>>) dst(%dma_wait3A_65 : memref<125x128xf32, #tpu.memory_space<vmem>>)
          %run_scoped3A_72 = arith.constant 0 : i32
          "tpu.region"() ({
            %run_scoped3A_101 = tpu.sem_alloc : memref<!tpu.dma_semaphore, #tpu.memory_space<semaphore_mem>>
            %dma_start3A_102 = arith.constant 0 : i32
            %dma_start3A_103 = arith.constant 0 : i32
            %dma_start3A_104 = tpu.memref_slice %arg9[%run_scoped3A_72, %dma_start3A_102, %dma_start3A_103] : memref<2x125x128xf32, #tpu.memory_space<vmem>> -> memref<1x125x128xf32, #tpu.memory_space<vmem>>
            %dma_start3A_105 = tpu.memref_squeeze %dma_start3A_104 : memref<1x125x128xf32, #tpu.memory_space<vmem>> -> memref<125x128xf32, #tpu.memory_space<vmem>>
            %dma_start3A_106 = arith.constant 0 : i32
            %dma_start3A_107 = tpu.memref_slice %arg8[%add3A_61, %dma_start3A_106] : memref<16x125xi32, #tpu.memory_space<vmem>> -> memref<1x125xi32, #tpu.memory_space<vmem>>
            %dma_start3A_108 = tpu.memref_squeeze %dma_start3A_107 : memref<1x125xi32, #tpu.memory_space<vmem>> -> memref<125xi32, #tpu.memory_space<vmem>>
            %dma_start3A_109 = arith.constant 0 : i32
            %dma_start3A_110 = arith.constant 0 : i32
            %dma_start3A_111 = tpu.memref_slice %arg10[%dma_start3A_109, %dma_start3A_110] : memref<10240x128xf32, #tpu.memory_space<vmem_shared>> -> memref<10240x128xf32, #tpu.memory_space<vmem_shared>>
            tpu.enqueue_indirect_dma source(%dma_start3A_105 : memref<125x128xf32, #tpu.memory_space<vmem>>) target(%dma_start3A_111 : memref<10240x128xf32, #tpu.memory_space<vmem_shared>>) offsets(%dma_start3A_108 : memref<125xi32, #tpu.memory_space<vmem>>) semaphore(%run_scoped3A_101 : memref<!tpu.dma_semaphore, #tpu.memory_space<semaphore_mem>>) {add = true}
            %dma_wait3A_112 = arith.constant 0 : i32
            %dma_wait3A_113 = arith.constant 0 : i32
            %dma_wait3A_114 = tpu.memref_slice %arg9[%run_scoped3A_72, %dma_wait3A_112, %dma_wait3A_113] : memref<2x125x128xf32, #tpu.memory_space<vmem>> -> memref<1x125x128xf32, #tpu.memory_space<vmem>>
            %dma_wait3A_115 = tpu.memref_squeeze %dma_wait3A_114 : memref<1x125x128xf32, #tpu.memory_space<vmem>> -> memref<125x128xf32, #tpu.memory_space<vmem>>
            %dma_wait3A_116 = arith.constant 0 : i32
            %dma_wait3A_117 = tpu.memref_slice %arg8[%add3A_61, %dma_wait3A_116] : memref<16x125xi32, #tpu.memory_space<vmem>> -> memref<1x125xi32, #tpu.memory_space<vmem>>
            %dma_wait3A_118 = tpu.memref_squeeze %dma_wait3A_117 : memref<1x125xi32, #tpu.memory_space<vmem>> -> memref<125xi32, #tpu.memory_space<vmem>>
            %dma_wait3A_119 = arith.constant 0 : i32
            %dma_wait3A_120 = arith.constant 0 : i32
            %dma_wait3A_121 = tpu.memref_slice %arg10[%dma_wait3A_119, %dma_wait3A_120] : memref<10240x128xf32, #tpu.memory_space<vmem_shared>> -> memref<10240x128xf32, #tpu.memory_space<vmem_shared>>
            tpu.wait_indirect_dma semaphore(%run_scoped3A_101 : memref<!tpu.dma_semaphore, #tpu.memory_space<semaphore_mem>>) src(%dma_wait3A_115 : memref<125x128xf32, #tpu.memory_space<vmem>>) dst(%dma_wait3A_121 : memref<10240x128xf32, #tpu.memory_space<vmem_shared>>)
            tpu.yield
          }) : () -> ()
          %add3A_73 = arith.constant 2 : i32
          %add3A_74 = arith.addi %add3A_61, %add3A_73 : i32
          %lt3A = arith.constant 16 : i32
          %lt3A_75 = arith.cmpi slt, %add3A_74, %lt3A : i32
          %convert_element_type3A_76 = arith.extui %lt3A_75 : i1 to i32
          %cond3A_77 = arith.constant 0 : i32
          %cond3A_78 = arith.cmpi ne, %convert_element_type3A_76, %cond3A_77 : i32
          scf.if %cond3A_78 {
            %add3A_101 = arith.constant 2 : i32
            %add3A_102 = arith.addi %add3A_61, %add3A_101 : i32
            %dma_start3A_103 = arith.constant 0 : i32
            %dma_start3A_104 = arith.constant 0 : i32
            %dma_start3A_105 = arith.constant 0 : i32
            %dma_start3A_106 = tpu.memref_slice %arg9[%dma_start3A_103, %dma_start3A_104, %dma_start3A_105] : memref<2x125x128xf32, #tpu.memory_space<vmem>> -> memref<1x125x128xf32, #tpu.memory_space<vmem>>
            %dma_start3A_107 = tpu.memref_squeeze %dma_start3A_106 : memref<1x125x128xf32, #tpu.memory_space<vmem>> -> memref<125x128xf32, #tpu.memory_space<vmem>>
            %dma_start3A_108 = arith.constant 0 : i32
            %dma_start3A_109 = tpu.memref_slice %arg7[%add3A_102, %dma_start3A_108] : memref<16x125xi32, #tpu.memory_space<vmem>> -> memref<1x125xi32, #tpu.memory_space<vmem>>
            %dma_start3A_110 = tpu.memref_squeeze %dma_start3A_109 : memref<1x125xi32, #tpu.memory_space<vmem>> -> memref<125xi32, #tpu.memory_space<vmem>>
            %dma_start3A_111 = arith.constant 0 : i32
            %dma_start3A_112 = arith.constant 0 : i32
            %dma_start3A_113 = tpu.memref_slice %arg3[%dma_start3A_111, %dma_start3A_112] : memref<10000x128xf32, #tpu.memory_space<hbm>> -> memref<10000x128xf32, #tpu.memory_space<hbm>>
            tpu.enqueue_indirect_dma source(%dma_start3A_113 : memref<10000x128xf32, #tpu.memory_space<hbm>>) target(%dma_start3A_107 : memref<125x128xf32, #tpu.memory_space<vmem>>) offsets(%dma_start3A_110 : memref<125xi32, #tpu.memory_space<vmem>>) semaphore(%arg11 : memref<!tpu.dma_semaphore, #tpu.memory_space<semaphore_mem>>)
          } else {
          }
          %add3A_79 = arith.constant 1 : i32
          %add3A_80 = arith.addi %mul3A_60, %add3A_79 : i32
          %dma_wait3A_81 = arith.constant 1 : i32
          %dma_wait3A_82 = arith.constant 0 : i32
          %dma_wait3A_83 = arith.constant 0 : i32
          %dma_wait3A_84 = tpu.memref_slice %arg9[%dma_wait3A_81, %dma_wait3A_82, %dma_wait3A_83] : memref<2x125x128xf32, #tpu.memory_space<vmem>> -> memref<1x125x128xf32, #tpu.memory_space<vmem>>
          %dma_wait3A_85 = tpu.memref_squeeze %dma_wait3A_84 : memref<1x125x128xf32, #tpu.memory_space<vmem>> -> memref<125x128xf32, #tpu.memory_space<vmem>>
          %dma_wait3A_86 = arith.constant 0 : i32
          %dma_wait3A_87 = tpu.memref_slice %arg7[%add3A_80, %dma_wait3A_86] : memref<16x125xi32, #tpu.memory_space<vmem>> -> memref<1x125xi32, #tpu.memory_space<vmem>>
          %dma_wait3A_88 = tpu.memref_squeeze %dma_wait3A_87 : memref<1x125xi32, #tpu.memory_space<vmem>> -> memref<125xi32, #tpu.memory_space<vmem>>
          %dma_wait3A_89 = arith.constant 0 : i32
          %dma_wait3A_90 = arith.constant 0 : i32
          %dma_wait3A_91 = tpu.memref_slice %arg3[%dma_wait3A_89, %dma_wait3A_90] : memref<10000x128xf32, #tpu.memory_space<hbm>> -> memref<10000x128xf32, #tpu.memory_space<hbm>>
          tpu.wait_indirect_dma semaphore(%arg12 : memref<!tpu.dma_semaphore, #tpu.memory_space<semaphore_mem>>) src(%dma_wait3A_91 : memref<10000x128xf32, #tpu.memory_space<hbm>>) dst(%dma_wait3A_85 : memref<125x128xf32, #tpu.memory_space<vmem>>)
          %run_scoped3A_92 = arith.constant 1 : i32
          "tpu.region"() ({
            %run_scoped3A_101 = tpu.sem_alloc : memref<!tpu.dma_semaphore, #tpu.memory_space<semaphore_mem>>
            %dma_start3A_102 = arith.constant 0 : i32
            %dma_start3A_103 = arith.constant 0 : i32
            %dma_start3A_104 = tpu.memref_slice %arg9[%run_scoped3A_92, %dma_start3A_102, %dma_start3A_103] : memref<2x125x128xf32, #tpu.memory_space<vmem>> -> memref<1x125x128xf32, #tpu.memory_space<vmem>>
            %dma_start3A_105 = tpu.memref_squeeze %dma_start3A_104 : memref<1x125x128xf32, #tpu.memory_space<vmem>> -> memref<125x128xf32, #tpu.memory_space<vmem>>
            %dma_start3A_106 = arith.constant 0 : i32
            %dma_start3A_107 = tpu.memref_slice %arg8[%add3A_80, %dma_start3A_106] : memref<16x125xi32, #tpu.memory_space<vmem>> -> memref<1x125xi32, #tpu.memory_space<vmem>>
            %dma_start3A_108 = tpu.memref_squeeze %dma_start3A_107 : memref<1x125xi32, #tpu.memory_space<vmem>> -> memref<125xi32, #tpu.memory_space<vmem>>
            %dma_start3A_109 = arith.constant 0 : i32
            %dma_start3A_110 = arith.constant 0 : i32
            %dma_start3A_111 = tpu.memref_slice %arg10[%dma_start3A_109, %dma_start3A_110] : memref<10240x128xf32, #tpu.memory_space<vmem_shared>> -> memref<10240x128xf32, #tpu.memory_space<vmem_shared>>
            tpu.enqueue_indirect_dma source(%dma_start3A_105 : memref<125x128xf32, #tpu.memory_space<vmem>>) target(%dma_start3A_111 : memref<10240x128xf32, #tpu.memory_space<vmem_shared>>) offsets(%dma_start3A_108 : memref<125xi32, #tpu.memory_space<vmem>>) semaphore(%run_scoped3A_101 : memref<!tpu.dma_semaphore, #tpu.memory_space<semaphore_mem>>) {add = true}
            %dma_wait3A_112 = arith.constant 0 : i32
            %dma_wait3A_113 = arith.constant 0 : i32
            %dma_wait3A_114 = tpu.memref_slice %arg9[%run_scoped3A_92, %dma_wait3A_112, %dma_wait3A_113] : memref<2x125x128xf32, #tpu.memory_space<vmem>> -> memref<1x125x128xf32, #tpu.memory_space<vmem>>
            %dma_wait3A_115 = tpu.memref_squeeze %dma_wait3A_114 : memref<1x125x128xf32, #tpu.memory_space<vmem>> -> memref<125x128xf32, #tpu.memory_space<vmem>>
            %dma_wait3A_116 = arith.constant 0 : i32
            %dma_wait3A_117 = tpu.memref_slice %arg8[%add3A_80, %dma_wait3A_116] : memref<16x125xi32, #tpu.memory_space<vmem>> -> memref<1x125xi32, #tpu.memory_space<vmem>>
            %dma_wait3A_118 = tpu.memref_squeeze %dma_wait3A_117 : memref<1x125xi32, #tpu.memory_space<vmem>> -> memref<125xi32, #tpu.memory_space<vmem>>
            %dma_wait3A_119 = arith.constant 0 : i32
            %dma_wait3A_120 = arith.constant 0 : i32
            %dma_wait3A_121 = tpu.memref_slice %arg10[%dma_wait3A_119, %dma_wait3A_120] : memref<10240x128xf32, #tpu.memory_space<vmem_shared>> -> memref<10240x128xf32, #tpu.memory_space<vmem_shared>>
            tpu.wait_indirect_dma semaphore(%run_scoped3A_101 : memref<!tpu.dma_semaphore, #tpu.memory_space<semaphore_mem>>) src(%dma_wait3A_115 : memref<125x128xf32, #tpu.memory_space<vmem>>) dst(%dma_wait3A_121 : memref<10240x128xf32, #tpu.memory_space<vmem_shared>>)
            tpu.yield
          }) : () -> ()
          %add3A_93 = arith.constant 2 : i32
          %add3A_94 = arith.addi %add3A_80, %add3A_93 : i32
          %lt3A_95 = arith.constant 16 : i32
          %lt3A_96 = arith.cmpi slt, %add3A_94, %lt3A_95 : i32
          %convert_element_type3A_97 = arith.extui %lt3A_96 : i1 to i32
          %cond3A_98 = arith.constant 0 : i32
          %cond3A_99 = arith.cmpi ne, %convert_element_type3A_97, %cond3A_98 : i32
          scf.if %cond3A_99 {
            %add3A_101 = arith.constant 2 : i32
            %add3A_102 = arith.addi %add3A_80, %add3A_101 : i32
            %dma_start3A_103 = arith.constant 1 : i32
            %dma_start3A_104 = arith.constant 0 : i32
            %dma_start3A_105 = arith.constant 0 : i32
            %dma_start3A_106 = tpu.memref_slice %arg9[%dma_start3A_103, %dma_start3A_104, %dma_start3A_105] : memref<2x125x128xf32, #tpu.memory_space<vmem>> -> memref<1x125x128xf32, #tpu.memory_space<vmem>>
            %dma_start3A_107 = tpu.memref_squeeze %dma_start3A_106 : memref<1x125x128xf32, #tpu.memory_space<vmem>> -> memref<125x128xf32, #tpu.memory_space<vmem>>
            %dma_start3A_108 = arith.constant 0 : i32
            %dma_start3A_109 = tpu.memref_slice %arg7[%add3A_102, %dma_start3A_108] : memref<16x125xi32, #tpu.memory_space<vmem>> -> memref<1x125xi32, #tpu.memory_space<vmem>>
            %dma_start3A_110 = tpu.memref_squeeze %dma_start3A_109 : memref<1x125xi32, #tpu.memory_space<vmem>> -> memref<125xi32, #tpu.memory_space<vmem>>
            %dma_start3A_111 = arith.constant 0 : i32
            %dma_start3A_112 = arith.constant 0 : i32
            %dma_start3A_113 = tpu.memref_slice %arg3[%dma_start3A_111, %dma_start3A_112] : memref<10000x128xf32, #tpu.memory_space<hbm>> -> memref<10000x128xf32, #tpu.memory_space<hbm>>
            tpu.enqueue_indirect_dma source(%dma_start3A_113 : memref<10000x128xf32, #tpu.memory_space<hbm>>) target(%dma_start3A_107 : memref<125x128xf32, #tpu.memory_space<vmem>>) offsets(%dma_start3A_110 : memref<125xi32, #tpu.memory_space<vmem>>) semaphore(%arg12 : memref<!tpu.dma_semaphore, #tpu.memory_space<semaphore_mem>>)
          } else {
          }
          %scan3A_100 = arith.constant 0 : i32
          scf.yield %scan3A_100 : i32
        }
        %scan3A_55 = arith.constant 8 : i32
        %scan3A_56 = arith.constant 0 : i32
        scf.yield %scan3A_56 : i32
      }
      %scan3A_18 = arith.constant 5 : i32
    } else {
    }
    %barrier3A_8 = arith.constant 0 : index
    tpu.barrier barrier_id(%barrier3A_8)
    %mul3A_9 = arith.constant 640 : i32
    %mul3A_10 = arith.muli %arg1, %mul3A_9 : i32
    %mul3A_11 = arith.constant 640 : i32
    %mul3A_12 = arith.muli %arg1, %mul3A_11 : i32
    "tpu.region"() ({
      %run_scoped3A = tpu.sem_alloc : memref<!tpu.dma_semaphore, #tpu.memory_space<semaphore_mem>>
      %dma_start3A = arith.constant 0 : i32
      %dma_start3A_13 = tpu.memref_slice %arg6[%arg0, %mul3A_12, %dma_start3A] : memref<2x10240x128xf32, #tpu.memory_space<hbm>> -> memref<1x640x128xf32, #tpu.memory_space<hbm>>
      %dma_start3A_14 = tpu.memref_squeeze %dma_start3A_13 : memref<1x640x128xf32, #tpu.memory_space<hbm>> -> memref<640x128xf32, #tpu.memory_space<hbm>>
      %dma_start3A_15 = arith.constant 0 : i32
      %dma_start3A_16 = tpu.memref_slice %arg10[%mul3A_10, %dma_start3A_15] : memref<10240x128xf32, #tpu.memory_space<vmem_shared>> -> memref<640x128xf32, #tpu.memory_space<vmem_shared>>
      tpu.enqueue_dma source(%dma_start3A_16 : memref<640x128xf32, #tpu.memory_space<vmem_shared>>) target(%dma_start3A_14 : memref<640x128xf32, #tpu.memory_space<hbm>>) target_semaphore(%run_scoped3A : memref<!tpu.dma_semaphore, #tpu.memory_space<semaphore_mem>>)
      %dma_wait3A = arith.constant 0 : i32
      %dma_wait3A_17 = tpu.memref_slice %arg6[%arg0, %mul3A_12, %dma_wait3A] : memref<2x10240x128xf32, #tpu.memory_space<hbm>> -> memref<1x640x128xf32, #tpu.memory_space<hbm>>
      %dma_wait3A_18 = tpu.memref_squeeze %dma_wait3A_17 : memref<1x640x128xf32, #tpu.memory_space<hbm>> -> memref<640x128xf32, #tpu.memory_space<hbm>>
      %dma_wait3A_19 = arith.constant 0 : i32
      %dma_wait3A_20 = tpu.memref_slice %arg10[%mul3A_10, %dma_wait3A_19] : memref<10240x128xf32, #tpu.memory_space<vmem_shared>> -> memref<640x128xf32, #tpu.memory_space<vmem_shared>>
      tpu.wait_dma2 semaphore(%run_scoped3A : memref<!tpu.dma_semaphore, #tpu.memory_space<semaphore_mem>>) src(%dma_wait3A_20 : memref<640x128xf32, #tpu.memory_space<vmem_shared>>) dst(%dma_wait3A_18 : memref<640x128xf32, #tpu.memory_space<hbm>>)
      tpu.yield
    }) : () -> ()
    return
  }
}

#map = affine_map<(d0, d1) -> (0, 0)>
#map1 = affine_map<(d0, d1) -> (0, 0, 0, 0)>
#map2 = affine_map<(d0, d1) -> (0, 0, 0)>
module attributes {stable_mosaic.version = 14 : i64} {
  func.func @_spmm2(%arg0: i32, %arg1: i32, %arg2: memref<10000x64xf32, #tpu.memory_space<hbm>>, %arg3: memref<2x16x80x125xi32, #tpu.memory_space<hbm>>, %arg4: memref<640x64xf32, #tpu.memory_space<hbm>>, %arg5: memref<2x10240x64xf32, #tpu.memory_space<hbm>>, %arg6: memref<8x125xi32, #tpu.memory_space<vmem>>, %arg7: memref<8x125xi32, #tpu.memory_space<vmem>>, %arg8: memref<2x125x64xf32, #tpu.memory_space<vmem>>, %arg9: memref<10240x64xf32, #tpu.memory_space<vmem_shared>>, %arg10: memref<!tpu.dma_semaphore, #tpu.memory_space<semaphore_mem>>, %arg11: memref<!tpu.dma_semaphore, #tpu.memory_space<semaphore_mem>>) attributes {dimension_semantics = [#tpu.dimension_semantics<core_parallel>, #tpu.dimension_semantics<subcore_parallel>], iteration_bounds = array<i64: 2, 16>, scalar_prefetch = 0 : i64, scratch_operands = 6 : i64, tpu.core_type = #tpu.core_type<sc_vector_subcore>, window_params = [{transform_indices = #map}, {transform_indices = #map1}, {transform_indices = #map}, {transform_indices = #map2}]} {
    %mul3A = arith.constant 640 : i32
    %mul3A_0 = arith.muli %arg1, %mul3A : i32
    "tpu.region"() ({
      %run_scoped3A = tpu.sem_alloc : memref<!tpu.dma_semaphore, #tpu.memory_space<semaphore_mem>>
      %dma_start3A = arith.constant 0 : i32
      %dma_start3A_12 = tpu.memref_slice %arg9[%mul3A_0, %dma_start3A] : memref<10240x64xf32, #tpu.memory_space<vmem_shared>> -> memref<640x64xf32, #tpu.memory_space<vmem_shared>>
      tpu.enqueue_dma source(%arg4 : memref<640x64xf32, #tpu.memory_space<hbm>>) target(%dma_start3A_12 : memref<640x64xf32, #tpu.memory_space<vmem_shared>>) target_semaphore(%run_scoped3A : memref<!tpu.dma_semaphore, #tpu.memory_space<semaphore_mem>>)
      %dma_wait3A = arith.constant 0 : i32
      %dma_wait3A_13 = tpu.memref_slice %arg9[%mul3A_0, %dma_wait3A] : memref<10240x64xf32, #tpu.memory_space<vmem_shared>> -> memref<640x64xf32, #tpu.memory_space<vmem_shared>>
      tpu.wait_dma2 semaphore(%run_scoped3A : memref<!tpu.dma_semaphore, #tpu.memory_space<semaphore_mem>>) src(%arg4 : memref<640x64xf32, #tpu.memory_space<hbm>>) dst(%dma_wait3A_13 : memref<640x64xf32, #tpu.memory_space<vmem_shared>>)
      tpu.yield
    }) : () -> ()
    %barrier3A = arith.constant 0 : index
    tpu.barrier barrier_id(%barrier3A)
    %scan3A = arith.constant 0 : i32
    %scan3A_1 = arith.constant 0 : i32
    %scan3A_2 = arith.constant 5 : i32
    %scan3A_3 = arith.addi %scan3A_1, %scan3A_2 : i32
    %scan3A_4 = arith.constant 1 : i32
    %scan3A_5 = scf.for %scan3A_12 = %scan3A_1 to %scan3A_3 step %scan3A_4 iter_args(%scan3A_13 = %scan3A) -> (i32)  : i32 {
      %mul3A_14 = arith.constant 40 : i32
      %mul3A_15 = arith.muli %arg0, %mul3A_14 : i32
      %mul3A_16 = arith.constant 8 : i32
      %mul3A_17 = arith.muli %scan3A_12, %mul3A_16 : i32
      %add3A = arith.addi %mul3A_15, %mul3A_17 : i32
      %run_scoped3A = arith.constant 1 : i32
      "tpu.region"() ({
        %run_scoped3A_50 = tpu.sem_alloc : memref<!tpu.dma_semaphore, #tpu.memory_space<semaphore_mem>>
        %dma_start3A_51 = arith.constant 0 : i32
        %dma_start3A_52 = tpu.memref_slice %arg3[%run_scoped3A, %arg1, %add3A, %dma_start3A_51] : memref<2x16x80x125xi32, #tpu.memory_space<hbm>> -> memref<1x1x8x125xi32, #tpu.memory_space<hbm>>
        %dma_start3A_53 = tpu.memref_squeeze %dma_start3A_52 : memref<1x1x8x125xi32, #tpu.memory_space<hbm>> -> memref<8x125xi32, #tpu.memory_space<hbm>>
        %dma_start3A_54 = arith.constant 0 : i32
        %dma_start3A_55 = tpu.memref_slice %arg3[%run_scoped3A, %arg1, %add3A, %dma_start3A_54] : memref<2x16x80x125xi32, #tpu.memory_space<hbm>> -> memref<1x1x8x125xi32, #tpu.memory_space<hbm>>
        %dma_start3A_56 = tpu.memref_squeeze %dma_start3A_55 : memref<1x1x8x125xi32, #tpu.memory_space<hbm>> -> memref<8x125xi32, #tpu.memory_space<hbm>>
        tpu.enqueue_dma source(%dma_start3A_56 : memref<8x125xi32, #tpu.memory_space<hbm>>) target(%arg6 : memref<8x125xi32, #tpu.memory_space<vmem>>) target_semaphore(%run_scoped3A_50 : memref<!tpu.dma_semaphore, #tpu.memory_space<semaphore_mem>>)
        %dma_wait3A = arith.constant 0 : i32
        %dma_wait3A_57 = tpu.memref_slice %arg3[%run_scoped3A, %arg1, %add3A, %dma_wait3A] : memref<2x16x80x125xi32, #tpu.memory_space<hbm>> -> memref<1x1x8x125xi32, #tpu.memory_space<hbm>>
        %dma_wait3A_58 = tpu.memref_squeeze %dma_wait3A_57 : memref<1x1x8x125xi32, #tpu.memory_space<hbm>> -> memref<8x125xi32, #tpu.memory_space<hbm>>
        %dma_wait3A_59 = arith.constant 0 : i32
        %dma_wait3A_60 = tpu.memref_slice %arg3[%run_scoped3A, %arg1, %add3A, %dma_wait3A_59] : memref<2x16x80x125xi32, #tpu.memory_space<hbm>> -> memref<1x1x8x125xi32, #tpu.memory_space<hbm>>
        %dma_wait3A_61 = tpu.memref_squeeze %dma_wait3A_60 : memref<1x1x8x125xi32, #tpu.memory_space<hbm>> -> memref<8x125xi32, #tpu.memory_space<hbm>>
        tpu.wait_dma2 semaphore(%run_scoped3A_50 : memref<!tpu.dma_semaphore, #tpu.memory_space<semaphore_mem>>) src(%dma_wait3A_61 : memref<8x125xi32, #tpu.memory_space<hbm>>) dst(%arg6 : memref<8x125xi32, #tpu.memory_space<vmem>>)
        tpu.yield
      }) : () -> ()
      %run_scoped3A_18 = arith.constant 0 : i32
      "tpu.region"() ({
        %run_scoped3A_50 = tpu.sem_alloc : memref<!tpu.dma_semaphore, #tpu.memory_space<semaphore_mem>>
        %dma_start3A_51 = arith.constant 0 : i32
        %dma_start3A_52 = tpu.memref_slice %arg3[%run_scoped3A_18, %arg1, %add3A, %dma_start3A_51] : memref<2x16x80x125xi32, #tpu.memory_space<hbm>> -> memref<1x1x8x125xi32, #tpu.memory_space<hbm>>
        %dma_start3A_53 = tpu.memref_squeeze %dma_start3A_52 : memref<1x1x8x125xi32, #tpu.memory_space<hbm>> -> memref<8x125xi32, #tpu.memory_space<hbm>>
        %dma_start3A_54 = arith.constant 0 : i32
        %dma_start3A_55 = tpu.memref_slice %arg3[%run_scoped3A_18, %arg1, %add3A, %dma_start3A_54] : memref<2x16x80x125xi32, #tpu.memory_space<hbm>> -> memref<1x1x8x125xi32, #tpu.memory_space<hbm>>
        %dma_start3A_56 = tpu.memref_squeeze %dma_start3A_55 : memref<1x1x8x125xi32, #tpu.memory_space<hbm>> -> memref<8x125xi32, #tpu.memory_space<hbm>>
        tpu.enqueue_dma source(%dma_start3A_56 : memref<8x125xi32, #tpu.memory_space<hbm>>) target(%arg7 : memref<8x125xi32, #tpu.memory_space<vmem>>) target_semaphore(%run_scoped3A_50 : memref<!tpu.dma_semaphore, #tpu.memory_space<semaphore_mem>>)
        %dma_wait3A = arith.constant 0 : i32
        %dma_wait3A_57 = tpu.memref_slice %arg3[%run_scoped3A_18, %arg1, %add3A, %dma_wait3A] : memref<2x16x80x125xi32, #tpu.memory_space<hbm>> -> memref<1x1x8x125xi32, #tpu.memory_space<hbm>>
        %dma_wait3A_58 = tpu.memref_squeeze %dma_wait3A_57 : memref<1x1x8x125xi32, #tpu.memory_space<hbm>> -> memref<8x125xi32, #tpu.memory_space<hbm>>
        %dma_wait3A_59 = arith.constant 0 : i32
        %dma_wait3A_60 = tpu.memref_slice %arg3[%run_scoped3A_18, %arg1, %add3A, %dma_wait3A_59] : memref<2x16x80x125xi32, #tpu.memory_space<hbm>> -> memref<1x1x8x125xi32, #tpu.memory_space<hbm>>
        %dma_wait3A_61 = tpu.memref_squeeze %dma_wait3A_60 : memref<1x1x8x125xi32, #tpu.memory_space<hbm>> -> memref<8x125xi32, #tpu.memory_space<hbm>>
        tpu.wait_dma2 semaphore(%run_scoped3A_50 : memref<!tpu.dma_semaphore, #tpu.memory_space<semaphore_mem>>) src(%dma_wait3A_61 : memref<8x125xi32, #tpu.memory_space<hbm>>) dst(%arg7 : memref<8x125xi32, #tpu.memory_space<vmem>>)
        tpu.yield
      }) : () -> ()
      %dma_start3A = arith.constant 0 : i32
      %dma_start3A_19 = arith.constant 0 : i32
      %dma_start3A_20 = arith.constant 0 : i32
      %dma_start3A_21 = arith.constant 0 : i32
      %dma_start3A_22 = tpu.memref_slice %arg8[%dma_start3A_19, %dma_start3A_20, %dma_start3A_21] : memref<2x125x64xf32, #tpu.memory_space<vmem>> -> memref<1x125x64xf32, #tpu.memory_space<vmem>>
      %dma_start3A_23 = tpu.memref_squeeze %dma_start3A_22 : memref<1x125x64xf32, #tpu.memory_space<vmem>> -> memref<125x64xf32, #tpu.memory_space<vmem>>
      %dma_start3A_24 = arith.constant 0 : i32
      %dma_start3A_25 = tpu.memref_slice %arg6[%dma_start3A, %dma_start3A_24] : memref<8x125xi32, #tpu.memory_space<vmem>> -> memref<1x125xi32, #tpu.memory_space<vmem>>
      %dma_start3A_26 = tpu.memref_squeeze %dma_start3A_25 : memref<1x125xi32, #tpu.memory_space<vmem>> -> memref<125xi32, #tpu.memory_space<vmem>>
      %dma_start3A_27 = arith.constant 0 : i32
      %dma_start3A_28 = arith.constant 0 : i32
      %dma_start3A_29 = tpu.memref_slice %arg2[%dma_start3A_27, %dma_start3A_28] : memref<10000x64xf32, #tpu.memory_space<hbm>> -> memref<10000x64xf32, #tpu.memory_space<hbm>>
      tpu.enqueue_indirect_dma source(%dma_start3A_29 : memref<10000x64xf32, #tpu.memory_space<hbm>>) target(%dma_start3A_23 : memref<125x64xf32, #tpu.memory_space<vmem>>) offsets(%dma_start3A_26 : memref<125xi32, #tpu.memory_space<vmem>>) semaphore(%arg10 : memref<!tpu.dma_semaphore, #tpu.memory_space<semaphore_mem>>)
      %dma_start3A_30 = arith.constant 1 : i32
      %dma_start3A_31 = arith.constant 1 : i32
      %dma_start3A_32 = arith.constant 0 : i32
      %dma_start3A_33 = arith.constant 0 : i32
      %dma_start3A_34 = tpu.memref_slice %arg8[%dma_start3A_31, %dma_start3A_32, %dma_start3A_33] : memref<2x125x64xf32, #tpu.memory_space<vmem>> -> memref<1x125x64xf32, #tpu.memory_space<vmem>>
      %dma_start3A_35 = tpu.memref_squeeze %dma_start3A_34 : memref<1x125x64xf32, #tpu.memory_space<vmem>> -> memref<125x64xf32, #tpu.memory_space<vmem>>
      %dma_start3A_36 = arith.constant 0 : i32
      %dma_start3A_37 = tpu.memref_slice %arg6[%dma_start3A_30, %dma_start3A_36] : memref<8x125xi32, #tpu.memory_space<vmem>> -> memref<1x125xi32, #tpu.memory_space<vmem>>
      %dma_start3A_38 = tpu.memref_squeeze %dma_start3A_37 : memref<1x125xi32, #tpu.memory_space<vmem>> -> memref<125xi32, #tpu.memory_space<vmem>>
      %dma_start3A_39 = arith.constant 0 : i32
      %dma_start3A_40 = arith.constant 0 : i32
      %dma_start3A_41 = tpu.memref_slice %arg2[%dma_start3A_39, %dma_start3A_40] : memref<10000x64xf32, #tpu.memory_space<hbm>> -> memref<10000x64xf32, #tpu.memory_space<hbm>>
      tpu.enqueue_indirect_dma source(%dma_start3A_41 : memref<10000x64xf32, #tpu.memory_space<hbm>>) target(%dma_start3A_35 : memref<125x64xf32, #tpu.memory_space<vmem>>) offsets(%dma_start3A_38 : memref<125xi32, #tpu.memory_space<vmem>>) semaphore(%arg11 : memref<!tpu.dma_semaphore, #tpu.memory_space<semaphore_mem>>)
      %scan3A_42 = arith.constant 0 : i32
      %scan3A_43 = arith.constant 0 : i32
      %scan3A_44 = arith.constant 4 : i32
      %scan3A_45 = arith.addi %scan3A_43, %scan3A_44 : i32
      %scan3A_46 = arith.constant 1 : i32
      %scan3A_47 = scf.for %scan3A_50 = %scan3A_43 to %scan3A_45 step %scan3A_46 iter_args(%scan3A_51 = %scan3A_42) -> (i32)  : i32 {
        %mul3A_52 = arith.constant 2 : i32
        %mul3A_53 = arith.muli %scan3A_50, %mul3A_52 : i32
        %add3A_54 = arith.constant 0 : i32
        %add3A_55 = arith.addi %mul3A_53, %add3A_54 : i32
        %dma_wait3A = arith.constant 0 : i32
        %dma_wait3A_56 = arith.constant 0 : i32
        %dma_wait3A_57 = arith.constant 0 : i32
        %dma_wait3A_58 = tpu.memref_slice %arg8[%dma_wait3A, %dma_wait3A_56, %dma_wait3A_57] : memref<2x125x64xf32, #tpu.memory_space<vmem>> -> memref<1x125x64xf32, #tpu.memory_space<vmem>>
        %dma_wait3A_59 = tpu.memref_squeeze %dma_wait3A_58 : memref<1x125x64xf32, #tpu.memory_space<vmem>> -> memref<125x64xf32, #tpu.memory_space<vmem>>
        %dma_wait3A_60 = arith.constant 0 : i32
        %dma_wait3A_61 = tpu.memref_slice %arg6[%add3A_55, %dma_wait3A_60] : memref<8x125xi32, #tpu.memory_space<vmem>> -> memref<1x125xi32, #tpu.memory_space<vmem>>
        %dma_wait3A_62 = tpu.memref_squeeze %dma_wait3A_61 : memref<1x125xi32, #tpu.memory_space<vmem>> -> memref<125xi32, #tpu.memory_space<vmem>>
        %dma_wait3A_63 = arith.constant 0 : i32
        %dma_wait3A_64 = arith.constant 0 : i32
        %dma_wait3A_65 = tpu.memref_slice %arg2[%dma_wait3A_63, %dma_wait3A_64] : memref<10000x64xf32, #tpu.memory_space<hbm>> -> memref<10000x64xf32, #tpu.memory_space<hbm>>
        tpu.wait_indirect_dma semaphore(%arg10 : memref<!tpu.dma_semaphore, #tpu.memory_space<semaphore_mem>>) src(%dma_wait3A_65 : memref<10000x64xf32, #tpu.memory_space<hbm>>) dst(%dma_wait3A_59 : memref<125x64xf32, #tpu.memory_space<vmem>>)
        %run_scoped3A_66 = arith.constant 0 : i32
        "tpu.region"() ({
          %run_scoped3A_93 = tpu.sem_alloc : memref<!tpu.dma_semaphore, #tpu.memory_space<semaphore_mem>>
          %dma_start3A_94 = arith.constant 0 : i32
          %dma_start3A_95 = arith.constant 0 : i32
          %dma_start3A_96 = tpu.memref_slice %arg8[%run_scoped3A_66, %dma_start3A_94, %dma_start3A_95] : memref<2x125x64xf32, #tpu.memory_space<vmem>> -> memref<1x125x64xf32, #tpu.memory_space<vmem>>
          %dma_start3A_97 = tpu.memref_squeeze %dma_start3A_96 : memref<1x125x64xf32, #tpu.memory_space<vmem>> -> memref<125x64xf32, #tpu.memory_space<vmem>>
          %dma_start3A_98 = arith.constant 0 : i32
          %dma_start3A_99 = tpu.memref_slice %arg7[%add3A_55, %dma_start3A_98] : memref<8x125xi32, #tpu.memory_space<vmem>> -> memref<1x125xi32, #tpu.memory_space<vmem>>
          %dma_start3A_100 = tpu.memref_squeeze %dma_start3A_99 : memref<1x125xi32, #tpu.memory_space<vmem>> -> memref<125xi32, #tpu.memory_space<vmem>>
          %dma_start3A_101 = arith.constant 0 : i32
          %dma_start3A_102 = arith.constant 0 : i32
          %dma_start3A_103 = tpu.memref_slice %arg9[%dma_start3A_101, %dma_start3A_102] : memref<10240x64xf32, #tpu.memory_space<vmem_shared>> -> memref<10240x64xf32, #tpu.memory_space<vmem_shared>>
          tpu.enqueue_indirect_dma source(%dma_start3A_97 : memref<125x64xf32, #tpu.memory_space<vmem>>) target(%dma_start3A_103 : memref<10240x64xf32, #tpu.memory_space<vmem_shared>>) offsets(%dma_start3A_100 : memref<125xi32, #tpu.memory_space<vmem>>) semaphore(%run_scoped3A_93 : memref<!tpu.dma_semaphore, #tpu.memory_space<semaphore_mem>>) {add = true}
          %dma_wait3A_104 = arith.constant 0 : i32
          %dma_wait3A_105 = arith.constant 0 : i32
          %dma_wait3A_106 = tpu.memref_slice %arg8[%run_scoped3A_66, %dma_wait3A_104, %dma_wait3A_105] : memref<2x125x64xf32, #tpu.memory_space<vmem>> -> memref<1x125x64xf32, #tpu.memory_space<vmem>>
          %dma_wait3A_107 = tpu.memref_squeeze %dma_wait3A_106 : memref<1x125x64xf32, #tpu.memory_space<vmem>> -> memref<125x64xf32, #tpu.memory_space<vmem>>
          %dma_wait3A_108 = arith.constant 0 : i32
          %dma_wait3A_109 = tpu.memref_slice %arg7[%add3A_55, %dma_wait3A_108] : memref<8x125xi32, #tpu.memory_space<vmem>> -> memref<1x125xi32, #tpu.memory_space<vmem>>
          %dma_wait3A_110 = tpu.memref_squeeze %dma_wait3A_109 : memref<1x125xi32, #tpu.memory_space<vmem>> -> memref<125xi32, #tpu.memory_space<vmem>>
          %dma_wait3A_111 = arith.constant 0 : i32
          %dma_wait3A_112 = arith.constant 0 : i32
          %dma_wait3A_113 = tpu.memref_slice %arg9[%dma_wait3A_111, %dma_wait3A_112] : memref<10240x64xf32, #tpu.memory_space<vmem_shared>> -> memref<10240x64xf32, #tpu.memory_space<vmem_shared>>
          tpu.wait_indirect_dma semaphore(%run_scoped3A_93 : memref<!tpu.dma_semaphore, #tpu.memory_space<semaphore_mem>>) src(%dma_wait3A_107 : memref<125x64xf32, #tpu.memory_space<vmem>>) dst(%dma_wait3A_113 : memref<10240x64xf32, #tpu.memory_space<vmem_shared>>)
          tpu.yield
        }) : () -> ()
        %add3A_67 = arith.constant 2 : i32
        %add3A_68 = arith.addi %add3A_55, %add3A_67 : i32
        %lt3A = arith.constant 8 : i32
        %lt3A_69 = arith.cmpi slt, %add3A_68, %lt3A : i32
        %convert_element_type3A = arith.extui %lt3A_69 : i1 to i32
        %cond3A = arith.constant 0 : i32
        %cond3A_70 = arith.cmpi ne, %convert_element_type3A, %cond3A : i32
        scf.if %cond3A_70 {
          %add3A_93 = arith.constant 2 : i32
          %add3A_94 = arith.addi %add3A_55, %add3A_93 : i32
          %dma_start3A_95 = arith.constant 0 : i32
          %dma_start3A_96 = arith.constant 0 : i32
          %dma_start3A_97 = arith.constant 0 : i32
          %dma_start3A_98 = tpu.memref_slice %arg8[%dma_start3A_95, %dma_start3A_96, %dma_start3A_97] : memref<2x125x64xf32, #tpu.memory_space<vmem>> -> memref<1x125x64xf32, #tpu.memory_space<vmem>>
          %dma_start3A_99 = tpu.memref_squeeze %dma_start3A_98 : memref<1x125x64xf32, #tpu.memory_space<vmem>> -> memref<125x64xf32, #tpu.memory_space<vmem>>
          %dma_start3A_100 = arith.constant 0 : i32
          %dma_start3A_101 = tpu.memref_slice %arg6[%add3A_94, %dma_start3A_100] : memref<8x125xi32, #tpu.memory_space<vmem>> -> memref<1x125xi32, #tpu.memory_space<vmem>>
          %dma_start3A_102 = tpu.memref_squeeze %dma_start3A_101 : memref<1x125xi32, #tpu.memory_space<vmem>> -> memref<125xi32, #tpu.memory_space<vmem>>
          %dma_start3A_103 = arith.constant 0 : i32
          %dma_start3A_104 = arith.constant 0 : i32
          %dma_start3A_105 = tpu.memref_slice %arg2[%dma_start3A_103, %dma_start3A_104] : memref<10000x64xf32, #tpu.memory_space<hbm>> -> memref<10000x64xf32, #tpu.memory_space<hbm>>
          tpu.enqueue_indirect_dma source(%dma_start3A_105 : memref<10000x64xf32, #tpu.memory_space<hbm>>) target(%dma_start3A_99 : memref<125x64xf32, #tpu.memory_space<vmem>>) offsets(%dma_start3A_102 : memref<125xi32, #tpu.memory_space<vmem>>) semaphore(%arg10 : memref<!tpu.dma_semaphore, #tpu.memory_space<semaphore_mem>>)
        } else {
        }
        %add3A_71 = arith.constant 1 : i32
        %add3A_72 = arith.addi %mul3A_53, %add3A_71 : i32
        %dma_wait3A_73 = arith.constant 1 : i32
        %dma_wait3A_74 = arith.constant 0 : i32
        %dma_wait3A_75 = arith.constant 0 : i32
        %dma_wait3A_76 = tpu.memref_slice %arg8[%dma_wait3A_73, %dma_wait3A_74, %dma_wait3A_75] : memref<2x125x64xf32, #tpu.memory_space<vmem>> -> memref<1x125x64xf32, #tpu.memory_space<vmem>>
        %dma_wait3A_77 = tpu.memref_squeeze %dma_wait3A_76 : memref<1x125x64xf32, #tpu.memory_space<vmem>> -> memref<125x64xf32, #tpu.memory_space<vmem>>
        %dma_wait3A_78 = arith.constant 0 : i32
        %dma_wait3A_79 = tpu.memref_slice %arg6[%add3A_72, %dma_wait3A_78] : memref<8x125xi32, #tpu.memory_space<vmem>> -> memref<1x125xi32, #tpu.memory_space<vmem>>
        %dma_wait3A_80 = tpu.memref_squeeze %dma_wait3A_79 : memref<1x125xi32, #tpu.memory_space<vmem>> -> memref<125xi32, #tpu.memory_space<vmem>>
        %dma_wait3A_81 = arith.constant 0 : i32
        %dma_wait3A_82 = arith.constant 0 : i32
        %dma_wait3A_83 = tpu.memref_slice %arg2[%dma_wait3A_81, %dma_wait3A_82] : memref<10000x64xf32, #tpu.memory_space<hbm>> -> memref<10000x64xf32, #tpu.memory_space<hbm>>
        tpu.wait_indirect_dma semaphore(%arg11 : memref<!tpu.dma_semaphore, #tpu.memory_space<semaphore_mem>>) src(%dma_wait3A_83 : memref<10000x64xf32, #tpu.memory_space<hbm>>) dst(%dma_wait3A_77 : memref<125x64xf32, #tpu.memory_space<vmem>>)
        %run_scoped3A_84 = arith.constant 1 : i32
        "tpu.region"() ({
          %run_scoped3A_93 = tpu.sem_alloc : memref<!tpu.dma_semaphore, #tpu.memory_space<semaphore_mem>>
          %dma_start3A_94 = arith.constant 0 : i32
          %dma_start3A_95 = arith.constant 0 : i32
          %dma_start3A_96 = tpu.memref_slice %arg8[%run_scoped3A_84, %dma_start3A_94, %dma_start3A_95] : memref<2x125x64xf32, #tpu.memory_space<vmem>> -> memref<1x125x64xf32, #tpu.memory_space<vmem>>
          %dma_start3A_97 = tpu.memref_squeeze %dma_start3A_96 : memref<1x125x64xf32, #tpu.memory_space<vmem>> -> memref<125x64xf32, #tpu.memory_space<vmem>>
          %dma_start3A_98 = arith.constant 0 : i32
          %dma_start3A_99 = tpu.memref_slice %arg7[%add3A_72, %dma_start3A_98] : memref<8x125xi32, #tpu.memory_space<vmem>> -> memref<1x125xi32, #tpu.memory_space<vmem>>
          %dma_start3A_100 = tpu.memref_squeeze %dma_start3A_99 : memref<1x125xi32, #tpu.memory_space<vmem>> -> memref<125xi32, #tpu.memory_space<vmem>>
          %dma_start3A_101 = arith.constant 0 : i32
          %dma_start3A_102 = arith.constant 0 : i32
          %dma_start3A_103 = tpu.memref_slice %arg9[%dma_start3A_101, %dma_start3A_102] : memref<10240x64xf32, #tpu.memory_space<vmem_shared>> -> memref<10240x64xf32, #tpu.memory_space<vmem_shared>>
          tpu.enqueue_indirect_dma source(%dma_start3A_97 : memref<125x64xf32, #tpu.memory_space<vmem>>) target(%dma_start3A_103 : memref<10240x64xf32, #tpu.memory_space<vmem_shared>>) offsets(%dma_start3A_100 : memref<125xi32, #tpu.memory_space<vmem>>) semaphore(%run_scoped3A_93 : memref<!tpu.dma_semaphore, #tpu.memory_space<semaphore_mem>>) {add = true}
          %dma_wait3A_104 = arith.constant 0 : i32
          %dma_wait3A_105 = arith.constant 0 : i32
          %dma_wait3A_106 = tpu.memref_slice %arg8[%run_scoped3A_84, %dma_wait3A_104, %dma_wait3A_105] : memref<2x125x64xf32, #tpu.memory_space<vmem>> -> memref<1x125x64xf32, #tpu.memory_space<vmem>>
          %dma_wait3A_107 = tpu.memref_squeeze %dma_wait3A_106 : memref<1x125x64xf32, #tpu.memory_space<vmem>> -> memref<125x64xf32, #tpu.memory_space<vmem>>
          %dma_wait3A_108 = arith.constant 0 : i32
          %dma_wait3A_109 = tpu.memref_slice %arg7[%add3A_72, %dma_wait3A_108] : memref<8x125xi32, #tpu.memory_space<vmem>> -> memref<1x125xi32, #tpu.memory_space<vmem>>
          %dma_wait3A_110 = tpu.memref_squeeze %dma_wait3A_109 : memref<1x125xi32, #tpu.memory_space<vmem>> -> memref<125xi32, #tpu.memory_space<vmem>>
          %dma_wait3A_111 = arith.constant 0 : i32
          %dma_wait3A_112 = arith.constant 0 : i32
          %dma_wait3A_113 = tpu.memref_slice %arg9[%dma_wait3A_111, %dma_wait3A_112] : memref<10240x64xf32, #tpu.memory_space<vmem_shared>> -> memref<10240x64xf32, #tpu.memory_space<vmem_shared>>
          tpu.wait_indirect_dma semaphore(%run_scoped3A_93 : memref<!tpu.dma_semaphore, #tpu.memory_space<semaphore_mem>>) src(%dma_wait3A_107 : memref<125x64xf32, #tpu.memory_space<vmem>>) dst(%dma_wait3A_113 : memref<10240x64xf32, #tpu.memory_space<vmem_shared>>)
          tpu.yield
        }) : () -> ()
        %add3A_85 = arith.constant 2 : i32
        %add3A_86 = arith.addi %add3A_72, %add3A_85 : i32
        %lt3A_87 = arith.constant 8 : i32
        %lt3A_88 = arith.cmpi slt, %add3A_86, %lt3A_87 : i32
        %convert_element_type3A_89 = arith.extui %lt3A_88 : i1 to i32
        %cond3A_90 = arith.constant 0 : i32
        %cond3A_91 = arith.cmpi ne, %convert_element_type3A_89, %cond3A_90 : i32
        scf.if %cond3A_91 {
          %add3A_93 = arith.constant 2 : i32
          %add3A_94 = arith.addi %add3A_72, %add3A_93 : i32
          %dma_start3A_95 = arith.constant 1 : i32
          %dma_start3A_96 = arith.constant 0 : i32
          %dma_start3A_97 = arith.constant 0 : i32
          %dma_start3A_98 = tpu.memref_slice %arg8[%dma_start3A_95, %dma_start3A_96, %dma_start3A_97] : memref<2x125x64xf32, #tpu.memory_space<vmem>> -> memref<1x125x64xf32, #tpu.memory_space<vmem>>
          %dma_start3A_99 = tpu.memref_squeeze %dma_start3A_98 : memref<1x125x64xf32, #tpu.memory_space<vmem>> -> memref<125x64xf32, #tpu.memory_space<vmem>>
          %dma_start3A_100 = arith.constant 0 : i32
          %dma_start3A_101 = tpu.memref_slice %arg6[%add3A_94, %dma_start3A_100] : memref<8x125xi32, #tpu.memory_space<vmem>> -> memref<1x125xi32, #tpu.memory_space<vmem>>
          %dma_start3A_102 = tpu.memref_squeeze %dma_start3A_101 : memref<1x125xi32, #tpu.memory_space<vmem>> -> memref<125xi32, #tpu.memory_space<vmem>>
          %dma_start3A_103 = arith.constant 0 : i32
          %dma_start3A_104 = arith.constant 0 : i32
          %dma_start3A_105 = tpu.memref_slice %arg2[%dma_start3A_103, %dma_start3A_104] : memref<10000x64xf32, #tpu.memory_space<hbm>> -> memref<10000x64xf32, #tpu.memory_space<hbm>>
          tpu.enqueue_indirect_dma source(%dma_start3A_105 : memref<10000x64xf32, #tpu.memory_space<hbm>>) target(%dma_start3A_99 : memref<125x64xf32, #tpu.memory_space<vmem>>) offsets(%dma_start3A_102 : memref<125xi32, #tpu.memory_space<vmem>>) semaphore(%arg11 : memref<!tpu.dma_semaphore, #tpu.memory_space<semaphore_mem>>)
        } else {
        }
        %scan3A_92 = arith.constant 0 : i32
        scf.yield %scan3A_92 : i32
      }
      %scan3A_48 = arith.constant 4 : i32
      %scan3A_49 = arith.constant 0 : i32
      scf.yield %scan3A_49 : i32
    }
    %scan3A_6 = arith.constant 5 : i32
    %barrier3A_7 = arith.constant 0 : index
    tpu.barrier barrier_id(%barrier3A_7)
    %mul3A_8 = arith.constant 640 : i32
    %mul3A_9 = arith.muli %arg1, %mul3A_8 : i32
    %mul3A_10 = arith.constant 640 : i32
    %mul3A_11 = arith.muli %arg1, %mul3A_10 : i32
    "tpu.region"() ({
      %run_scoped3A = tpu.sem_alloc : memref<!tpu.dma_semaphore, #tpu.memory_space<semaphore_mem>>
      %dma_start3A = arith.constant 0 : i32
      %dma_start3A_12 = tpu.memref_slice %arg5[%arg0, %mul3A_11, %dma_start3A] : memref<2x10240x64xf32, #tpu.memory_space<hbm>> -> memref<1x640x64xf32, #tpu.memory_space<hbm>>
      %dma_start3A_13 = tpu.memref_squeeze %dma_start3A_12 : memref<1x640x64xf32, #tpu.memory_space<hbm>> -> memref<640x64xf32, #tpu.memory_space<hbm>>
      %dma_start3A_14 = arith.constant 0 : i32
      %dma_start3A_15 = tpu.memref_slice %arg9[%mul3A_9, %dma_start3A_14] : memref<10240x64xf32, #tpu.memory_space<vmem_shared>> -> memref<640x64xf32, #tpu.memory_space<vmem_shared>>
      tpu.enqueue_dma source(%dma_start3A_15 : memref<640x64xf32, #tpu.memory_space<vmem_shared>>) target(%dma_start3A_13 : memref<640x64xf32, #tpu.memory_space<hbm>>) target_semaphore(%run_scoped3A : memref<!tpu.dma_semaphore, #tpu.memory_space<semaphore_mem>>)
      %dma_wait3A = arith.constant 0 : i32
      %dma_wait3A_16 = tpu.memref_slice %arg5[%arg0, %mul3A_11, %dma_wait3A] : memref<2x10240x64xf32, #tpu.memory_space<hbm>> -> memref<1x640x64xf32, #tpu.memory_space<hbm>>
      %dma_wait3A_17 = tpu.memref_squeeze %dma_wait3A_16 : memref<1x640x64xf32, #tpu.memory_space<hbm>> -> memref<640x64xf32, #tpu.memory_space<hbm>>
      %dma_wait3A_18 = arith.constant 0 : i32
      %dma_wait3A_19 = tpu.memref_slice %arg9[%mul3A_9, %dma_wait3A_18] : memref<10240x64xf32, #tpu.memory_space<vmem_shared>> -> memref<640x64xf32, #tpu.memory_space<vmem_shared>>
      tpu.wait_dma2 semaphore(%run_scoped3A : memref<!tpu.dma_semaphore, #tpu.memory_space<semaphore_mem>>) src(%dma_wait3A_19 : memref<640x64xf32, #tpu.memory_space<vmem_shared>>) dst(%dma_wait3A_17 : memref<640x64xf32, #tpu.memory_space<hbm>>)
      tpu.yield
    }) : () -> ()
    return
  }
}

module attributes {stable_mosaic.version = 14 : i64} {
  func.func @_mm1_body(%arg0: i32, %arg1: memref<1000x256xf32, #tpu.memory_space<vmem>>, %arg2: memref<256x256xf32, #tpu.memory_space<vmem>>, %arg3: memref<2x1000x16xf32, #tpu.memory_space<vmem>>, %arg4: memref<1000x128xf32, #tpu.memory_space<vmem>>, %arg5: memref<1000x128xf32, #tpu.memory_space<vmem>>) attributes {dimension_semantics = [#tpu.dimension_semantics<arbitrary>], iteration_bounds = array<i64: 10>, scalar_prefetch = 0 : i64, scratch_operands = 0 : i64, tpu.core_type = #tpu.core_type<tc>, window_params = [{transform_indices = @transform_0, window_bounds = array<i64: 1000, 256>}, {pipeline_mode = #tpu.pipeline_mode<synchronous>, transform_indices = @transform_1, window_bounds = array<i64: 256, 256>}, {transform_indices = @transform_2, window_bounds = array<i64: 2, 1000, 16>}, {transform_indices = @transform_3, window_bounds = array<i64: 1000, 128>}, {transform_indices = @transform_4, window_bounds = array<i64: 1000, 128>}]} {
    %get3A = arith.constant 0 : index
    %get3A_0 = arith.constant 0 : index
    %get3A_1 = arith.constant 0 : index
    %get3A_2 = vector.load %arg3[%get3A, %get3A_0, %get3A_1] : memref<2x1000x16xf32, #tpu.memory_space<vmem>>, vector<2x1000x16xf32>
    %slice3A = vector.extract_strided_slice %get3A_2 {offsets = [0, 0, 0], sizes = [1, 1000, 1], strides = [1, 1, 1]} : vector<2x1000x16xf32> to vector<1x1000x1xf32>
    %squeeze3A = vector.shape_cast %slice3A : vector<1x1000x1xf32> to vector<1000x1xf32>
    %slice3A_3 = vector.extract_strided_slice %get3A_2 {offsets = [1, 0, 0], sizes = [1, 1000, 1], strides = [1, 1, 1]} : vector<2x1000x16xf32> to vector<1x1000x1xf32>
    %squeeze3A_4 = vector.shape_cast %slice3A_3 : vector<1x1000x1xf32> to vector<1000x1xf32>
    %add3A = arith.addf %squeeze3A, %squeeze3A_4 : vector<1000x1xf32>
    %max3A = arith.constant 1.000000e+00 : f32
    %max3A_5 = vector.broadcast %max3A : f32 to vector<1000x1xf32>
    %max3A_6 = arith.maximumf %add3A, %max3A_5 : vector<1000x1xf32>
    %rsqrt3A = math.rsqrt %max3A_6 : vector<1000x1xf32>
    %get3A_7 = arith.constant 0 : index
    %get3A_8 = arith.constant 0 : index
    %get3A_9 = vector.load %arg1[%get3A_7, %get3A_8] : memref<1000x256xf32, #tpu.memory_space<vmem>>, vector<1000x256xf32>
    %get3A_10 = arith.constant 0 : index
    %get3A_11 = arith.constant 0 : index
    %get3A_12 = vector.load %arg2[%get3A_10, %get3A_11] : memref<256x256xf32, #tpu.memory_space<vmem>>, vector<256x256xf32>
    %dot_general3A = arith.constant dense<0.000000e+00> : vector<1000x256xf32>
    %dot_general3A_13 = tpu.matmul %get3A_9, %get3A_12, %dot_general3A {dimension_numbers = #tpu.dot_dimension_numbers<[1], [1], [0], [0], [0, 0, 1, 0], [], []>, transpose_lhs_hint = false} : vector<1000x256xf32>, vector<256x256xf32>, vector<1000x256xf32> -> vector<1000x256xf32>
    %mul3A = vector.broadcast %rsqrt3A : vector<1000x1xf32> to vector<1000x256xf32>
    %mul3A_14 = arith.mulf %dot_general3A_13, %mul3A : vector<1000x256xf32>
    %slice3A_15 = vector.extract_strided_slice %mul3A_14 {offsets = [0, 0], sizes = [1000, 128], strides = [1, 1]} : vector<1000x256xf32> to vector<1000x128xf32>
    %swap3A = arith.constant 0 : index
    %swap3A_16 = arith.constant 0 : index
    %swap3A_17 = vector.load %arg4[%swap3A, %swap3A_16] : memref<1000x128xf32, #tpu.memory_space<vmem>>, vector<1000x128xf32>
    tpu.vector_store %arg4[%swap3A, %swap3A_16], %slice3A_15 {strides = array<i32>} : memref<1000x128xf32, #tpu.memory_space<vmem>>, vector<1000x128xf32>,
    %slice3A_18 = vector.extract_strided_slice %mul3A_14 {offsets = [0, 128], sizes = [1000, 128], strides = [1, 1]} : vector<1000x256xf32> to vector<1000x128xf32>
    %swap3A_19 = arith.constant 0 : index
    %swap3A_20 = arith.constant 0 : index
    %swap3A_21 = vector.load %arg5[%swap3A_19, %swap3A_20] : memref<1000x128xf32, #tpu.memory_space<vmem>>, vector<1000x128xf32>
    tpu.vector_store %arg5[%swap3A_19, %swap3A_20], %slice3A_18 {strides = array<i32>} : memref<1000x128xf32, #tpu.memory_space<vmem>>, vector<1000x128xf32>,
    return
  }
  func.func @transform_0(%arg0: i32) -> (i32, i32) {
    %c0_i32 = arith.constant 0 : i32
    %c0_i32_0 = arith.constant 0 : i32
    return %arg0, %c0_i32 : i32, i32
  }
  func.func @transform_1(%arg0: i32) -> (i32, i32) {
    %c0_i32 = arith.constant 0 : i32
    %c0_i32_0 = arith.constant 0 : i32
    %c0_i32_1 = arith.constant 0 : i32
    return %c0_i32, %c0_i32_0 : i32, i32
  }
  func.func @transform_2(%arg0: i32) -> (i32, i32, i32) {
    %c0_i32 = arith.constant 0 : i32
    %c0_i32_0 = arith.constant 0 : i32
    %c0_i32_1 = arith.constant 0 : i32
    return %c0_i32, %arg0, %c0_i32_0 : i32, i32, i32
  }
  func.func @transform_3(%arg0: i32) -> (i32, i32) {
    %c0_i32 = arith.constant 0 : i32
    %c0_i32_0 = arith.constant 0 : i32
    return %arg0, %c0_i32 : i32, i32
  }
  func.func @transform_4(%arg0: i32) -> (i32, i32) {
    %c0_i32 = arith.constant 0 : i32
    %c0_i32_0 = arith.constant 0 : i32
    return %arg0, %c0_i32 : i32, i32
  }
}

module attributes {stable_mosaic.version = 14 : i64} {
  func.func @_mm2_body(%arg0: i32, %arg1: memref<1x1000x128xf32, #tpu.memory_space<vmem>>, %arg2: memref<1x1000x128xf32, #tpu.memory_space<vmem>>, %arg3: memref<64x256xf32, #tpu.memory_space<vmem>>, %arg4: memref<2x1000x16xf32, #tpu.memory_space<vmem>>, %arg5: memref<1000x64xf32, #tpu.memory_space<vmem>>) attributes {dimension_semantics = [#tpu.dimension_semantics<arbitrary>], iteration_bounds = array<i64: 10>, scalar_prefetch = 0 : i64, scratch_operands = 0 : i64, tpu.core_type = #tpu.core_type<tc>, window_params = [{transform_indices = @transform_0, window_bounds = array<i64: 1, 1000, 128>}, {transform_indices = @transform_1, window_bounds = array<i64: 1, 1000, 128>}, {pipeline_mode = #tpu.pipeline_mode<synchronous>, transform_indices = @transform_2, window_bounds = array<i64: 64, 256>}, {transform_indices = @transform_3, window_bounds = array<i64: 2, 1000, 16>}, {transform_indices = @transform_4, window_bounds = array<i64: 1000, 64>}]} {
    %get3A = arith.constant 0 : index
    %get3A_0 = arith.constant 0 : index
    %get3A_1 = arith.constant 0 : index
    %get3A_2 = vector.load %arg4[%get3A, %get3A_0, %get3A_1] : memref<2x1000x16xf32, #tpu.memory_space<vmem>>, vector<2x1000x16xf32>
    %slice3A = vector.extract_strided_slice %get3A_2 {offsets = [0, 0, 0], sizes = [1, 1000, 1], strides = [1, 1, 1]} : vector<2x1000x16xf32> to vector<1x1000x1xf32>
    %squeeze3A = vector.shape_cast %slice3A : vector<1x1000x1xf32> to vector<1000x1xf32>
    %slice3A_3 = vector.extract_strided_slice %get3A_2 {offsets = [1, 0, 0], sizes = [1, 1000, 1], strides = [1, 1, 1]} : vector<2x1000x16xf32> to vector<1x1000x1xf32>
    %squeeze3A_4 = vector.shape_cast %slice3A_3 : vector<1x1000x1xf32> to vector<1000x1xf32>
    %add3A = arith.addf %squeeze3A, %squeeze3A_4 : vector<1000x1xf32>
    %max3A = arith.constant 1.000000e+00 : f32
    %max3A_5 = vector.broadcast %max3A : f32 to vector<1000x1xf32>
    %max3A_6 = arith.maximumf %add3A, %max3A_5 : vector<1000x1xf32>
    %rsqrt3A = math.rsqrt %max3A_6 : vector<1000x1xf32>
    %get3A_7 = arith.constant 0 : index
    %get3A_8 = arith.constant 0 : index
    %get3A_9 = arith.constant 0 : index
    %get3A_10 = vector.load %arg1[%get3A_7, %get3A_8, %get3A_9] : memref<1x1000x128xf32, #tpu.memory_space<vmem>>, vector<1x1000x128xf32>
    %get3A_11 = vector.shape_cast %get3A_10 : vector<1x1000x128xf32> to vector<1000x128xf32>
    %get3A_12 = arith.constant 0 : index
    %get3A_13 = arith.constant 0 : index
    %get3A_14 = arith.constant 0 : index
    %get3A_15 = vector.load %arg2[%get3A_12, %get3A_13, %get3A_14] : memref<1x1000x128xf32, #tpu.memory_space<vmem>>, vector<1x1000x128xf32>
    %get3A_16 = vector.shape_cast %get3A_15 : vector<1x1000x128xf32> to vector<1000x128xf32>
    %concatenate3A = tpu.concatenate %get3A_11, %get3A_16 in 1 : vector<1000x128xf32>, vector<1000x128xf32> -> vector<1000x256xf32>
    %mul3A = vector.broadcast %rsqrt3A : vector<1000x1xf32> to vector<1000x256xf32>
    %mul3A_17 = arith.mulf %concatenate3A, %mul3A : vector<1000x256xf32>
    %max3A_18 = arith.constant 0.000000e+00 : f32
    %max3A_19 = vector.broadcast %max3A_18 : f32 to vector<1000x256xf32>
    %max3A_20 = arith.maximumf %mul3A_17, %max3A_19 : vector<1000x256xf32>
    %get3A_21 = arith.constant 0 : index
    %get3A_22 = arith.constant 0 : index
    %get3A_23 = vector.load %arg3[%get3A_21, %get3A_22] : memref<64x256xf32, #tpu.memory_space<vmem>>, vector<64x256xf32>
    %dot_general3A = arith.constant dense<0.000000e+00> : vector<1000x64xf32>
    %dot_general3A_24 = tpu.matmul %max3A_20, %get3A_23, %dot_general3A {dimension_numbers = #tpu.dot_dimension_numbers<[1], [1], [0], [0], [0, 0, 1, 0], [], []>, transpose_lhs_hint = false} : vector<1000x256xf32>, vector<64x256xf32>, vector<1000x64xf32> -> vector<1000x64xf32>
    %mul3A_25 = vector.broadcast %rsqrt3A : vector<1000x1xf32> to vector<1000x64xf32>
    %mul3A_26 = arith.mulf %dot_general3A_24, %mul3A_25 : vector<1000x64xf32>
    %swap3A = arith.constant 0 : index
    %swap3A_27 = arith.constant 0 : index
    %swap3A_28 = vector.load %arg5[%swap3A, %swap3A_27] : memref<1000x64xf32, #tpu.memory_space<vmem>>, vector<1000x64xf32>
    tpu.vector_store %arg5[%swap3A, %swap3A_27], %mul3A_26 {strides = array<i32>} : memref<1000x64xf32, #tpu.memory_space<vmem>>, vector<1000x64xf32>,
    return
  }
  func.func @transform_0(%arg0: i32) -> (i32, i32, i32) {
    %c0_i32 = arith.constant 0 : i32
    %c0_i32_0 = arith.constant 0 : i32
    %c0_i32_1 = arith.constant 0 : i32
    return %c0_i32, %arg0, %c0_i32_0 : i32, i32, i32
  }
  func.func @transform_1(%arg0: i32) -> (i32, i32, i32) {
    %c1_i32 = arith.constant 1 : i32
    %c0_i32 = arith.constant 0 : i32
    %c0_i32_0 = arith.constant 0 : i32
    return %c1_i32, %arg0, %c0_i32 : i32, i32, i32
  }
  func.func @transform_2(%arg0: i32) -> (i32, i32) {
    %c0_i32 = arith.constant 0 : i32
    %c0_i32_0 = arith.constant 0 : i32
    %c0_i32_1 = arith.constant 0 : i32
    return %c0_i32, %c0_i32_0 : i32, i32
  }
  func.func @transform_3(%arg0: i32) -> (i32, i32, i32) {
    %c0_i32 = arith.constant 0 : i32
    %c0_i32_0 = arith.constant 0 : i32
    %c0_i32_1 = arith.constant 0 : i32
    return %c0_i32, %arg0, %c0_i32_0 : i32, i32, i32
  }
  func.func @transform_4(%arg0: i32) -> (i32, i32) {
    %c0_i32 = arith.constant 0 : i32
    %c0_i32_0 = arith.constant 0 : i32
    return %arg0, %c0_i32 : i32, i32
  }
}

module attributes {stable_mosaic.version = 14 : i64} {
  func.func @_mmc_body(%arg0: i32, %arg1: memref<1x1000x64xf32, #tpu.memory_space<vmem>>, %arg2: memref<1x1000x64xf32, #tpu.memory_space<vmem>>, %arg3: memref<2x1000x16xf32, #tpu.memory_space<vmem>>, %arg4: memref<1000x64xf32, #tpu.memory_space<vmem>>) attributes {dimension_semantics = [#tpu.dimension_semantics<arbitrary>], iteration_bounds = array<i64: 10>, scalar_prefetch = 0 : i64, scratch_operands = 0 : i64, tpu.core_type = #tpu.core_type<tc>, window_params = [{transform_indices = @transform_0, window_bounds = array<i64: 1, 1000, 64>}, {transform_indices = @transform_1, window_bounds = array<i64: 1, 1000, 64>}, {transform_indices = @transform_2, window_bounds = array<i64: 2, 1000, 16>}, {transform_indices = @transform_3, window_bounds = array<i64: 1000, 64>}]} {
    %get3A = arith.constant 0 : index
    %get3A_0 = arith.constant 0 : index
    %get3A_1 = arith.constant 0 : index
    %get3A_2 = vector.load %arg1[%get3A, %get3A_0, %get3A_1] : memref<1x1000x64xf32, #tpu.memory_space<vmem>>, vector<1x1000x64xf32>
    %get3A_3 = vector.shape_cast %get3A_2 : vector<1x1000x64xf32> to vector<1000x64xf32>
    %get3A_4 = arith.constant 0 : index
    %get3A_5 = arith.constant 0 : index
    %get3A_6 = arith.constant 0 : index
    %get3A_7 = vector.load %arg2[%get3A_4, %get3A_5, %get3A_6] : memref<1x1000x64xf32, #tpu.memory_space<vmem>>, vector<1x1000x64xf32>
    %get3A_8 = vector.shape_cast %get3A_7 : vector<1x1000x64xf32> to vector<1000x64xf32>
    %add3A = arith.addf %get3A_3, %get3A_8 : vector<1000x64xf32>
    %get3A_9 = arith.constant 0 : index
    %get3A_10 = arith.constant 0 : index
    %get3A_11 = arith.constant 0 : index
    %get3A_12 = vector.load %arg3[%get3A_9, %get3A_10, %get3A_11] : memref<2x1000x16xf32, #tpu.memory_space<vmem>>, vector<2x1000x16xf32>
    %slice3A = vector.extract_strided_slice %get3A_12 {offsets = [0, 0, 0], sizes = [1, 1000, 1], strides = [1, 1, 1]} : vector<2x1000x16xf32> to vector<1x1000x1xf32>
    %squeeze3A = vector.shape_cast %slice3A : vector<1x1000x1xf32> to vector<1000x1xf32>
    %slice3A_13 = vector.extract_strided_slice %get3A_12 {offsets = [1, 0, 0], sizes = [1, 1000, 1], strides = [1, 1, 1]} : vector<2x1000x16xf32> to vector<1x1000x1xf32>
    %squeeze3A_14 = vector.shape_cast %slice3A_13 : vector<1x1000x1xf32> to vector<1000x1xf32>
    %add3A_15 = arith.addf %squeeze3A, %squeeze3A_14 : vector<1000x1xf32>
    %max3A = arith.constant 1.000000e+00 : f32
    %max3A_16 = vector.broadcast %max3A : f32 to vector<1000x1xf32>
    %max3A_17 = arith.maximumf %add3A_15, %max3A_16 : vector<1000x1xf32>
    %rsqrt3A = math.rsqrt %max3A_17 : vector<1000x1xf32>
    %mul3A = vector.broadcast %rsqrt3A : vector<1000x1xf32> to vector<1000x64xf32>
    %mul3A_18 = arith.mulf %add3A, %mul3A : vector<1000x64xf32>
    %swap3A = arith.constant 0 : index
    %swap3A_19 = arith.constant 0 : index
    %swap3A_20 = vector.load %arg4[%swap3A, %swap3A_19] : memref<1000x64xf32, #tpu.memory_space<vmem>>, vector<1000x64xf32>
    tpu.vector_store %arg4[%swap3A, %swap3A_19], %mul3A_18 {strides = array<i32>} : memref<1000x64xf32, #tpu.memory_space<vmem>>, vector<1000x64xf32>,
    return
  }
  func.func @transform_0(%arg0: i32) -> (i32, i32, i32) {
    %c0_i32 = arith.constant 0 : i32
    %c0_i32_0 = arith.constant 0 : i32
    %c0_i32_1 = arith.constant 0 : i32
    return %c0_i32, %arg0, %c0_i32_0 : i32, i32, i32
  }
  func.func @transform_1(%arg0: i32) -> (i32, i32, i32) {
    %c1_i32 = arith.constant 1 : i32
    %c0_i32 = arith.constant 0 : i32
    %c0_i32_0 = arith.constant 0 : i32
    return %c1_i32, %arg0, %c0_i32 : i32, i32, i32
  }
  func.func @transform_2(%arg0: i32) -> (i32, i32, i32) {
    %c0_i32 = arith.constant 0 : i32
    %c0_i32_0 = arith.constant 0 : i32
    %c0_i32_1 = arith.constant 0 : i32
    return %c0_i32, %arg0, %c0_i32_0 : i32, i32, i32
  }
  func.func @transform_3(%arg0: i32) -> (i32, i32) {
    %c0_i32 = arith.constant 0 : i32
    %c0_i32_0 = arith.constant 0 : i32
    return %arg0, %c0_i32 : i32, i32
  }
}

module attributes {stable_mosaic.version = 14 : i64} {
  func.func @_mm3_body(%arg0: i32, %arg1: i32, %arg2: memref<1000x64xf32, #tpu.memory_space<vmem>>, %arg3: memref<2560x64xf32, #tpu.memory_space<vmem>>, %arg4: memref<1000x2560xf32, #tpu.memory_space<vmem>>) attributes {dimension_semantics = [#tpu.dimension_semantics<arbitrary>, #tpu.dimension_semantics<arbitrary>], iteration_bounds = array<i64: 10, 4>, scalar_prefetch = 0 : i64, scratch_operands = 0 : i64, tpu.core_type = #tpu.core_type<tc>, window_params = [{transform_indices = @transform_0, window_bounds = array<i64: 1000, 64>}, {transform_indices = @transform_1, window_bounds = array<i64: 2560, 64>}, {transform_indices = @transform_2, window_bounds = array<i64: 1000, 2560>}]} {
    %get3A = arith.constant 0 : index
    %get3A_0 = arith.constant 0 : index
    %get3A_1 = vector.load %arg2[%get3A, %get3A_0] : memref<1000x64xf32, #tpu.memory_space<vmem>>, vector<1000x64xf32>
    %get3A_2 = arith.constant 0 : index
    %get3A_3 = arith.constant 0 : index
    %get3A_4 = vector.load %arg3[%get3A_2, %get3A_3] : memref<2560x64xf32, #tpu.memory_space<vmem>>, vector<2560x64xf32>
    %dot_general3A = arith.constant dense<0.000000e+00> : vector<1000x2560xf32>
    %dot_general3A_5 = tpu.matmul %get3A_1, %get3A_4, %dot_general3A {dimension_numbers = #tpu.dot_dimension_numbers<[1], [1], [0], [0], [0, 0, 1, 0], [], []>, transpose_lhs_hint = false} : vector<1000x64xf32>, vector<2560x64xf32>, vector<1000x2560xf32> -> vector<1000x2560xf32>
    %swap3A = arith.constant 0 : index
    %swap3A_6 = arith.constant 0 : index
    %swap3A_7 = vector.load %arg4[%swap3A, %swap3A_6] : memref<1000x2560xf32, #tpu.memory_space<vmem>>, vector<1000x2560xf32>
    tpu.vector_store %arg4[%swap3A, %swap3A_6], %dot_general3A_5 {strides = array<i32>} : memref<1000x2560xf32, #tpu.memory_space<vmem>>, vector<1000x2560xf32>,
    return
  }
  func.func @transform_0(%arg0: i32, %arg1: i32) -> (i32, i32) {
    %c0_i32 = arith.constant 0 : i32
    %c0_i32_0 = arith.constant 0 : i32
    return %arg0, %c0_i32 : i32, i32
  }
  func.func @transform_1(%arg0: i32, %arg1: i32) -> (i32, i32) {
    %c0_i32 = arith.constant 0 : i32
    %c0_i32_0 = arith.constant 0 : i32
    return %arg1, %c0_i32 : i32, i32
  }
  func.func @transform_2(%arg0: i32, %arg1: i32) -> (i32, i32) {
    %c0_i32 = arith.constant 0 : i32
    return %arg0, %arg1 : i32, i32
  }
}

</mosaic_0001>

<sc_bundles>
// kernel: kernel.12.cloned.1.call-start
scs
__scs_entry_jumppad:
0x0: {  	(pc) =	sbr.rel $0x88, $3  }
0x1: {  	(tag) =	ssettag $0x0;
	lr =	simm.s32 $0x1  }
0x2: {  	[smem:$0x3F9D] =	sst lr;
	_ =	strace $0xD0000000  }
0x3: {  	_ = 	snop  }
0x4: {  	_ = 	snop  }
0x5: {  	_ = 	snop  }
0x6: {  	_ = 	snop  }
0x7: {  	_ = 	snop  }
__scs_overlays_trampoline_lowered:
0x8: {  	[smem:$0x3FAC] =	sst s0  }
0x9: {  	[smem:$0x3FAD] =	sst s1  }
0xa: {  	[smem:$0x3FAE] =	sst s2  }
0xb: {  	[smem:$0x3FAF] =	sst s3  }
0xc: {  	[smem:$0x3FB0] =	sst s4  }
0xd: {  	[smem:$0x3FB1] =	sst s5  }
0xe: {  	[smem:$0x3FB2] =	sst s6  }
0xf: {  	[smem:$0x3FB3] =	sst s7  }
0x10: {  	[smem:$0x3FB4] =	sst s8  }
0x11: {  	[smem:$0x3FB5] =	sst s9;
	s0 =	simm.s32 @!p0 $0x0  }
0x12: {  	s1 =	sld [smem:$0x3F9B];
	s0 =	simm.s32 @p0 $0x1  }
0x13: {  	[smem:$0x3FB6] =	sst s0;
	s0 =	simm.s32 @!p1 $0x0  }
0x14: {  	s2 =	sld [smem:$0x3F9A];
	s0 =	simm.s32 @p1 $0x1  }
0x15: {  	[smem:$0x3FB7] =	sst s0;
	s0 =	simm.s32 @!p2 $0x0  }
0x16: {  	s3 =	sld [smem:$0x3FDB];
	s0 =	simm.s32 @p2 $0x1  }
0x17: {  	s4 =	simm.s32 $0x1BF5;
	[smem:$0x3FB9] =	sst s0  }
0x18: {  	s0 =	sld [smem:$0x3F9C];
	_ =	swait.ge [sflag:s4], $0x0  }
0x19: {  	s7 =	sld [smem:$0x3F9D]  }
0x1a: {  	s8 =	sadd.s32 $0xFFFFE003, lr  }
0x1b: {  	s9 =	sadd.s32 $0xFFFFFEF7, lr;
	s5 =	simm.s32 $0xFFFFFFFF;
	p2 =	slt.u32 s8, $0xFFFFF086  }
0x1c: {  	p1 =	slt.u32 s9, $0xF7A;
	s5 =	simm.s32 @!p2 $0x0  }
0x1d: {  	s5 =	simm.s32 @p1 $0x1;
	p0 =	seq.s32 s7, s2  }
0x1e: {  	s7 =	smul.u32 @!p0 $0xF7A, s2;
	p2 =	seq.s32 @!p0 s5, $0x0  }
0x1f: {  	s9 =	smul.u32 $0xF7A, s1;
	s8 =	simm.s32 @!p0 $0x1BF5;
	p2 =	por !p2, p0  }
0x20: {  	[sflag:s8] =	ssyncset.s32 @!p0 $0xFFFFF086;
	s6 =	sadd.s32 @!p0 s3, s7;
	s7 =	simm.s32 @!p0 $0x108  }
0x21: {  	s3 =	sadd.s32 s3, s9;
	s6 =	sadd.s32 @!p0 $0x88, s6;
	s7 =	simm.s32 @p2 $0x1082  }
0x22: {  	[simem:s7], [sflag:s8] =	dma.local @!p0 [hbm:s6], $0xF7A  }
0x23: {  	s9 =	sor.u32 $0xD0000000, s2;
	s6 =	simm.s32 $0x108;
	_ =	swait.ge @!p0 [sflag:s8], $0x0  }
0x24: {  	s3 =	sadd.s32 $0x88, s3;
	s6 =	simm.s32 @!p1 $0x1082;
	[sflag:s4] =	ssyncset.s32 $0xFFFFF086  }
0x25: {  	[simem:s6], [sflag:s4] =	dma.local [hbm:s3], $0xF7A  }
0x26: {  	[smem:$0x3F9D] =	sst s1;
	(tag) =	ssettag s2;
	_ =	strace s9  }
0x27: {  	s1 =	sld [smem:$0x3FAD]  }
0x28: {  	s2 =	sld [smem:$0x3FAE]  }
0x29: {  	s4 =	sld [smem:$0x3FB0]  }
0x2a: {  	p0 =	seq.s32 s5, $0x0;
	s5 =	sld [smem:$0x3FB1]  }
0x2b: {  	s6 =	sld [smem:$0x3FB2]  }
0x2c: {  	s7 =	sld [smem:$0x3FB3]  }
0x2d: {  	s3 =	simm.s32 $0x108;
	s8 =	sld [smem:$0x3FB4]  }
0x2e: {  	s3 =	simm.s32 @!p0 $0x1082;
	s9 =	sld [smem:$0x3FB5]  }
0x2f: {  	lr =	sadd.s32 s0, s3;
	s0 =	sld [smem:$0x3FAC]  }
0x30: {  	s3 =	sld [smem:$0x3FAF]  }
0x31: {  	[smem:$0x3FB8] =	sst s10  }
0x32: {  	s10 =	sld [smem:$0x3FB6];
	_ =	sdelay $0x3  }
0x33: {  	p0 =	seq.s32 s10, $0x1;
	s10 =	sld [smem:$0x3FB8];
	_ =	sdelay $0x3  }
0x34: {  	[smem:$0x3FB8] =	sst s10  }
0x35: {  	s10 =	sld [smem:$0x3FB7];
	_ =	sdelay $0x3  }
0x36: {  	p1 =	seq.s32 s10, $0x1;
	s10 =	sld [smem:$0x3FB8];
	_ =	sdelay $0x3  }
0x37: {  	[smem:$0x3FB8] =	sst s10  }
0x38: {  	s10 =	sld [smem:$0x3FB9]  }
0x39: {  	_ = 	snop;
	(pc) =	sbr.ind lr, $3  }
0x3a: {  	_ = 	snop  }
0x3b: {  	_ = 	snop  }
0x3c: {  	p2 =	seq.s32 s10, $0x1;
	s10 =	sld [smem:$0x3FB8]  }
0x3d: {  	_ =	shalt  }
0x3e: {  	_ =	shalt  }
0x3f: {  	_ =	shalt  }
0x40: {  	_ =	shalt  }
0x41: {  	_ =	shalt  }
0x42: {  	_ =	shalt  }
0x43: {  	_ =	shalt  }
0x44: {  	_ =	shalt  }
0x45: {  	_ =	shalt  }
0x46: {  	_ =	shalt  }
0x47: {  	_ =	shalt  }
0x48: {  	_ =	shalt  }
0x49: {  	_ =	shalt  }
0x4a: {  	_ =	shalt  }
0x4b: {  	_ =	shalt  }
0x4c: {  	_ =	shalt  }
0x4d: {  	_ =	shalt  }
0x4e: {  	_ =	shalt  }
0x4f: {  	_ =	shalt  }
0x50: {  	_ =	shalt  }
0x51: {  	_ =	shalt  }
0x52: {  	_ =	shalt  }
0x53: {  	_ =	shalt  }
0x54: {  	_ =	shalt  }
0x55: {  	_ =	shalt  }
0x56: {  	_ =	shalt  }
0x57: {  	_ =	shalt  }
0x58: {  	_ =	shalt  }
0x59: {  	_ =	shalt  }
0x5a: {  	_ =	shalt  }
0x5b: {  	_ =	shalt  }
0x5c: {  	_ =	shalt  }
0x5d: {  	_ =	shalt  }
0x5e: {  	_ =	shalt  }
0x5f: {  	_ =	shalt  }
0x60: {  	_ =	shalt  }
0x61: {  	_ =	shalt  }
0x62: {  	_ =	shalt  }
0x63: {  	_ =	shalt  }
0x64: {  	_ =	shalt  }
0x65: {  	_ =	shalt  }
0x66: {  	_ =	shalt  }
0x67: {  	_ =	shalt  }
0x68: {  	_ =	shalt  }
0x69: {  	_ =	shalt  }
0x6a: {  	_ =	shalt  }
0x6b: {  	_ =	shalt  }
0x6c: {  	_ =	shalt  }
0x6d: {  	_ =	shalt  }
0x6e: {  	_ =	shalt  }
0x6f: {  	_ =	shalt  }
0x70: {  	_ =	shalt  }
0x71: {  	_ =	shalt  }
0x72: {  	_ =	shalt  }
0x73: {  	_ =	shalt  }
0x74: {  	_ =	shalt  }
0x75: {  	_ =	shalt  }
0x76: {  	_ =	shalt  }
0x77: {  	_ =	shalt  }
0x78: {  	_ =	shalt  }
0x79: {  	_ =	shalt  }
0x7a: {  	_ =	shalt  }
0x7b: {  	_ =	shalt  }
0x7c: {  	_ =	shalt  }
0x7d: {  	_ =	shalt  }
0x7e: {  	_ =	shalt  }
0x7f: {  	_ =	shalt  }
0x80: {  	_ =	shalt  }
0x81: {  	_ =	shalt  }
0x82: {  	_ =	shalt  }
0x83: {  	_ =	shalt  }
0x84: {  	_ =	shalt  }
0x85: {  	_ =	shalt  }
0x86: {  	_ =	shalt  }
0x87: {  	_ =	shalt  }
.Lfunc_end0:
.L_simem_size_0:
called_computation.1_lowered:
.L_overlay_start_0:
0x88: {  	s2 =	sld [smem:$0x3FD9]  }
0x89: {  	s3 =	sld [smem:$0x3FFE];
	_ =	sdelay $0x1  }
0x8a: {  	s1 =	srdreg.scid  }
0x8b: {  	s0 =	sand.u32 $0x1, s1  }
0x8c: {  	s16 =	sshll.u32 s0, $0xA;
	s2 =	sadd.s32 s3, s2  }
0x8d: {  	s2 =	sadd.s32 s2, s16  }
0x8e: {  	[smem:$0x3FC4] =	sst s2  }
0x8f: {  	_ = 	snop  }
0x90: {  	(tm) =	ssettm $0x1  }
0x91: {  	s17 =	sld [smem:$0x3FFB];
	_ =	sdelay $0x3  }
0x92: {  	_ =	strace s17  }
0x93: {  	s2 =	sld [smem:$0x3FFC];
	_ =	sdelay $0x3  }
0x94: {  	_ =	strace s2  }
0x95: {  	s2 =	sld [smem:$0x3FFD];
	_ =	sdelay $0x3  }
0x96: {  	_ =	strace s2  }
0x97: {  	_ =	strace $0x8FFFFFFF  }
0x98: {  	s18 =	sld [smem:$0x3FDB];
	_ =	sdelay $0x1  }
0x99: {  	s19 =	simm.s32 $_scs_section_size  }
0x9a: {  	s4 =	simm.s32 $_size__tile_overlayer_lowered;
	s5 =	simm.s32 $_tile_overlayer_lowered  }
0x9b: {  	s22 =	simm.s32 $0x1BFF;
	s21 =	sshll.u32 s5, $0x1;
	s2 =	sadd.s32 s19, s18  }
0x9c: {  	s6 =	simm.s32 $0x0;
	s20 =	sshll.u32 s4, $0x1;
	s4 =	sadd.s32 s21, s2  }
0x9d: {  	[timem:s6], [sflag:s22] =	dma.local [hbm:s4], s20  }
0x9e: {  	_ =	swait.ge [sflag:s22], s20  }
0x9f: {  	s3 =	ssub.s32 $0x0, s20;
	[sflag:s22] =	ssyncset.done $0x0  }
0xa0: {  	[sflag:s22] =	ssyncadd.s32 s3;
	_ =	sdelay $0x1  }
0xa1: {  	s23 =	simm.s32 $0x1B8B  }
0xa2: {  	_ =	swait.ge [sflag:s23], $0x1  }
0xa3: {  	[sflag:s23] =	ssyncset.done $0x0  }
0xa4: {  	s25 =	simm.s32 $0x1B8E;
	s24 =	sld [smem:$0x3FFE];
	[sflag:s23] =	ssyncadd.s32 $0xFFFFFFFF  }
0xa5: {  	s26 =	simm.s32 $execute0_lowered;
	[smem:$0x3FD2] =	sst s25  }
0xa6: {  	s4 =	sshll.u32 s26, $0x1;
	_ =	strace $0x80000049;
	[dreg:$0x1] =	wrdreg $0xFFFFFFFF  }
0xa7: {  	s28 =	simm.s32 $_size_execute0_lowered;
	s2 =	sadd.s32 s2, s4;
	[dreg:$0x0] =	wrdreg $0x0  }
0xa8: {  	s4 =	sshll.u32 s28, $0x1;
	[dreg:$0x2] =	wrdreg s2  }
0xa9: {  	[dreg:$0x3] =	wrdreg s4  }
0xaa: {  	[dreg:$0x4] =	wrdreg $0xC0  }
0xab: {  	_ =	task [dreg:s6], $0x5FFFF  }
0xac: {  	[dreg:$0x1] =	wrdreg $0xFFFFFFFF  }
0xad: {  	[dreg:$0x0] =	wrdreg $0x60  }
0xae: {  	[dreg:$0x2] =	wrdreg s24  }
0xaf: {  	[dreg:$0x3] =	wrdreg $0x90000  }
0xb0: {  	[dreg:$0x4] =	wrdreg $0x9  }
0xb1: {  	_ =	task.clear_ibuf [dreg:s6], $0x5FFFF;
	_ =	strace $0x90000049  }
0xb2: {  	s29 =	simm.s32 $0x9;
	_ =	strace $0x8000004B  }
0xb3: {  	_ =	swait.ge [sflag:s29], $0x1  }
0xb4: {  	[sflag:s29] =	ssyncadd.s32 $0xFFFFFFFF  }
0xb5: {  	_ =	strace $0x9000004B  }
0xb6: {  	_ =	sfence  }
0xb7: {  	s30 =	sld [smem:$0x0];
	_ =	sdelay $0x2  }
0xb8: {  	s31 =	sshll.u32 s1, $0xD;
	s1 =	sshrl.u32 s1, $0x2  }
0xb9: {  	s3 =	sand.u32 $0x4000, s31;
	s1 =	sadd.s32 s1, s30  }
0xba: {  	s0 =	sor.u32 s3, s0;
	s1 =	sshll.u32 s1, $0x11  }
0xbb: {  	s0 =	sor.u32 s1, s0  }
0xbc: {  	s0 =	sadd.s32 $0x8F2B, s0  }
0xbd: {  	[sflag:s0] =	ssyncadd.remote.s32 $0x1  }
0xbe: {  	_ =	sfence.sel $0xFFFF  }
0xbf: {  	[dreg:$0x0] =	wrdreg $0xFFFFFFFF;
	(pc) =	sbr.abs _section_cstart, $3  }
0xc0: {  	[dreg:$0x1] =	wrdreg $0xFFFFFFFF  }
0xc1: {  	_ =	task.clear_ibuf [dreg:s6], $0x2FFFF;
	_ =	strace $0x9FFFFFFF  }
0xc2: {  	(tm) =	ssettm $0x7FFFFFFF  }
0xc3: {  	_ =	shalt  }
tec
execute0_lowered:
.L_overlay_start_1:
0x0: {  	(tag) =	ssettag $0x1  }
0x1: {  	s0 =	rddreg [dreg:$0x0]  }
0x2: {  	s10 =	stileid.u32;
	s1 =	srdreg.scid  }
0x3: {  	s2 =	rddreg [dreg:$0x1];
	s3 =	simm.s32 $0x0;
	s12 =	simm.s32 $0x3  }
0x4: {  	s13 =	simm.s32 $0x800;
	s14 =	simm.s32 $0x7D;
	s15 =	simm.s32 $0x1000  }
0x5: {  	s17 =	simm.s32 $0x5000;
	s18 =	simm.s32 $0x1;
	s20 =	simm.s32 $0x2  }
0x6: {  	s16 =	simm.s32 $0x200;
	s19 =	simm.s32 $0x980;
	s21 =	simm.s32 $0x280  }
0x7: {  	s28 =	simm.s32 $0x400;
	s29 =	simm.s32 $0xB80;
	s30 =	simm.s32 $0x0  }
0x8: {  	s6 =	smul.u32 $0x500, s10;
	s1 =	sand.u32 $0x1, s1;
	[smem:$0x7FF] =	sst s3  }
0x9: {  	s8 =	smul.u32 $0x14000, s10;
	s4 =	sadd.s32 $0x16600, s0;
	s5 =	sadd.s32 $0x3D800, s0  }
0xa: {  	s9 =	smul.u32 $0x50000, s10;
	s11 =	sadd.s32 $0x64A00, s0;
	s25 =	sshll.u32 s10, $0x6  }
0xb: {  	s7 =	smul.u32 $0x140000, s1;
	_ =	strace $0x8000004A;
	s22 =	ssub.s32 $0x2, s1  }
0xc: {  	[dreg:$0x3] =	wrdreg s11;
	s31 =	sor.u32 $0x1C03, s25;
	p0 =	seq.s32 s1, $0x1  }
0xd: {  	s11 =	simm.s32 $0x900;
	s25 =	simm.s32 $0x380;
	s6 =	sadd.s32 s6, s0  }
0xe: {  	s23 =	sshrl.u32 s22, $0x1;
	s24 =	sshrl.u32 s9, $0x2;
	s9 =	simm.s32 $0x180  }
0xf: {  	[dreg:$0x4] =	wrdreg s31;
	s7 =	sadd.s32 s8, s7;
	s8 =	sadd.s32 s24, s2  }
0x10: {  	s10 =	sadd.s32 $0x2600, s6;
	s6 =	simm.s32 $0x100;
	s24 =	simm.s32 $0xA80  }
.Ltmp0:
0x11: {  	s7 =	sshrl.u32 s7, $0x3;
	s1 =	sshrl.u32 s8, $0x3;
	(pc) =	sbr.rel .LBB2_1-.Ltmp0, $4  }
0x12: {  	s8 =	simm.s32 $0x80;
	s0 =	sadd.s32 s7, s0;
	s7 =	ssub.s32 s22, s23  }
0x13: {  	s22 =	simm.s32 $0xA00;
	[dreg:$0x7] =	wrdreg s1;
	s0 =	sadd.s32 $0x67200, s0  }
0x14: {  	s23 =	simm.s32 $0x300;
	s26 =	smax.u32 s7, $0x1;
	[dreg:$0x5] =	wrdreg s0  }
0x15: {  	s7 =	simm.s32 $0x880;
	[dreg:$0x6] =	wrdreg s26;
	s26 =	simm.s32 $0xB00  }
.LBB2_7:
0x16: {  	s1 =	sadd.s32 $0x5000, s0;
	[sflag:s12] =	ssyncadd.s32 $0xFFFFC180  }
0x17: {  	[tilespmem:s3], [sflag:$0x3] =	stream.linear.gather [hbm4b:s1+s3], $0x800, $0x38;
	[tilespmem:$0x1D000] =	vst v63  }
0x18: {  	_ =	swait.ge [sflag:s12], $0x800  }
0x19: {  	[sflag:s12] =	ssyncset.done $0x0  }
0x1a: {  	[sflag:s12] =	ssyncadd.s32 $0xFFFFF800  }
0x1b: {  	[tilespmem:s13], [sflag:$0x3] =	stream.linear.gather [hbm4b:s0+s3], $0x800, $0x38;
	[tilespmem:$0x1D000] =	vst v63  }
0x1c: {  	_ =	swait.ge [sflag:s12], $0x800  }
0x1d: {  	[sflag:s12] =	ssyncset.done $0x0  }
0x1e: {  	[sflag:s12] =	ssyncadd.s32 $0xFFFFF800  }
0x1f: {  	[tilespmem:s15], [sflag:$0x1] =	stream.indirect.gather [hbm4b:s5+s14], $0x80, s3, s14, $0xb8;
	[tilespmem:$0x1D000] =	vst v63  }
0x20: {  	_ = 	snop  }
0x21: {  	[tilespmem:s17], [sflag:$0x2] =	stream.indirect.gather [hbm4b:s5+s14], $0x80, s8, s14, $0xb8;
	[tilespmem:$0x1D000] =	vst v63  }
0x22: {  	_ =	swait.ge [sflag:s18], $0x3E80  }
0x23: {  	[sflag:s18] =	ssyncset.done $0x0  }
0x24: {  	[sflag:s18] =	ssyncadd.s32 $0xFFFFC180  }
0x25: {  	[spmem:s2] =	stream.indirect.scatter.add.f32 [tilespmem:s15], [sflag:$0x3], $0x80, s13, s14, $0xb8;
	[tilespmem:$0x1D000] =	vst v63  }
0x26: {  	_ =	swait.ge [sflag:s12], $0x3E80  }
0x27: {  	[sflag:s12] =	ssyncset.done $0x0  }
0x28: {  	[sflag:s12] =	ssyncadd.s32 $0xFFFFC180  }
0x29: {  	[tilespmem:s15], [sflag:$0x1] =	stream.indirect.gather [hbm4b:s5+s14], $0x80, s9, s14, $0xb8;
	[tilespmem:$0x1D000] =	vst v63  }
0x2a: {  	_ =	swait.ge [sflag:s20], $0x3E80  }
0x2b: {  	[sflag:s20] =	ssyncset.done $0x0  }
0x2c: {  	[sflag:s20] =	ssyncadd.s32 $0xFFFFC180  }
0x2d: {  	[spmem:s2] =	stream.indirect.scatter.add.f32 [tilespmem:s17], [sflag:$0x3], $0x80, s7, s14, $0xb8;
	[tilespmem:$0x1D000] =	vst v63  }
0x2e: {  	_ =	swait.ge [sflag:s12], $0x3E80  }
0x2f: {  	[sflag:s12] =	ssyncset.done $0x0  }
0x30: {  	[sflag:s12] =	ssyncadd.s32 $0xFFFFC180  }
0x31: {  	[tilespmem:s17], [sflag:$0x2] =	stream.indirect.gather [hbm4b:s5+s14], $0x80, s11, s14, $0xb8;
	[tilespmem:$0x1D000] =	vst v63  }
0x32: {  	_ =	swait.ge [sflag:s18], $0x3E80  }
0x33: {  	[sflag:s18] =	ssyncset.done $0x0  }
0x34: {  	[sflag:s18] =	ssyncadd.s32 $0xFFFFC180  }
0x35: {  	[spmem:s2] =	stream.indirect.scatter.add.f32 [tilespmem:s15], [sflag:$0x3], $0x80, s16, s14, $0xb8;
	[tilespmem:$0x1D000] =	vst v63  }
0x36: {  	_ =	swait.ge [sflag:s12], $0x3E80  }
0x37: {  	[sflag:s12] =	ssyncset.done $0x0  }
0x38: {  	[sflag:s12] =	ssyncadd.s32 $0xFFFFC180  }
0x39: {  	[tilespmem:s15], [sflag:$0x1] =	stream.indirect.gather [hbm4b:s5+s14], $0x80, s19, s14, $0xb8;
	[tilespmem:$0x1D000] =	vst v63  }
0x3a: {  	_ =	swait.ge [sflag:s20], $0x3E80  }
0x3b: {  	[sflag:s20] =	ssyncset.done $0x0  }
0x3c: {  	[sflag:s20] =	ssyncadd.s32 $0xFFFFC180  }
0x3d: {  	[spmem:s2] =	stream.indirect.scatter.add.f32 [tilespmem:s17], [sflag:$0x3], $0x80, s21, s14, $0xb8;
	[tilespmem:$0x1D000] =	vst v63  }
0x3e: {  	_ =	swait.ge [sflag:s12], $0x3E80  }
0x3f: {  	[sflag:s12] =	ssyncset.done $0x0  }
0x40: {  	[sflag:s12] =	ssyncadd.s32 $0xFFFFC180  }
0x41: {  	[tilespmem:s17], [sflag:$0x2] =	stream.indirect.gather [hbm4b:s5+s14], $0x80, s22, s14, $0xb8;
	[tilespmem:$0x1D000] =	vst v63  }
0x42: {  	_ =	swait.ge [sflag:s18], $0x3E80  }
0x43: {  	[sflag:s18] =	ssyncset.done $0x0  }
0x44: {  	[sflag:s18] =	ssyncadd.s32 $0xFFFFC180  }
0x45: {  	[spmem:s2] =	stream.indirect.scatter.add.f32 [tilespmem:s15], [sflag:$0x3], $0x80, s23, s14, $0xb8;
	[tilespmem:$0x1D000] =	vst v63  }
0x46: {  	_ =	swait.ge [sflag:s12], $0x3E80  }
0x47: {  	[sflag:s12] =	ssyncset.done $0x0  }
0x48: {  	[sflag:s12] =	ssyncadd.s32 $0xFFFFC180  }
0x49: {  	[tilespmem:s15], [sflag:$0x1] =	stream.indirect.gather [hbm4b:s5+s14], $0x80, s24, s14, $0xb8;
	[tilespmem:$0x1D000] =	vst v63  }
0x4a: {  	_ =	swait.ge [sflag:s20], $0x3E80  }
0x4b: {  	[sflag:s20] =	ssyncset.done $0x0  }
0x4c: {  	[sflag:s20] =	ssyncadd.s32 $0xFFFFC180  }
0x4d: {  	[spmem:s2] =	stream.indirect.scatter.add.f32 [tilespmem:s17], [sflag:$0x3], $0x80, s25, s14, $0xb8;
	[tilespmem:$0x1D000] =	vst v63  }
0x4e: {  	_ =	swait.ge [sflag:s12], $0x3E80  }
0x4f: {  	[sflag:s12] =	ssyncset.done $0x0  }
0x50: {  	[sflag:s12] =	ssyncadd.s32 $0xFFFFC180  }
0x51: {  	[tilespmem:s17], [sflag:$0x2] =	stream.indirect.gather [hbm4b:s5+s14], $0x80, s26, s14, $0xb8;
	[tilespmem:$0x1D000] =	vst v63  }
0x52: {  	_ =	swait.ge [sflag:s18], $0x3E80  }
0x53: {  	[sflag:s18] =	ssyncset.done $0x0  }
0x54: {  	[sflag:s18] =	ssyncadd.s32 $0xFFFFC180  }
0x55: {  	[spmem:s2] =	stream.indirect.scatter.add.f32 [tilespmem:s15], [sflag:$0x3], $0x80, s28, s14, $0xb8;
	[tilespmem:$0x1D000] =	vst v63  }
0x56: {  	_ =	swait.ge [sflag:s12], $0x3E80  }
0x57: {  	[sflag:s12] =	ssyncset.done $0x0  }
0x58: {  	[sflag:s12] =	ssyncadd.s32 $0xFFFFC180  }
0x59: {  	[tilespmem:s15], [sflag:$0x1] =	stream.indirect.gather [hbm4b:s5+s14], $0x80, s29, s14, $0xb8;
	[tilespmem:$0x1D000] =	vst v63  }
0x5a: {  	_ =	swait.ge [sflag:s20], $0x3E80  }
0x5b: {  	[sflag:s20] =	ssyncset.done $0x0  }
0x5c: {  	[sflag:s20] =	ssyncadd.s32 $0xFFFFC180  }
0x5d: {  	[spmem:s2] =	stream.indirect.scatter.add.f32 [tilespmem:s17], [sflag:$0x3], $0x80, s30, s14, $0xb8;
	[tilespmem:$0x1D000] =	vst v63  }
0x5e: {  	_ =	swait.ge [sflag:s12], $0x3E80  }
0x5f: {  	[sflag:s12] =	ssyncset.done $0x0  }
0x60: {  	s31 =	simm.s32 $0x480;
	[sflag:s12] =	ssyncadd.s32 $0xFFFFC180  }
0x61: {  	[tilespmem:s17], [sflag:$0x2] =	stream.indirect.gather [hbm4b:s5+s14], $0x80, s31, s14, $0xb8;
	[tilespmem:$0x1D000] =	vst v63  }
0x62: {  	_ =	swait.ge [sflag:s18], $0x3E80  }
0x63: {  	[sflag:s18] =	ssyncset.done $0x0  }
0x64: {  	s1 =	simm.s32 $0xC00;
	[sflag:s18] =	ssyncadd.s32 $0xFFFFC180  }
0x65: {  	[spmem:s2] =	stream.indirect.scatter.add.f32 [tilespmem:s15], [sflag:$0x3], $0x80, s1, s14, $0xb8;
	[tilespmem:$0x1D000] =	vst v63  }
0x66: {  	_ =	swait.ge [sflag:s12], $0x3E80  }
0x67: {  	[sflag:s12] =	ssyncset.done $0x0  }
0x68: {  	s6 =	simm.s32 $0x500;
	[sflag:s12] =	ssyncadd.s32 $0xFFFFC180  }
0x69: {  	[tilespmem:s15], [sflag:$0x1] =	stream.indirect.gather [hbm4b:s5+s14], $0x80, s6, s14, $0xb8;
	[tilespmem:$0x1D000] =	vst v63  }
0x6a: {  	_ =	swait.ge [sflag:s20], $0x3E80  }
0x6b: {  	[sflag:s20] =	ssyncset.done $0x0  }
0x6c: {  	s7 =	simm.s32 $0xC80;
	[sflag:s20] =	ssyncadd.s32 $0xFFFFC180  }
0x6d: {  	[spmem:s2] =	stream.indirect.scatter.add.f32 [tilespmem:s17], [sflag:$0x3], $0x80, s7, s14, $0xb8;
	[tilespmem:$0x1D000] =	vst v63  }
0x6e: {  	_ =	swait.ge [sflag:s12], $0x3E80  }
0x6f: {  	[sflag:s12] =	ssyncset.done $0x0  }
0x70: {  	s9 =	simm.s32 $0x580;
	[sflag:s12] =	ssyncadd.s32 $0xFFFFC180  }
0x71: {  	[tilespmem:s17], [sflag:$0x2] =	stream.indirect.gather [hbm4b:s5+s14], $0x80, s9, s14, $0xb8;
	[tilespmem:$0x1D000] =	vst v63  }
0x72: {  	_ =	swait.ge [sflag:s18], $0x3E80  }
0x73: {  	[sflag:s18] =	ssyncset.done $0x0  }
0x74: {  	s11 =	simm.s32 $0xD00;
	[sflag:s18] =	ssyncadd.s32 $0xFFFFC180  }
0x75: {  	[spmem:s2] =	stream.indirect.scatter.add.f32 [tilespmem:s15], [sflag:$0x3], $0x80, s11, s14, $0xb8;
	[tilespmem:$0x1D000] =	vst v63  }
0x76: {  	_ =	swait.ge [sflag:s12], $0x3E80  }
0x77: {  	[sflag:s12] =	ssyncset.done $0x0  }
0x78: {  	s16 =	simm.s32 $0x600;
	[sflag:s12] =	ssyncadd.s32 $0xFFFFC180  }
0x79: {  	[tilespmem:s15], [sflag:$0x1] =	stream.indirect.gather [hbm4b:s5+s14], $0x80, s16, s14, $0xb8;
	[tilespmem:$0x1D000] =	vst v63  }
0x7a: {  	_ =	swait.ge [sflag:s20], $0x3E80  }
0x7b: {  	[sflag:s20] =	ssyncset.done $0x0  }
0x7c: {  	s19 =	simm.s32 $0xD80;
	[sflag:s20] =	ssyncadd.s32 $0xFFFFC180  }
0x7d: {  	[spmem:s2] =	stream.indirect.scatter.add.f32 [tilespmem:s17], [sflag:$0x3], $0x80, s19, s14, $0xb8;
	[tilespmem:$0x1D000] =	vst v63  }
0x7e: {  	_ =	swait.ge [sflag:s12], $0x3E80  }
0x7f: {  	[sflag:s12] =	ssyncset.done $0x0  }
0x80: {  	s21 =	simm.s32 $0x680;
	[sflag:s12] =	ssyncadd.s32 $0xFFFFC180  }
0x81: {  	[tilespmem:s17], [sflag:$0x2] =	stream.indirect.gather [hbm4b:s5+s14], $0x80, s21, s14, $0xb8;
	[tilespmem:$0x1D000] =	vst v63  }
0x82: {  	_ =	swait.ge [sflag:s18], $0x3E80  }
0x83: {  	[sflag:s18] =	ssyncset.done $0x0  }
0x84: {  	s22 =	simm.s32 $0xE00;
	[sflag:s18] =	ssyncadd.s32 $0xFFFFC180  }
0x85: {  	[spmem:s2] =	stream.indirect.scatter.add.f32 [tilespmem:s15], [sflag:$0x3], $0x80, s22, s14, $0xb8;
	[tilespmem:$0x1D000] =	vst v63  }
0x86: {  	_ =	swait.ge [sflag:s12], $0x3E80  }
0x87: {  	[sflag:s12] =	ssyncset.done $0x0  }
0x88: {  	s23 =	simm.s32 $0x700;
	[sflag:s12] =	ssyncadd.s32 $0xFFFFC180  }
0x89: {  	[tilespmem:s15], [sflag:$0x1] =	stream.indirect.gather [hbm4b:s5+s14], $0x80, s23, s14, $0xb8;
	[tilespmem:$0x1D000] =	vst v63  }
0x8a: {  	_ =	swait.ge [sflag:s20], $0x3E80  }
0x8b: {  	[sflag:s20] =	ssyncset.done $0x0  }
0x8c: {  	s24 =	simm.s32 $0xE80;
	[sflag:s20] =	ssyncadd.s32 $0xFFFFC180  }
0x8d: {  	[spmem:s2] =	stream.indirect.scatter.add.f32 [tilespmem:s17], [sflag:$0x3], $0x80, s24, s14, $0xb8;
	[tilespmem:$0x1D000] =	vst v63  }
0x8e: {  	_ =	swait.ge [sflag:s12], $0x3E80  }
0x8f: {  	[sflag:s12] =	ssyncset.done $0x0  }
0x90: {  	s25 =	simm.s32 $0x780;
	[sflag:s12] =	ssyncadd.s32 $0xFFFFC180  }
0x91: {  	[tilespmem:s17], [sflag:$0x2] =	stream.indirect.gather [hbm4b:s5+s14], $0x80, s25, s14, $0xb8;
	[tilespmem:$0x1D000] =	vst v63  }
0x92: {  	_ =	swait.ge [sflag:s18], $0x3E80  }
0x93: {  	[sflag:s18] =	ssyncset.done $0x0  }
0x94: {  	s26 =	simm.s32 $0xF00;
	[sflag:s18] =	ssyncadd.s32 $0xFFFFC180  }
0x95: {  	[spmem:s2] =	stream.indirect.scatter.add.f32 [tilespmem:s15], [sflag:$0x3], $0x80, s26, s14, $0xb8;
	[tilespmem:$0x1D000] =	vst v63  }
0x96: {  	_ =	swait.ge [sflag:s12], $0x3E80  }
0x97: {  	s28 =	simm.s32 $0x400;
	s29 =	simm.s32 $0xB80;
	[sflag:s12] =	ssyncset.done $0x0  }
0x98: {  	s31 =	simm.s32 $0xF80;
	s6 =	simm.s32 $0x100;
	[sflag:s12] =	ssyncadd.s32 $0xFFFFC180  }
0x99: {  	s7 =	simm.s32 $0x880;
	s9 =	simm.s32 $0x180;
	_ =	swait.ge [sflag:s20], $0x3E80  }
0x9a: {  	s11 =	simm.s32 $0x900;
	s16 =	simm.s32 $0x200;
	[sflag:s20] =	ssyncset.done $0x0  }
0x9b: {  	s19 =	simm.s32 $0x980;
	s21 =	simm.s32 $0x280;
	[sflag:s20] =	ssyncadd.s32 $0xFFFFC180  }
0x9c: {  	[spmem:s2] =	stream.indirect.scatter.add.f32 [tilespmem:s17], [sflag:$0x3], $0x80, s31, s14, $0xb8;
	[tilespmem:$0x1D000] =	vst v63  }
0x9d: {  	s22 =	simm.s32 $0xA00;
	s23 =	simm.s32 $0x300;
	_ =	swait.ge [sflag:s12], $0x3E80  }
0x9e: {  	s24 =	simm.s32 $0xA80;
	s25 =	simm.s32 $0x380;
	[sflag:s12] =	ssyncset.done $0x0  }
0x9f: {  	s26 =	simm.s32 $0xB00;
	s30 =	rddreg [dreg:$0x8];
	[sflag:s12] =	ssyncadd.s32 $0xFFFFC180  }
.LBB2_8:
0xa0: {  	[bflag:$0x0] =	sbarrier.arrive $0xFFFF  }
0xa1: {  	s31 =	rddreg [dreg:$0x4]  }
0xa2: {  	s0 =	rddreg [dreg:$0x5]  }
0xa3: {  	s1 =	rddreg [dreg:$0x7]  }
0xa4: {  	[hbm:s0], [sflag:s31] =	dma.local [spmem:s1], $0x2800  }
0xa5: {  	_ =	swait.ge [sflag:s12], $0x2800  }
0xa6: {  	s30 =	sadd.s32 $0x1, s30;
	s0 =	rddreg [dreg:$0x6]  }
0xa7: {  	p1 =	sne.s32 s30, s0  }
.Ltmp1:
0xa8: {  	_ = 	snop;
	(pc) =	sbr.rel @!p1 .LBB2_9-.Ltmp1, $3  }
0xa9: {  	_ =	sdelay $0x1  }
0xaa: {  	[sflag:s12] =	ssyncset.done $0x0  }
0xab: {  	[sflag:s12] =	ssyncadd.s32 $0xFFFFD800  }
.LBB2_1:
0xac: {  	[dreg:$0x8] =	wrdreg s30  }
0xad: {  	s0 =	rddreg [dreg:$0x3]  }
0xae: {  	[spmem:s1], [sflag:s31] =	dma.local [hbm:s0], $0x2800  }
.Ltmp2:
0xaf: {  	_ =	swait.ge [sflag:s12], $0x2800;
	(pc) =	sbr.rel @!p0 .LBB2_2-.Ltmp2, $4  }
0xb0: {  	[sflag:s12] =	ssyncset.done $0x0  }
0xb1: {  	[sflag:s12] =	ssyncadd.s32 $0xFFFFD800  }
0xb2: {  	s0 =	sadd.s32 $0x0, s10;
	[bflag:$0x0] =	sbarrier.arrive $0xFFFF  }
0xb3: {  	s1 =	sadd.s32 $0x5000, s0  }
0xb4: {  	[tilespmem:s3], [sflag:$0x3] =	stream.linear.gather [hbm4b:s1+s3], $0x800, $0x38;
	[tilespmem:$0x1D000] =	vst v63  }
0xb5: {  	_ =	swait.ge [sflag:s12], $0x800  }
0xb6: {  	[sflag:s12] =	ssyncset.done $0x0  }
0xb7: {  	[sflag:s12] =	ssyncadd.s32 $0xFFFFF800  }
0xb8: {  	[tilespmem:s13], [sflag:$0x3] =	stream.linear.gather [hbm4b:s0+s3], $0x800, $0x38;
	[tilespmem:$0x1D000] =	vst v63  }
0xb9: {  	_ =	swait.ge [sflag:s12], $0x800  }
0xba: {  	[sflag:s12] =	ssyncset.done $0x0  }
0xbb: {  	[sflag:s12] =	ssyncadd.s32 $0xFFFFF800  }
0xbc: {  	[tilespmem:s15], [sflag:$0x1] =	stream.indirect.gather [hbm4b:s5+s14], $0x80, s3, s14, $0xb8;
	[tilespmem:$0x1D000] =	vst v63  }
0xbd: {  	_ = 	snop  }
0xbe: {  	[tilespmem:s17], [sflag:$0x2] =	stream.indirect.gather [hbm4b:s5+s14], $0x80, s8, s14, $0xb8;
	[tilespmem:$0x1D000] =	vst v63  }
0xbf: {  	_ =	swait.ge [sflag:s18], $0x3E80  }
0xc0: {  	[sflag:s18] =	ssyncset.done $0x0  }
0xc1: {  	[sflag:s18] =	ssyncadd.s32 $0xFFFFC180  }
0xc2: {  	[spmem:s2] =	stream.indirect.scatter.add.f32 [tilespmem:s15], [sflag:$0x3], $0x80, s13, s14, $0xb8;
	[tilespmem:$0x1D000] =	vst v63  }
0xc3: {  	_ =	swait.ge [sflag:s12], $0x3E80  }
0xc4: {  	[sflag:s12] =	ssyncset.done $0x0  }
0xc5: {  	[sflag:s12] =	ssyncadd.s32 $0xFFFFC180  }
0xc6: {  	[tilespmem:s15], [sflag:$0x1] =	stream.indirect.gather [hbm4b:s5+s14], $0x80, s6, s14, $0xb8;
	[tilespmem:$0x1D000] =	vst v63  }
0xc7: {  	_ =	swait.ge [sflag:s20], $0x3E80  }
0xc8: {  	[sflag:s20] =	ssyncset.done $0x0  }
0xc9: {  	[sflag:s20] =	ssyncadd.s32 $0xFFFFC180  }
0xca: {  	[spmem:s2] =	stream.indirect.scatter.add.f32 [tilespmem:s17], [sflag:$0x3], $0x80, s7, s14, $0xb8;
	[tilespmem:$0x1D000] =	vst v63  }
0xcb: {  	_ =	swait.ge [sflag:s12], $0x3E80  }
0xcc: {  	[sflag:s12] =	ssyncset.done $0x0  }
0xcd: {  	[sflag:s12] =	ssyncadd.s32 $0xFFFFC180  }
0xce: {  	[tilespmem:s17], [sflag:$0x2] =	stream.indirect.gather [hbm4b:s5+s14], $0x80, s9, s14, $0xb8;
	[tilespmem:$0x1D000] =	vst v63  }
0xcf: {  	_ =	swait.ge [sflag:s18], $0x3E80  }
0xd0: {  	[sflag:s18] =	ssyncset.done $0x0  }
0xd1: {  	[sflag:s18] =	ssyncadd.s32 $0xFFFFC180  }
0xd2: {  	[spmem:s2] =	stream.indirect.scatter.add.f32 [tilespmem:s15], [sflag:$0x3], $0x80, s11, s14, $0xb8;
	[tilespmem:$0x1D000] =	vst v63  }
0xd3: {  	_ =	swait.ge [sflag:s12], $0x3E80  }
0xd4: {  	[sflag:s12] =	ssyncset.done $0x0  }
0xd5: {  	[sflag:s12] =	ssyncadd.s32 $0xFFFFC180  }
0xd6: {  	[tilespmem:s15], [sflag:$0x1] =	stream.indirect.gather [hbm4b:s5+s14], $0x80, s16, s14, $0xb8;
	[tilespmem:$0x1D000] =	vst v63  }
0xd7: {  	_ =	swait.ge [sflag:s20], $0x3E80  }
0xd8: {  	[sflag:s20] =	ssyncset.done $0x0  }
0xd9: {  	[sflag:s20] =	ssyncadd.s32 $0xFFFFC180  }
0xda: {  	[spmem:s2] =	stream.indirect.scatter.add.f32 [tilespmem:s17], [sflag:$0x3], $0x80, s19, s14, $0xb8;
	[tilespmem:$0x1D000] =	vst v63  }
0xdb: {  	_ =	swait.ge [sflag:s12], $0x3E80  }
0xdc: {  	[sflag:s12] =	ssyncset.done $0x0  }
0xdd: {  	[sflag:s12] =	ssyncadd.s32 $0xFFFFC180  }
0xde: {  	[tilespmem:s17], [sflag:$0x2] =	stream.indirect.gather [hbm4b:s5+s14], $0x80, s21, s14, $0xb8;
	[tilespmem:$0x1D000] =	vst v63  }
0xdf: {  	_ =	swait.ge [sflag:s18], $0x3E80  }
0xe0: {  	[sflag:s18] =	ssyncset.done $0x0  }
0xe1: {  	[sflag:s18] =	ssyncadd.s32 $0xFFFFC180  }
0xe2: {  	[spmem:s2] =	stream.indirect.scatter.add.f32 [tilespmem:s15], [sflag:$0x3], $0x80, s22, s14, $0xb8;
	[tilespmem:$0x1D000] =	vst v63  }
0xe3: {  	_ =	swait.ge [sflag:s12], $0x3E80  }
0xe4: {  	[sflag:s12] =	ssyncset.done $0x0  }
0xe5: {  	[sflag:s12] =	ssyncadd.s32 $0xFFFFC180  }
0xe6: {  	[tilespmem:s15], [sflag:$0x1] =	stream.indirect.gather [hbm4b:s5+s14], $0x80, s23, s14, $0xb8;
	[tilespmem:$0x1D000] =	vst v63  }
0xe7: {  	_ =	swait.ge [sflag:s20], $0x3E80  }
0xe8: {  	[sflag:s20] =	ssyncset.done $0x0  }
0xe9: {  	[sflag:s20] =	ssyncadd.s32 $0xFFFFC180  }
0xea: {  	[spmem:s2] =	stream.indirect.scatter.add.f32 [tilespmem:s17], [sflag:$0x3], $0x80, s24, s14, $0xb8;
	[tilespmem:$0x1D000] =	vst v63  }
0xeb: {  	_ =	swait.ge [sflag:s12], $0x3E80  }
0xec: {  	[sflag:s12] =	ssyncset.done $0x0  }
0xed: {  	[sflag:s12] =	ssyncadd.s32 $0xFFFFC180  }
0xee: {  	[tilespmem:s17], [sflag:$0x2] =	stream.indirect.gather [hbm4b:s5+s14], $0x80, s25, s14, $0xb8;
	[tilespmem:$0x1D000] =	vst v63  }
0xef: {  	_ =	swait.ge [sflag:s18], $0x3E80  }
0xf0: {  	[sflag:s18] =	ssyncset.done $0x0  }
0xf1: {  	[sflag:s18] =	ssyncadd.s32 $0xFFFFC180  }
0xf2: {  	[spmem:s2] =	stream.indirect.scatter.add.f32 [tilespmem:s15], [sflag:$0x3], $0x80, s26, s14, $0xb8;
	[tilespmem:$0x1D000] =	vst v63  }
0xf3: {  	_ =	swait.ge [sflag:s12], $0x3E80  }
0xf4: {  	[sflag:s12] =	ssyncset.done $0x0  }
0xf5: {  	[sflag:s12] =	ssyncadd.s32 $0xFFFFC180  }
0xf6: {  	[tilespmem:s15], [sflag:$0x1] =	stream.indirect.gather [hbm4b:s5+s14], $0x80, s28, s14, $0xb8;
	[tilespmem:$0x1D000] =	vst v63  }
0xf7: {  	_ =	swait.ge [sflag:s20], $0x3E80  }
0xf8: {  	[sflag:s20] =	ssyncset.done $0x0  }
0xf9: {  	[sflag:s20] =	ssyncadd.s32 $0xFFFFC180  }
0xfa: {  	[spmem:s2] =	stream.indirect.scatter.add.f32 [tilespmem:s17], [sflag:$0x3], $0x80, s29, s14, $0xb8;
	[tilespmem:$0x1D000] =	vst v63  }
0xfb: {  	_ =	swait.ge [sflag:s12], $0x3E80  }
0xfc: {  	[sflag:s12] =	ssyncset.done $0x0  }
0xfd: {  	s1 =	simm.s32 $0x480;
	[sflag:s12] =	ssyncadd.s32 $0xFFFFC180  }
0xfe: {  	[tilespmem:s17], [sflag:$0x2] =	stream.indirect.gather [hbm4b:s5+s14], $0x80, s1, s14, $0xb8;
	[tilespmem:$0x1D000] =	vst v63  }
0xff: {  	_ =	swait.ge [sflag:s18], $0x3E80  }
0x100: {  	[sflag:s18] =	ssyncset.done $0x0  }
0x101: {  	s6 =	simm.s32 $0xC00;
	[sflag:s18] =	ssyncadd.s32 $0xFFFFC180  }
0x102: {  	[spmem:s2] =	stream.indirect.scatter.add.f32 [tilespmem:s15], [sflag:$0x3], $0x80, s6, s14, $0xb8;
	[tilespmem:$0x1D000] =	vst v63  }
0x103: {  	_ =	swait.ge [sflag:s12], $0x3E80  }
0x104: {  	[sflag:s12] =	ssyncset.done $0x0  }
0x105: {  	s7 =	simm.s32 $0x500;
	[sflag:s12] =	ssyncadd.s32 $0xFFFFC180  }
0x106: {  	[tilespmem:s15], [sflag:$0x1] =	stream.indirect.gather [hbm4b:s5+s14], $0x80, s7, s14, $0xb8;
	[tilespmem:$0x1D000] =	vst v63  }
0x107: {  	_ =	swait.ge [sflag:s20], $0x3E80  }
0x108: {  	[sflag:s20] =	ssyncset.done $0x0  }
0x109: {  	s8 =	simm.s32 $0xC80;
	[sflag:s20] =	ssyncadd.s32 $0xFFFFC180  }
0x10a: {  	[spmem:s2] =	stream.indirect.scatter.add.f32 [tilespmem:s17], [sflag:$0x3], $0x80, s8, s14, $0xb8;
	[tilespmem:$0x1D000] =	vst v63  }
0x10b: {  	_ =	swait.ge [sflag:s12], $0x3E80  }
0x10c: {  	[sflag:s12] =	ssyncset.done $0x0  }
0x10d: {  	s9 =	simm.s32 $0x580;
	[sflag:s12] =	ssyncadd.s32 $0xFFFFC180  }
0x10e: {  	[tilespmem:s17], [sflag:$0x2] =	stream.indirect.gather [hbm4b:s5+s14], $0x80, s9, s14, $0xb8;
	[tilespmem:$0x1D000] =	vst v63  }
0x10f: {  	_ =	swait.ge [sflag:s18], $0x3E80  }
0x110: {  	[sflag:s18] =	ssyncset.done $0x0  }
0x111: {  	s11 =	simm.s32 $0xD00;
	[sflag:s18] =	ssyncadd.s32 $0xFFFFC180  }
0x112: {  	[spmem:s2] =	stream.indirect.scatter.add.f32 [tilespmem:s15], [sflag:$0x3], $0x80, s11, s14, $0xb8;
	[tilespmem:$0x1D000] =	vst v63  }
0x113: {  	_ =	swait.ge [sflag:s12], $0x3E80  }
0x114: {  	[sflag:s12] =	ssyncset.done $0x0  }
0x115: {  	s16 =	simm.s32 $0x600;
	[sflag:s12] =	ssyncadd.s32 $0xFFFFC180  }
0x116: {  	[tilespmem:s15], [sflag:$0x1] =	stream.indirect.gather [hbm4b:s5+s14], $0x80, s16, s14, $0xb8;
	[tilespmem:$0x1D000] =	vst v63  }
0x117: {  	_ =	swait.ge [sflag:s20], $0x3E80  }
0x118: {  	[sflag:s20] =	ssyncset.done $0x0  }
0x119: {  	s19 =	simm.s32 $0xD80;
	[sflag:s20] =	ssyncadd.s32 $0xFFFFC180  }
0x11a: {  	[spmem:s2] =	stream.indirect.scatter.add.f32 [tilespmem:s17], [sflag:$0x3], $0x80, s19, s14, $0xb8;
	[tilespmem:$0x1D000] =	vst v63  }
0x11b: {  	_ =	swait.ge [sflag:s12], $0x3E80  }
0x11c: {  	[sflag:s12] =	ssyncset.done $0x0  }
0x11d: {  	s21 =	simm.s32 $0x680;
	[sflag:s12] =	ssyncadd.s32 $0xFFFFC180  }
0x11e: {  	[tilespmem:s17], [sflag:$0x2] =	stream.indirect.gather [hbm4b:s5+s14], $0x80, s21, s14, $0xb8;
	[tilespmem:$0x1D000] =	vst v63  }
0x11f: {  	_ =	swait.ge [sflag:s18], $0x3E80  }
0x120: {  	[sflag:s18] =	ssyncset.done $0x0  }
0x121: {  	s22 =	simm.s32 $0xE00;
	[sflag:s18] =	ssyncadd.s32 $0xFFFFC180  }
0x122: {  	[spmem:s2] =	stream.indirect.scatter.add.f32 [tilespmem:s15], [sflag:$0x3], $0x80, s22, s14, $0xb8;
	[tilespmem:$0x1D000] =	vst v63  }
0x123: {  	_ =	swait.ge [sflag:s12], $0x3E80  }
0x124: {  	[sflag:s12] =	ssyncset.done $0x0  }
0x125: {  	s23 =	simm.s32 $0x700;
	[sflag:s12] =	ssyncadd.s32 $0xFFFFC180  }
0x126: {  	[tilespmem:s15], [sflag:$0x1] =	stream.indirect.gather [hbm4b:s5+s14], $0x80, s23, s14, $0xb8;
	[tilespmem:$0x1D000] =	vst v63  }
0x127: {  	_ =	swait.ge [sflag:s20], $0x3E80  }
0x128: {  	[sflag:s20] =	ssyncset.done $0x0  }
0x129: {  	s24 =	simm.s32 $0xE80;
	[sflag:s20] =	ssyncadd.s32 $0xFFFFC180  }
0x12a: {  	[spmem:s2] =	stream.indirect.scatter.add.f32 [tilespmem:s17], [sflag:$0x3], $0x80, s24, s14, $0xb8;
	[tilespmem:$0x1D000] =	vst v63  }
0x12b: {  	_ =	swait.ge [sflag:s12], $0x3E80  }
0x12c: {  	[sflag:s12] =	ssyncset.done $0x0  }
0x12d: {  	s25 =	simm.s32 $0x780;
	[sflag:s12] =	ssyncadd.s32 $0xFFFFC180  }
0x12e: {  	[tilespmem:s17], [sflag:$0x2] =	stream.indirect.gather [hbm4b:s5+s14], $0x80, s25, s14, $0xb8;
	[tilespmem:$0x1D000] =	vst v63  }
0x12f: {  	_ =	swait.ge [sflag:s18], $0x3E80  }
0x130: {  	[sflag:s18] =	ssyncset.done $0x0  }
0x131: {  	s31 =	simm.s32 $0xF80;
	s26 =	simm.s32 $0xF00;
	[sflag:s18] =	ssyncadd.s32 $0xFFFFC180  }
0x132: {  	[spmem:s2] =	stream.indirect.scatter.add.f32 [tilespmem:s15], [sflag:$0x3], $0x80, s26, s14, $0xb8;
	[tilespmem:$0x1D000] =	vst v63  }
0x133: {  	s30 =	simm.s32 $0xB80;
	s0 =	sadd.s32 $0x100, s10;
	_ =	swait.ge [sflag:s12], $0x3E80  }
0x134: {  	s28 =	simm.s32 $0xB00;
	s29 =	simm.s32 $0x400;
	[sflag:s12] =	ssyncset.done $0x0  }
0x135: {  	s6 =	simm.s32 $0x200;
	s7 =	simm.s32 $0x880;
	[sflag:s12] =	ssyncadd.s32 $0xFFFFC180  }
0x136: {  	s9 =	simm.s32 $0x100;
	s11 =	simm.s32 $0x180;
	_ =	swait.ge [sflag:s20], $0x3E80  }
0x137: {  	s16 =	simm.s32 $0x900;
	s19 =	simm.s32 $0x200;
	[sflag:s20] =	ssyncset.done $0x0  }
0x138: {  	s21 =	simm.s32 $0x980;
	s22 =	simm.s32 $0x280;
	[sflag:s20] =	ssyncadd.s32 $0xFFFFC180  }
0x139: {  	[spmem:s2] =	stream.indirect.scatter.add.f32 [tilespmem:s17], [sflag:$0x3], $0x80, s31, s14, $0xb8;
	[tilespmem:$0x1D000] =	vst v63  }
0x13a: {  	s23 =	simm.s32 $0xA00;
	s24 =	simm.s32 $0x300;
	_ =	swait.ge [sflag:s12], $0x3E80  }
0x13b: {  	s25 =	simm.s32 $0xA80;
	s26 =	simm.s32 $0x380;
	[sflag:s12] =	ssyncset.done $0x0  }
.LBB2_6:
0x13c: {  	s8 =	sadd.s32 $0x5000, s0  }
0x13d: {  	[sflag:s12] =	ssyncadd.s32 $0xFFFFC180;
	s1 =	smov.u32 s6;
	s31 =	sadd.s32 $0x100, s6  }
0x13e: {  	[tilespmem:s3], [sflag:$0x3] =	stream.linear.gather [hbm4b:s8+s3], $0x800, $0x38;
	[tilespmem:$0x1D000] =	vst v63  }
0x13f: {  	s8 =	simm.s32 $0x80  }
0x140: {  	p1 =	sne.s32 s6, $0x400;
	_ =	swait.ge [sflag:s12], $0x800  }
0x141: {  	[sflag:s12] =	ssyncset.done $0x0  }
0x142: {  	[sflag:s12] =	ssyncadd.s32 $0xFFFFF800  }
0x143: {  	[tilespmem:s13], [sflag:$0x3] =	stream.linear.gather [hbm4b:s0+s3], $0x800, $0x38;
	[tilespmem:$0x1D000] =	vst v63  }
0x144: {  	_ =	swait.ge [sflag:s12], $0x800  }
0x145: {  	[sflag:s12] =	ssyncset.done $0x0  }
0x146: {  	[sflag:s12] =	ssyncadd.s32 $0xFFFFF800  }
0x147: {  	[tilespmem:s15], [sflag:$0x1] =	stream.indirect.gather [hbm4b:s5+s14], $0x80, s3, s14, $0xb8;
	[tilespmem:$0x1D000] =	vst v63  }
0x148: {  	_ = 	snop  }
0x149: {  	[tilespmem:s17], [sflag:$0x2] =	stream.indirect.gather [hbm4b:s5+s14], $0x80, s8, s14, $0xb8;
	[tilespmem:$0x1D000] =	vst v63  }
0x14a: {  	_ =	swait.ge [sflag:s18], $0x3E80  }
0x14b: {  	[sflag:s18] =	ssyncset.done $0x0  }
0x14c: {  	[sflag:s18] =	ssyncadd.s32 $0xFFFFC180  }
0x14d: {  	[spmem:s2] =	stream.indirect.scatter.add.f32 [tilespmem:s15], [sflag:$0x3], $0x80, s13, s14, $0xb8;
	[tilespmem:$0x1D000] =	vst v63  }
0x14e: {  	_ =	swait.ge [sflag:s12], $0x3E80  }
0x14f: {  	[sflag:s12] =	ssyncset.done $0x0  }
0x150: {  	[sflag:s12] =	ssyncadd.s32 $0xFFFFC180  }
0x151: {  	[tilespmem:s15], [sflag:$0x1] =	stream.indirect.gather [hbm4b:s5+s14], $0x80, s9, s14, $0xb8;
	[tilespmem:$0x1D000] =	vst v63  }
0x152: {  	_ =	swait.ge [sflag:s20], $0x3E80  }
0x153: {  	[sflag:s20] =	ssyncset.done $0x0  }
0x154: {  	[sflag:s20] =	ssyncadd.s32 $0xFFFFC180  }
0x155: {  	[spmem:s2] =	stream.indirect.scatter.add.f32 [tilespmem:s17], [sflag:$0x3], $0x80, s7, s14, $0xb8;
	[tilespmem:$0x1D000] =	vst v63  }
0x156: {  	_ =	swait.ge [sflag:s12], $0x3E80  }
0x157: {  	[sflag:s12] =	ssyncset.done $0x0  }
0x158: {  	[sflag:s12] =	ssyncadd.s32 $0xFFFFC180  }
0x159: {  	[tilespmem:s17], [sflag:$0x2] =	stream.indirect.gather [hbm4b:s5+s14], $0x80, s11, s14, $0xb8;
	[tilespmem:$0x1D000] =	vst v63  }
0x15a: {  	_ =	swait.ge [sflag:s18], $0x3E80  }
0x15b: {  	[sflag:s18] =	ssyncset.done $0x0  }
0x15c: {  	[sflag:s18] =	ssyncadd.s32 $0xFFFFC180  }
0x15d: {  	[spmem:s2] =	stream.indirect.scatter.add.f32 [tilespmem:s15], [sflag:$0x3], $0x80, s16, s14, $0xb8;
	[tilespmem:$0x1D000] =	vst v63  }
0x15e: {  	_ =	swait.ge [sflag:s12], $0x3E80  }
0x15f: {  	[sflag:s12] =	ssyncset.done $0x0  }
0x160: {  	[sflag:s12] =	ssyncadd.s32 $0xFFFFC180  }
0x161: {  	[tilespmem:s15], [sflag:$0x1] =	stream.indirect.gather [hbm4b:s5+s14], $0x80, s19, s14, $0xb8;
	[tilespmem:$0x1D000] =	vst v63  }
0x162: {  	_ =	swait.ge [sflag:s20], $0x3E80  }
0x163: {  	[sflag:s20] =	ssyncset.done $0x0  }
0x164: {  	[sflag:s20] =	ssyncadd.s32 $0xFFFFC180  }
0x165: {  	[spmem:s2] =	stream.indirect.scatter.add.f32 [tilespmem:s17], [sflag:$0x3], $0x80, s21, s14, $0xb8;
	[tilespmem:$0x1D000] =	vst v63  }
0x166: {  	_ =	swait.ge [sflag:s12], $0x3E80  }
0x167: {  	[sflag:s12] =	ssyncset.done $0x0  }
0x168: {  	[sflag:s12] =	ssyncadd.s32 $0xFFFFC180  }
0x169: {  	[tilespmem:s17], [sflag:$0x2] =	stream.indirect.gather [hbm4b:s5+s14], $0x80, s22, s14, $0xb8;
	[tilespmem:$0x1D000] =	vst v63  }
0x16a: {  	_ =	swait.ge [sflag:s18], $0x3E80  }
0x16b: {  	[sflag:s18] =	ssyncset.done $0x0  }
0x16c: {  	[sflag:s18] =	ssyncadd.s32 $0xFFFFC180  }
0x16d: {  	[spmem:s2] =	stream.indirect.scatter.add.f32 [tilespmem:s15], [sflag:$0x3], $0x80, s23, s14, $0xb8;
	[tilespmem:$0x1D000] =	vst v63  }
0x16e: {  	_ =	swait.ge [sflag:s12], $0x3E80  }
0x16f: {  	[sflag:s12] =	ssyncset.done $0x0  }
0x170: {  	[sflag:s12] =	ssyncadd.s32 $0xFFFFC180  }
0x171: {  	[tilespmem:s15], [sflag:$0x1] =	stream.indirect.gather [hbm4b:s5+s14], $0x80, s24, s14, $0xb8;
	[tilespmem:$0x1D000] =	vst v63  }
0x172: {  	_ =	swait.ge [sflag:s20], $0x3E80  }
0x173: {  	[sflag:s20] =	ssyncset.done $0x0  }
0x174: {  	[sflag:s20] =	ssyncadd.s32 $0xFFFFC180  }
0x175: {  	[spmem:s2] =	stream.indirect.scatter.add.f32 [tilespmem:s17], [sflag:$0x3], $0x80, s25, s14, $0xb8;
	[tilespmem:$0x1D000] =	vst v63  }
0x176: {  	_ =	swait.ge [sflag:s12], $0x3E80  }
0x177: {  	[sflag:s12] =	ssyncset.done $0x0  }
0x178: {  	[sflag:s12] =	ssyncadd.s32 $0xFFFFC180  }
0x179: {  	[tilespmem:s17], [sflag:$0x2] =	stream.indirect.gather [hbm4b:s5+s14], $0x80, s26, s14, $0xb8;
	[tilespmem:$0x1D000] =	vst v63  }
0x17a: {  	_ =	swait.ge [sflag:s18], $0x3E80  }
0x17b: {  	[sflag:s18] =	ssyncset.done $0x0  }
0x17c: {  	[sflag:s18] =	ssyncadd.s32 $0xFFFFC180  }
0x17d: {  	[spmem:s2] =	stream.indirect.scatter.add.f32 [tilespmem:s15], [sflag:$0x3], $0x80, s28, s14, $0xb8;
	[tilespmem:$0x1D000] =	vst v63  }
0x17e: {  	_ =	swait.ge [sflag:s12], $0x3E80  }
0x17f: {  	[sflag:s12] =	ssyncset.done $0x0  }
0x180: {  	[sflag:s12] =	ssyncadd.s32 $0xFFFFC180  }
0x181: {  	[tilespmem:s15], [sflag:$0x1] =	stream.indirect.gather [hbm4b:s5+s14], $0x80, s29, s14, $0xb8;
	[tilespmem:$0x1D000] =	vst v63  }
0x182: {  	_ =	swait.ge [sflag:s20], $0x3E80  }
0x183: {  	[sflag:s20] =	ssyncset.done $0x0  }
0x184: {  	[sflag:s20] =	ssyncadd.s32 $0xFFFFC180  }
0x185: {  	[spmem:s2] =	stream.indirect.scatter.add.f32 [tilespmem:s17], [sflag:$0x3], $0x80, s30, s14, $0xb8;
	[tilespmem:$0x1D000] =	vst v63  }
0x186: {  	_ =	swait.ge [sflag:s12], $0x3E80  }
0x187: {  	[sflag:s12] =	ssyncset.done $0x0  }
0x188: {  	s0 =	simm.s32 $0x480;
	[sflag:s12] =	ssyncadd.s32 $0xFFFFC180  }
0x189: {  	[tilespmem:s17], [sflag:$0x2] =	stream.indirect.gather [hbm4b:s5+s14], $0x80, s0, s14, $0xb8;
	[tilespmem:$0x1D000] =	vst v63  }
0x18a: {  	_ =	swait.ge [sflag:s18], $0x3E80  }
0x18b: {  	[sflag:s18] =	ssyncset.done $0x0  }
0x18c: {  	s0 =	simm.s32 $0xC00;
	[sflag:s18] =	ssyncadd.s32 $0xFFFFC180  }
0x18d: {  	[spmem:s2] =	stream.indirect.scatter.add.f32 [tilespmem:s15], [sflag:$0x3], $0x80, s0, s14, $0xb8;
	[tilespmem:$0x1D000] =	vst v63  }
0x18e: {  	_ =	swait.ge [sflag:s12], $0x3E80  }
0x18f: {  	[sflag:s12] =	ssyncset.done $0x0  }
0x190: {  	s0 =	simm.s32 $0x500;
	[sflag:s12] =	ssyncadd.s32 $0xFFFFC180  }
0x191: {  	[tilespmem:s15], [sflag:$0x1] =	stream.indirect.gather [hbm4b:s5+s14], $0x80, s0, s14, $0xb8;
	[tilespmem:$0x1D000] =	vst v63  }
0x192: {  	_ =	swait.ge [sflag:s20], $0x3E80  }
0x193: {  	[sflag:s20] =	ssyncset.done $0x0  }
0x194: {  	s0 =	simm.s32 $0xC80;
	[sflag:s20] =	ssyncadd.s32 $0xFFFFC180  }
0x195: {  	[spmem:s2] =	stream.indirect.scatter.add.f32 [tilespmem:s17], [sflag:$0x3], $0x80, s0, s14, $0xb8;
	[tilespmem:$0x1D000] =	vst v63  }
0x196: {  	_ =	swait.ge [sflag:s12], $0x3E80  }
0x197: {  	[sflag:s12] =	ssyncset.done $0x0  }
0x198: {  	s0 =	simm.s32 $0x580;
	[sflag:s12] =	ssyncadd.s32 $0xFFFFC180  }
0x199: {  	[tilespmem:s17], [sflag:$0x2] =	stream.indirect.gather [hbm4b:s5+s14], $0x80, s0, s14, $0xb8;
	[tilespmem:$0x1D000] =	vst v63  }
0x19a: {  	_ =	swait.ge [sflag:s18], $0x3E80  }
0x19b: {  	[sflag:s18] =	ssyncset.done $0x0  }
0x19c: {  	s0 =	simm.s32 $0xD00;
	[sflag:s18] =	ssyncadd.s32 $0xFFFFC180  }
0x19d: {  	[spmem:s2] =	stream.indirect.scatter.add.f32 [tilespmem:s15], [sflag:$0x3], $0x80, s0, s14, $0xb8;
	[tilespmem:$0x1D000] =	vst v63  }
0x19e: {  	_ =	swait.ge [sflag:s12], $0x3E80  }
0x19f: {  	[sflag:s12] =	ssyncset.done $0x0  }
0x1a0: {  	s0 =	simm.s32 $0x600;
	[sflag:s12] =	ssyncadd.s32 $0xFFFFC180  }
0x1a1: {  	[tilespmem:s15], [sflag:$0x1] =	stream.indirect.gather [hbm4b:s5+s14], $0x80, s0, s14, $0xb8;
	[tilespmem:$0x1D000] =	vst v63  }
0x1a2: {  	_ =	swait.ge [sflag:s20], $0x3E80  }
0x1a3: {  	[sflag:s20] =	ssyncset.done $0x0  }
0x1a4: {  	s0 =	simm.s32 $0xD80;
	[sflag:s20] =	ssyncadd.s32 $0xFFFFC180  }
0x1a5: {  	[spmem:s2] =	stream.indirect.scatter.add.f32 [tilespmem:s17], [sflag:$0x3], $0x80, s0, s14, $0xb8;
	[tilespmem:$0x1D000] =	vst v63  }
0x1a6: {  	_ =	swait.ge [sflag:s12], $0x3E80  }
0x1a7: {  	[sflag:s12] =	ssyncset.done $0x0  }
0x1a8: {  	s0 =	simm.s32 $0x680;
	[sflag:s12] =	ssyncadd.s32 $0xFFFFC180  }
0x1a9: {  	[tilespmem:s17], [sflag:$0x2] =	stream.indirect.gather [hbm4b:s5+s14], $0x80, s0, s14, $0xb8;
	[tilespmem:$0x1D000] =	vst v63  }
0x1aa: {  	_ =	swait.ge [sflag:s18], $0x3E80  }
0x1ab: {  	[sflag:s18] =	ssyncset.done $0x0  }
0x1ac: {  	s0 =	simm.s32 $0xE00;
	[sflag:s18] =	ssyncadd.s32 $0xFFFFC180  }
0x1ad: {  	[spmem:s2] =	stream.indirect.scatter.add.f32 [tilespmem:s15], [sflag:$0x3], $0x80, s0, s14, $0xb8;
	[tilespmem:$0x1D000] =	vst v63  }
0x1ae: {  	_ =	swait.ge [sflag:s12], $0x3E80  }
0x1af: {  	[sflag:s12] =	ssyncset.done $0x0  }
0x1b0: {  	s0 =	simm.s32 $0x700;
	[sflag:s12] =	ssyncadd.s32 $0xFFFFC180  }
0x1b1: {  	[tilespmem:s15], [sflag:$0x1] =	stream.indirect.gather [hbm4b:s5+s14], $0x80, s0, s14, $0xb8;
	[tilespmem:$0x1D000] =	vst v63  }
0x1b2: {  	_ =	swait.ge [sflag:s20], $0x3E80  }
0x1b3: {  	[sflag:s20] =	ssyncset.done $0x0  }
0x1b4: {  	s0 =	simm.s32 $0xE80;
	[sflag:s20] =	ssyncadd.s32 $0xFFFFC180  }
0x1b5: {  	[spmem:s2] =	stream.indirect.scatter.add.f32 [tilespmem:s17], [sflag:$0x3], $0x80, s0, s14, $0xb8;
	[tilespmem:$0x1D000] =	vst v63  }
0x1b6: {  	_ =	swait.ge [sflag:s12], $0x3E80  }
0x1b7: {  	[sflag:s12] =	ssyncset.done $0x0  }
0x1b8: {  	s0 =	simm.s32 $0x780;
	[sflag:s12] =	ssyncadd.s32 $0xFFFFC180  }
0x1b9: {  	[tilespmem:s17], [sflag:$0x2] =	stream.indirect.gather [hbm4b:s5+s14], $0x80, s0, s14, $0xb8;
	[tilespmem:$0x1D000] =	vst v63  }
0x1ba: {  	_ =	swait.ge [sflag:s18], $0x3E80  }
0x1bb: {  	[sflag:s18] =	ssyncset.done $0x0  }
0x1bc: {  	s0 =	simm.s32 $0xF00;
	[sflag:s18] =	ssyncadd.s32 $0xFFFFC180  }
0x1bd: {  	[spmem:s2] =	stream.indirect.scatter.add.f32 [tilespmem:s15], [sflag:$0x3], $0x80, s0, s14, $0xb8;
	[tilespmem:$0x1D000] =	vst v63  }
0x1be: {  	_ =	swait.ge [sflag:s12], $0x3E80  }
0x1bf: {  	[sflag:s12] =	ssyncset.done $0x0  }
0x1c0: {  	[sflag:s12] =	ssyncadd.s32 $0xFFFFC180  }
0x1c1: {  	_ =	swait.ge [sflag:s20], $0x3E80  }
.Ltmp3:
0x1c2: {  	[sflag:s20] =	ssyncset.done $0x0;
	(pc) =	sbr.rel @p1 .LBB2_6-.Ltmp3, $4  }
0x1c3: {  	s0 =	simm.s32 $0xF80;
	[sflag:s20] =	ssyncadd.s32 $0xFFFFC180  }
0x1c4: {  	[spmem:s2] =	stream.indirect.scatter.add.f32 [tilespmem:s17], [sflag:$0x3], $0x80, s0, s14, $0xb8;
	[tilespmem:$0x1D000] =	vst v63  }
0x1c5: {  	_ =	swait.ge [sflag:s12], $0x3E80  }
0x1c6: {  	s6 =	smov.u32 s31;
	s0 =	sadd.s32 s1, s10;
	[sflag:s12] =	ssyncset.done $0x0  }
.Ltmp4:
0x1c7: {  	_ = 	snop;
	(pc) =	sbr.rel .LBB2_7-.Ltmp4, $1  }
0x1c8: {  	_ =	sdelay $0x3  }
.LBB2_2:
0x1c9: {  	[tilespmem:s3], [sflag:$0x3] =	stream.linear.gather [hbm4b:s1+s3], $0x800, $0x38;
	[tilespmem:$0x1D000] =	vst v63  }
0x1ca: {  	_ =	swait.ge [sflag:s12], $0x800  }
0x1cb: {  	[sflag:s12] =	ssyncset.done $0x0  }
0x1cc: {  	[sflag:s12] =	ssyncadd.s32 $0xFFFFF800  }
0x1cd: {  	[tilespmem:s13], [sflag:$0x3] =	stream.linear.gather [hbm4b:s0+s3], $0x800, $0x38;
	[tilespmem:$0x1D000] =	vst v63  }
0x1ce: {  	_ =	swait.ge [sflag:s12], $0x800  }
0x1cf: {  	[sflag:s12] =	ssyncset.done $0x0  }
0x1d0: {  	[sflag:s12] =	ssyncadd.s32 $0xFFFFF800  }
0x1d1: {  	[tilespmem:s15], [sflag:$0x1] =	stream.indirect.gather [hbm4b:s4+s14], $0x80, s3, s14, $0xb8;
	[tilespmem:$0x1D000] =	vst v63  }
0x1d2: {  	_ = 	snop  }
0x1d3: {  	[tilespmem:s17], [sflag:$0x2] =	stream.indirect.gather [hbm4b:s4+s14], $0x80, s8, s14, $0xb8;
	[tilespmem:$0x1D000] =	vst v63  }
0x1d4: {  	_ =	swait.ge [sflag:s18], $0x3E80  }
0x1d5: {  	[sflag:s18] =	ssyncset.done $0x0  }
0x1d6: {  	[sflag:s18] =	ssyncadd.s32 $0xFFFFC180  }
0x1d7: {  	[spmem:s2] =	stream.indirect.scatter.add.f32 [tilespmem:s15], [sflag:$0x3], $0x80, s13, s14, $0xb8;
	[tilespmem:$0x1D000] =	vst v63  }
0x1d8: {  	_ =	swait.ge [sflag:s12], $0x3E80  }
0x1d9: {  	[sflag:s12] =	ssyncset.done $0x0  }
0x1da: {  	[sflag:s12] =	ssyncadd.s32 $0xFFFFC180  }
0x1db: {  	[tilespmem:s15], [sflag:$0x1] =	stream.indirect.gather [hbm4b:s4+s14], $0x80, s6, s14, $0xb8;
	[tilespmem:$0x1D000] =	vst v63  }
0x1dc: {  	_ =	swait.ge [sflag:s20], $0x3E80  }
0x1dd: {  	[sflag:s20] =	ssyncset.done $0x0  }
0x1de: {  	[sflag:s20] =	ssyncadd.s32 $0xFFFFC180  }
0x1df: {  	[spmem:s2] =	stream.indirect.scatter.add.f32 [tilespmem:s17], [sflag:$0x3], $0x80, s7, s14, $0xb8;
	[tilespmem:$0x1D000] =	vst v63  }
0x1e0: {  	_ =	swait.ge [sflag:s12], $0x3E80  }
0x1e1: {  	[sflag:s12] =	ssyncset.done $0x0  }
0x1e2: {  	[sflag:s12] =	ssyncadd.s32 $0xFFFFC180  }
0x1e3: {  	[tilespmem:s17], [sflag:$0x2] =	stream.indirect.gather [hbm4b:s4+s14], $0x80, s9, s14, $0xb8;
	[tilespmem:$0x1D000] =	vst v63  }
0x1e4: {  	_ =	swait.ge [sflag:s18], $0x3E80  }
0x1e5: {  	[sflag:s18] =	ssyncset.done $0x0  }
0x1e6: {  	[sflag:s18] =	ssyncadd.s32 $0xFFFFC180  }
0x1e7: {  	[spmem:s2] =	stream.indirect.scatter.add.f32 [tilespmem:s15], [sflag:$0x3], $0x80, s11, s14, $0xb8;
	[tilespmem:$0x1D000] =	vst v63  }
0x1e8: {  	_ =	swait.ge [sflag:s12], $0x3E80  }
0x1e9: {  	[sflag:s12] =	ssyncset.done $0x0  }
0x1ea: {  	[sflag:s12] =	ssyncadd.s32 $0xFFFFC180  }
0x1eb: {  	[tilespmem:s15], [sflag:$0x1] =	stream.indirect.gather [hbm4b:s4+s14], $0x80, s16, s14, $0xb8;
	[tilespmem:$0x1D000] =	vst v63  }
0x1ec: {  	_ =	swait.ge [sflag:s20], $0x3E80  }
0x1ed: {  	[sflag:s20] =	ssyncset.done $0x0  }
0x1ee: {  	[sflag:s20] =	ssyncadd.s32 $0xFFFFC180  }
0x1ef: {  	[spmem:s2] =	stream.indirect.scatter.add.f32 [tilespmem:s17], [sflag:$0x3], $0x80, s19, s14, $0xb8;
	[tilespmem:$0x1D000] =	vst v63  }
0x1f0: {  	_ =	swait.ge [sflag:s12], $0x3E80  }
0x1f1: {  	[sflag:s12] =	ssyncset.done $0x0  }
0x1f2: {  	[sflag:s12] =	ssyncadd.s32 $0xFFFFC180  }
0x1f3: {  	[tilespmem:s17], [sflag:$0x2] =	stream.indirect.gather [hbm4b:s4+s14], $0x80, s21, s14, $0xb8;
	[tilespmem:$0x1D000] =	vst v63  }
0x1f4: {  	_ =	swait.ge [sflag:s18], $0x3E80  }
0x1f5: {  	[sflag:s18] =	ssyncset.done $0x0  }
0x1f6: {  	[sflag:s18] =	ssyncadd.s32 $0xFFFFC180  }
0x1f7: {  	[spmem:s2] =	stream.indirect.scatter.add.f32 [tilespmem:s15], [sflag:$0x3], $0x80, s22, s14, $0xb8;
	[tilespmem:$0x1D000] =	vst v63  }
0x1f8: {  	_ =	swait.ge [sflag:s12], $0x3E80  }
0x1f9: {  	[sflag:s12] =	ssyncset.done $0x0  }
0x1fa: {  	[sflag:s12] =	ssyncadd.s32 $0xFFFFC180  }
0x1fb: {  	[tilespmem:s15], [sflag:$0x1] =	stream.indirect.gather [hbm4b:s4+s14], $0x80, s23, s14, $0xb8;
	[tilespmem:$0x1D000] =	vst v63  }
0x1fc: {  	_ =	swait.ge [sflag:s20], $0x3E80  }
0x1fd: {  	[sflag:s20] =	ssyncset.done $0x0  }
0x1fe: {  	[sflag:s20] =	ssyncadd.s32 $0xFFFFC180  }
0x1ff: {  	[spmem:s2] =	stream.indirect.scatter.add.f32 [tilespmem:s17], [sflag:$0x3], $0x80, s24, s14, $0xb8;
	[tilespmem:$0x1D000] =	vst v63  }
0x200: {  	_ =	swait.ge [sflag:s12], $0x3E80  }
0x201: {  	[sflag:s12] =	ssyncset.done $0x0  }
0x202: {  	[sflag:s12] =	ssyncadd.s32 $0xFFFFC180  }
0x203: {  	[tilespmem:s17], [sflag:$0x2] =	stream.indirect.gather [hbm4b:s4+s14], $0x80, s25, s14, $0xb8;
	[tilespmem:$0x1D000] =	vst v63  }
0x204: {  	_ =	swait.ge [sflag:s18], $0x3E80  }
0x205: {  	[sflag:s18] =	ssyncset.done $0x0  }
0x206: {  	[sflag:s18] =	ssyncadd.s32 $0xFFFFC180  }
0x207: {  	[spmem:s2] =	stream.indirect.scatter.add.f32 [tilespmem:s15], [sflag:$0x3], $0x80, s26, s14, $0xb8;
	[tilespmem:$0x1D000] =	vst v63  }
0x208: {  	_ =	swait.ge [sflag:s12], $0x3E80  }
0x209: {  	[sflag:s12] =	ssyncset.done $0x0  }
0x20a: {  	[sflag:s12] =	ssyncadd.s32 $0xFFFFC180  }
0x20b: {  	[tilespmem:s15], [sflag:$0x1] =	stream.indirect.gather [hbm4b:s4+s14], $0x80, s28, s14, $0xb8;
	[tilespmem:$0x1D000] =	vst v63  }
0x20c: {  	_ =	swait.ge [sflag:s20], $0x3E80  }
0x20d: {  	[sflag:s20] =	ssyncset.done $0x0  }
0x20e: {  	[sflag:s20] =	ssyncadd.s32 $0xFFFFC180  }
0x20f: {  	[spmem:s2] =	stream.indirect.scatter.add.f32 [tilespmem:s17], [sflag:$0x3], $0x80, s29, s14, $0xb8;
	[tilespmem:$0x1D000] =	vst v63  }
0x210: {  	_ =	swait.ge [sflag:s12], $0x3E80  }
0x211: {  	[sflag:s12] =	ssyncset.done $0x0  }
0x212: {  	s26 =	simm.s32 $0x480;
	[sflag:s12] =	ssyncadd.s32 $0xFFFFC180  }
0x213: {  	[tilespmem:s17], [sflag:$0x2] =	stream.indirect.gather [hbm4b:s4+s14], $0x80, s26, s14, $0xb8;
	[tilespmem:$0x1D000] =	vst v63  }
0x214: {  	_ =	swait.ge [sflag:s18], $0x3E80  }
0x215: {  	[sflag:s18] =	ssyncset.done $0x0  }
0x216: {  	s1 =	simm.s32 $0xC00;
	[sflag:s18] =	ssyncadd.s32 $0xFFFFC180  }
0x217: {  	[spmem:s2] =	stream.indirect.scatter.add.f32 [tilespmem:s15], [sflag:$0x3], $0x80, s1, s14, $0xb8;
	[tilespmem:$0x1D000] =	vst v63  }
0x218: {  	_ =	swait.ge [sflag:s12], $0x3E80  }
0x219: {  	[sflag:s12] =	ssyncset.done $0x0  }
0x21a: {  	s6 =	simm.s32 $0x500;
	[sflag:s12] =	ssyncadd.s32 $0xFFFFC180  }
0x21b: {  	[tilespmem:s15], [sflag:$0x1] =	stream.indirect.gather [hbm4b:s4+s14], $0x80, s6, s14, $0xb8;
	[tilespmem:$0x1D000] =	vst v63  }
0x21c: {  	_ =	swait.ge [sflag:s20], $0x3E80  }
0x21d: {  	[sflag:s20] =	ssyncset.done $0x0  }
0x21e: {  	s7 =	simm.s32 $0xC80;
	[sflag:s20] =	ssyncadd.s32 $0xFFFFC180  }
0x21f: {  	[spmem:s2] =	stream.indirect.scatter.add.f32 [tilespmem:s17], [sflag:$0x3], $0x80, s7, s14, $0xb8;
	[tilespmem:$0x1D000] =	vst v63  }
0x220: {  	_ =	swait.ge [sflag:s12], $0x3E80  }
0x221: {  	[sflag:s12] =	ssyncset.done $0x0  }
0x222: {  	s8 =	simm.s32 $0x580;
	[sflag:s12] =	ssyncadd.s32 $0xFFFFC180  }
0x223: {  	[tilespmem:s17], [sflag:$0x2] =	stream.indirect.gather [hbm4b:s4+s14], $0x80, s8, s14, $0xb8;
	[tilespmem:$0x1D000] =	vst v63  }
0x224: {  	_ =	swait.ge [sflag:s18], $0x3E80  }
0x225: {  	[sflag:s18] =	ssyncset.done $0x0  }
0x226: {  	s9 =	simm.s32 $0xD00;
	[sflag:s18] =	ssyncadd.s32 $0xFFFFC180  }
0x227: {  	[spmem:s2] =	stream.indirect.scatter.add.f32 [tilespmem:s15], [sflag:$0x3], $0x80, s9, s14, $0xb8;
	[tilespmem:$0x1D000] =	vst v63  }
0x228: {  	_ =	swait.ge [sflag:s12], $0x3E80  }
0x229: {  	[sflag:s12] =	ssyncset.done $0x0  }
0x22a: {  	s11 =	simm.s32 $0x600;
	[sflag:s12] =	ssyncadd.s32 $0xFFFFC180  }
0x22b: {  	[tilespmem:s15], [sflag:$0x1] =	stream.indirect.gather [hbm4b:s4+s14], $0x80, s11, s14, $0xb8;
	[tilespmem:$0x1D000] =	vst v63  }
0x22c: {  	_ =	swait.ge [sflag:s20], $0x3E80  }
0x22d: {  	[sflag:s20] =	ssyncset.done $0x0  }
0x22e: {  	s16 =	simm.s32 $0xD80;
	[sflag:s20] =	ssyncadd.s32 $0xFFFFC180  }
0x22f: {  	[spmem:s2] =	stream.indirect.scatter.add.f32 [tilespmem:s17], [sflag:$0x3], $0x80, s16, s14, $0xb8;
	[tilespmem:$0x1D000] =	vst v63  }
0x230: {  	_ =	swait.ge [sflag:s12], $0x3E80  }
0x231: {  	[sflag:s12] =	ssyncset.done $0x0  }
0x232: {  	s19 =	simm.s32 $0x680;
	[sflag:s12] =	ssyncadd.s32 $0xFFFFC180  }
0x233: {  	[tilespmem:s17], [sflag:$0x2] =	stream.indirect.gather [hbm4b:s4+s14], $0x80, s19, s14, $0xb8;
	[tilespmem:$0x1D000] =	vst v63  }
0x234: {  	_ =	swait.ge [sflag:s18], $0x3E80  }
0x235: {  	[sflag:s18] =	ssyncset.done $0x0  }
0x236: {  	s21 =	simm.s32 $0xE00;
	[sflag:s18] =	ssyncadd.s32 $0xFFFFC180  }
0x237: {  	[spmem:s2] =	stream.indirect.scatter.add.f32 [tilespmem:s15], [sflag:$0x3], $0x80, s21, s14, $0xb8;
	[tilespmem:$0x1D000] =	vst v63  }
0x238: {  	_ =	swait.ge [sflag:s12], $0x3E80  }
0x239: {  	[sflag:s12] =	ssyncset.done $0x0  }
0x23a: {  	s22 =	simm.s32 $0x700;
	[sflag:s12] =	ssyncadd.s32 $0xFFFFC180  }
0x23b: {  	[tilespmem:s15], [sflag:$0x1] =	stream.indirect.gather [hbm4b:s4+s14], $0x80, s22, s14, $0xb8;
	[tilespmem:$0x1D000] =	vst v63  }
0x23c: {  	_ =	swait.ge [sflag:s20], $0x3E80  }
0x23d: {  	[sflag:s20] =	ssyncset.done $0x0  }
0x23e: {  	s23 =	simm.s32 $0xE80;
	[sflag:s20] =	ssyncadd.s32 $0xFFFFC180  }
0x23f: {  	[spmem:s2] =	stream.indirect.scatter.add.f32 [tilespmem:s17], [sflag:$0x3], $0x80, s23, s14, $0xb8;
	[tilespmem:$0x1D000] =	vst v63  }
0x240: {  	_ =	swait.ge [sflag:s12], $0x3E80  }
0x241: {  	[sflag:s12] =	ssyncset.done $0x0  }
0x242: {  	s24 =	simm.s32 $0x780;
	[sflag:s12] =	ssyncadd.s32 $0xFFFFC180  }
0x243: {  	[tilespmem:s17], [sflag:$0x2] =	stream.indirect.gather [hbm4b:s4+s14], $0x80, s24, s14, $0xb8;
	[tilespmem:$0x1D000] =	vst v63  }
0x244: {  	_ =	swait.ge [sflag:s18], $0x3E80  }
0x245: {  	[sflag:s18] =	ssyncset.done $0x0  }
0x246: {  	s31 =	simm.s32 $0x200;
	s25 =	simm.s32 $0xF00;
	[sflag:s18] =	ssyncadd.s32 $0xFFFFC180  }
0x247: {  	[spmem:s2] =	stream.indirect.scatter.add.f32 [tilespmem:s15], [sflag:$0x3], $0x80, s25, s14, $0xb8;
	[tilespmem:$0x1D000] =	vst v63  }
0x248: {  	s30 =	simm.s32 $0xB80;
	s0 =	sadd.s32 $0x100, s10;
	_ =	swait.ge [sflag:s12], $0x3E80  }
0x249: {  	s28 =	simm.s32 $0xB00;
	s29 =	simm.s32 $0x400;
	[sflag:s12] =	ssyncset.done $0x0  }
0x24a: {  	s26 =	simm.s32 $0xF80;
	s7 =	simm.s32 $0x880;
	[sflag:s12] =	ssyncadd.s32 $0xFFFFC180  }
0x24b: {  	s9 =	simm.s32 $0x100;
	s11 =	simm.s32 $0x180;
	_ =	swait.ge [sflag:s20], $0x3E80  }
0x24c: {  	s16 =	simm.s32 $0x900;
	s19 =	simm.s32 $0x200;
	[sflag:s20] =	ssyncset.done $0x0  }
0x24d: {  	s21 =	simm.s32 $0x980;
	s22 =	simm.s32 $0x280;
	[sflag:s20] =	ssyncadd.s32 $0xFFFFC180  }
0x24e: {  	[spmem:s2] =	stream.indirect.scatter.add.f32 [tilespmem:s17], [sflag:$0x3], $0x80, s26, s14, $0xb8;
	[tilespmem:$0x1D000] =	vst v63  }
0x24f: {  	s23 =	simm.s32 $0xA00;
	s24 =	simm.s32 $0x300;
	_ =	swait.ge [sflag:s12], $0x3E80  }
0x250: {  	s25 =	simm.s32 $0xA80;
	s26 =	simm.s32 $0x380;
	[sflag:s12] =	ssyncset.done $0x0  }
.LBB2_3:
0x251: {  	s8 =	sadd.s32 $0x5000, s0  }
0x252: {  	[sflag:s12] =	ssyncadd.s32 $0xFFFFC180;
	s1 =	smov.u32 s31;
	s6 =	sadd.s32 $0x100, s31  }
0x253: {  	[tilespmem:s3], [sflag:$0x3] =	stream.linear.gather [hbm4b:s8+s3], $0x800, $0x38;
	[tilespmem:$0x1D000] =	vst v63  }
0x254: {  	s8 =	simm.s32 $0x80  }
0x255: {  	p1 =	seq.s32 s31, $0x400;
	_ =	swait.ge [sflag:s12], $0x800  }
0x256: {  	[sflag:s12] =	ssyncset.done $0x0  }
0x257: {  	[sflag:s12] =	ssyncadd.s32 $0xFFFFF800  }
0x258: {  	[tilespmem:s13], [sflag:$0x3] =	stream.linear.gather [hbm4b:s0+s3], $0x800, $0x38;
	[tilespmem:$0x1D000] =	vst v63  }
0x259: {  	_ =	swait.ge [sflag:s12], $0x800  }
0x25a: {  	[sflag:s12] =	ssyncset.done $0x0  }
0x25b: {  	[sflag:s12] =	ssyncadd.s32 $0xFFFFF800  }
0x25c: {  	[tilespmem:s15], [sflag:$0x1] =	stream.indirect.gather [hbm4b:s4+s14], $0x80, s3, s14, $0xb8;
	[tilespmem:$0x1D000] =	vst v63  }
0x25d: {  	_ = 	snop  }
0x25e: {  	[tilespmem:s17], [sflag:$0x2] =	stream.indirect.gather [hbm4b:s4+s14], $0x80, s8, s14, $0xb8;
	[tilespmem:$0x1D000] =	vst v63  }
0x25f: {  	_ =	swait.ge [sflag:s18], $0x3E80  }
0x260: {  	[sflag:s18] =	ssyncset.done $0x0  }
0x261: {  	[sflag:s18] =	ssyncadd.s32 $0xFFFFC180  }
0x262: {  	[spmem:s2] =	stream.indirect.scatter.add.f32 [tilespmem:s15], [sflag:$0x3], $0x80, s13, s14, $0xb8;
	[tilespmem:$0x1D000] =	vst v63  }
0x263: {  	_ =	swait.ge [sflag:s12], $0x3E80  }
0x264: {  	[sflag:s12] =	ssyncset.done $0x0  }
0x265: {  	[sflag:s12] =	ssyncadd.s32 $0xFFFFC180  }
0x266: {  	[tilespmem:s15], [sflag:$0x1] =	stream.indirect.gather [hbm4b:s4+s14], $0x80, s9, s14, $0xb8;
	[tilespmem:$0x1D000] =	vst v63  }
0x267: {  	_ =	swait.ge [sflag:s20], $0x3E80  }
0x268: {  	[sflag:s20] =	ssyncset.done $0x0  }
0x269: {  	[sflag:s20] =	ssyncadd.s32 $0xFFFFC180  }
0x26a: {  	[spmem:s2] =	stream.indirect.scatter.add.f32 [tilespmem:s17], [sflag:$0x3], $0x80, s7, s14, $0xb8;
	[tilespmem:$0x1D000] =	vst v63  }
0x26b: {  	_ =	swait.ge [sflag:s12], $0x3E80  }
0x26c: {  	[sflag:s12] =	ssyncset.done $0x0  }
0x26d: {  	[sflag:s12] =	ssyncadd.s32 $0xFFFFC180  }
0x26e: {  	[tilespmem:s17], [sflag:$0x2] =	stream.indirect.gather [hbm4b:s4+s14], $0x80, s11, s14, $0xb8;
	[tilespmem:$0x1D000] =	vst v63  }
0x26f: {  	_ =	swait.ge [sflag:s18], $0x3E80  }
0x270: {  	[sflag:s18] =	ssyncset.done $0x0  }
0x271: {  	[sflag:s18] =	ssyncadd.s32 $0xFFFFC180  }
0x272: {  	[spmem:s2] =	stream.indirect.scatter.add.f32 [tilespmem:s15], [sflag:$0x3], $0x80, s16, s14, $0xb8;
	[tilespmem:$0x1D000] =	vst v63  }
0x273: {  	_ =	swait.ge [sflag:s12], $0x3E80  }
0x274: {  	[sflag:s12] =	ssyncset.done $0x0  }
0x275: {  	[sflag:s12] =	ssyncadd.s32 $0xFFFFC180  }
0x276: {  	[tilespmem:s15], [sflag:$0x1] =	stream.indirect.gather [hbm4b:s4+s14], $0x80, s19, s14, $0xb8;
	[tilespmem:$0x1D000] =	vst v63  }
0x277: {  	_ =	swait.ge [sflag:s20], $0x3E80  }
0x278: {  	[sflag:s20] =	ssyncset.done $0x0  }
0x279: {  	[sflag:s20] =	ssyncadd.s32 $0xFFFFC180  }
0x27a: {  	[spmem:s2] =	stream.indirect.scatter.add.f32 [tilespmem:s17], [sflag:$0x3], $0x80, s21, s14, $0xb8;
	[tilespmem:$0x1D000] =	vst v63  }
0x27b: {  	_ =	swait.ge [sflag:s12], $0x3E80  }
0x27c: {  	[sflag:s12] =	ssyncset.done $0x0  }
0x27d: {  	[sflag:s12] =	ssyncadd.s32 $0xFFFFC180  }
0x27e: {  	[tilespmem:s17], [sflag:$0x2] =	stream.indirect.gather [hbm4b:s4+s14], $0x80, s22, s14, $0xb8;
	[tilespmem:$0x1D000] =	vst v63  }
0x27f: {  	_ =	swait.ge [sflag:s18], $0x3E80  }
0x280: {  	[sflag:s18] =	ssyncset.done $0x0  }
0x281: {  	[sflag:s18] =	ssyncadd.s32 $0xFFFFC180  }
0x282: {  	[spmem:s2] =	stream.indirect.scatter.add.f32 [tilespmem:s15], [sflag:$0x3], $0x80, s23, s14, $0xb8;
	[tilespmem:$0x1D000] =	vst v63  }
0x283: {  	_ =	swait.ge [sflag:s12], $0x3E80  }
0x284: {  	[sflag:s12] =	ssyncset.done $0x0  }
0x285: {  	[sflag:s12] =	ssyncadd.s32 $0xFFFFC180  }
0x286: {  	[tilespmem:s15], [sflag:$0x1] =	stream.indirect.gather [hbm4b:s4+s14], $0x80, s24, s14, $0xb8;
	[tilespmem:$0x1D000] =	vst v63  }
0x287: {  	_ =	swait.ge [sflag:s20], $0x3E80  }
0x288: {  	[sflag:s20] =	ssyncset.done $0x0  }
0x289: {  	[sflag:s20] =	ssyncadd.s32 $0xFFFFC180  }
0x28a: {  	[spmem:s2] =	stream.indirect.scatter.add.f32 [tilespmem:s17], [sflag:$0x3], $0x80, s25, s14, $0xb8;
	[tilespmem:$0x1D000] =	vst v63  }
0x28b: {  	_ =	swait.ge [sflag:s12], $0x3E80  }
0x28c: {  	[sflag:s12] =	ssyncset.done $0x0  }
0x28d: {  	[sflag:s12] =	ssyncadd.s32 $0xFFFFC180  }
0x28e: {  	[tilespmem:s17], [sflag:$0x2] =	stream.indirect.gather [hbm4b:s4+s14], $0x80, s26, s14, $0xb8;
	[tilespmem:$0x1D000] =	vst v63  }
0x28f: {  	_ =	swait.ge [sflag:s18], $0x3E80  }
0x290: {  	[sflag:s18] =	ssyncset.done $0x0  }
0x291: {  	[sflag:s18] =	ssyncadd.s32 $0xFFFFC180  }
0x292: {  	[spmem:s2] =	stream.indirect.scatter.add.f32 [tilespmem:s15], [sflag:$0x3], $0x80, s28, s14, $0xb8;
	[tilespmem:$0x1D000] =	vst v63  }
0x293: {  	_ =	swait.ge [sflag:s12], $0x3E80  }
0x294: {  	[sflag:s12] =	ssyncset.done $0x0  }
0x295: {  	[sflag:s12] =	ssyncadd.s32 $0xFFFFC180  }
0x296: {  	[tilespmem:s15], [sflag:$0x1] =	stream.indirect.gather [hbm4b:s4+s14], $0x80, s29, s14, $0xb8;
	[tilespmem:$0x1D000] =	vst v63  }
0x297: {  	_ =	swait.ge [sflag:s20], $0x3E80  }
0x298: {  	[sflag:s20] =	ssyncset.done $0x0  }
0x299: {  	[sflag:s20] =	ssyncadd.s32 $0xFFFFC180  }
0x29a: {  	[spmem:s2] =	stream.indirect.scatter.add.f32 [tilespmem:s17], [sflag:$0x3], $0x80, s30, s14, $0xb8;
	[tilespmem:$0x1D000] =	vst v63  }
0x29b: {  	_ =	swait.ge [sflag:s12], $0x3E80  }
0x29c: {  	[sflag:s12] =	ssyncset.done $0x0  }
0x29d: {  	s0 =	simm.s32 $0x480;
	[sflag:s12] =	ssyncadd.s32 $0xFFFFC180  }
0x29e: {  	[tilespmem:s17], [sflag:$0x2] =	stream.indirect.gather [hbm4b:s4+s14], $0x80, s0, s14, $0xb8;
	[tilespmem:$0x1D000] =	vst v63  }
0x29f: {  	_ =	swait.ge [sflag:s18], $0x3E80  }
0x2a0: {  	[sflag:s18] =	ssyncset.done $0x0  }
0x2a1: {  	s0 =	simm.s32 $0xC00;
	[sflag:s18] =	ssyncadd.s32 $0xFFFFC180  }
0x2a2: {  	[spmem:s2] =	stream.indirect.scatter.add.f32 [tilespmem:s15], [sflag:$0x3], $0x80, s0, s14, $0xb8;
	[tilespmem:$0x1D000] =	vst v63  }
0x2a3: {  	_ =	swait.ge [sflag:s12], $0x3E80  }
0x2a4: {  	[sflag:s12] =	ssyncset.done $0x0  }
0x2a5: {  	s0 =	simm.s32 $0x500;
	[sflag:s12] =	ssyncadd.s32 $0xFFFFC180  }
0x2a6: {  	[tilespmem:s15], [sflag:$0x1] =	stream.indirect.gather [hbm4b:s4+s14], $0x80, s0, s14, $0xb8;
	[tilespmem:$0x1D000] =	vst v63  }
0x2a7: {  	_ =	swait.ge [sflag:s20], $0x3E80  }
0x2a8: {  	[sflag:s20] =	ssyncset.done $0x0  }
0x2a9: {  	s0 =	simm.s32 $0xC80;
	[sflag:s20] =	ssyncadd.s32 $0xFFFFC180  }
0x2aa: {  	[spmem:s2] =	stream.indirect.scatter.add.f32 [tilespmem:s17], [sflag:$0x3], $0x80, s0, s14, $0xb8;
	[tilespmem:$0x1D000] =	vst v63  }
0x2ab: {  	_ =	swait.ge [sflag:s12], $0x3E80  }
0x2ac: {  	[sflag:s12] =	ssyncset.done $0x0  }
0x2ad: {  	s0 =	simm.s32 $0x580;
	[sflag:s12] =	ssyncadd.s32 $0xFFFFC180  }
0x2ae: {  	[tilespmem:s17], [sflag:$0x2] =	stream.indirect.gather [hbm4b:s4+s14], $0x80, s0, s14, $0xb8;
	[tilespmem:$0x1D000] =	vst v63  }
0x2af: {  	_ =	swait.ge [sflag:s18], $0x3E80  }
0x2b0: {  	[sflag:s18] =	ssyncset.done $0x0  }
0x2b1: {  	s0 =	simm.s32 $0xD00;
	[sflag:s18] =	ssyncadd.s32 $0xFFFFC180  }
0x2b2: {  	[spmem:s2] =	stream.indirect.scatter.add.f32 [tilespmem:s15], [sflag:$0x3], $0x80, s0, s14, $0xb8;
	[tilespmem:$0x1D000] =	vst v63  }
0x2b3: {  	_ =	swait.ge [sflag:s12], $0x3E80  }
0x2b4: {  	[sflag:s12] =	ssyncset.done $0x0  }
0x2b5: {  	s0 =	simm.s32 $0x600;
	[sflag:s12] =	ssyncadd.s32 $0xFFFFC180  }
0x2b6: {  	[tilespmem:s15], [sflag:$0x1] =	stream.indirect.gather [hbm4b:s4+s14], $0x80, s0, s14, $0xb8;
	[tilespmem:$0x1D000] =	vst v63  }
0x2b7: {  	_ =	swait.ge [sflag:s20], $0x3E80  }
0x2b8: {  	[sflag:s20] =	ssyncset.done $0x0  }
0x2b9: {  	s0 =	simm.s32 $0xD80;
	[sflag:s20] =	ssyncadd.s32 $0xFFFFC180  }
0x2ba: {  	[spmem:s2] =	stream.indirect.scatter.add.f32 [tilespmem:s17], [sflag:$0x3], $0x80, s0, s14, $0xb8;
	[tilespmem:$0x1D000] =	vst v63  }
0x2bb: {  	_ =	swait.ge [sflag:s12], $0x3E80  }
0x2bc: {  	[sflag:s12] =	ssyncset.done $0x0  }
0x2bd: {  	s0 =	simm.s32 $0x680;
	[sflag:s12] =	ssyncadd.s32 $0xFFFFC180  }
0x2be: {  	[tilespmem:s17], [sflag:$0x2] =	stream.indirect.gather [hbm4b:s4+s14], $0x80, s0, s14, $0xb8;
	[tilespmem:$0x1D000] =	vst v63  }
0x2bf: {  	_ =	swait.ge [sflag:s18], $0x3E80  }
0x2c0: {  	[sflag:s18] =	ssyncset.done $0x0  }
0x2c1: {  	s0 =	simm.s32 $0xE00;
	[sflag:s18] =	ssyncadd.s32 $0xFFFFC180  }
0x2c2: {  	[spmem:s2] =	stream.indirect.scatter.add.f32 [tilespmem:s15], [sflag:$0x3], $0x80, s0, s14, $0xb8;
	[tilespmem:$0x1D000] =	vst v63  }
0x2c3: {  	_ =	swait.ge [sflag:s12], $0x3E80  }
0x2c4: {  	[sflag:s12] =	ssyncset.done $0x0  }
0x2c5: {  	s0 =	simm.s32 $0x700;
	[sflag:s12] =	ssyncadd.s32 $0xFFFFC180  }
0x2c6: {  	[tilespmem:s15], [sflag:$0x1] =	stream.indirect.gather [hbm4b:s4+s14], $0x80, s0, s14, $0xb8;
	[tilespmem:$0x1D000] =	vst v63  }
0x2c7: {  	_ =	swait.ge [sflag:s20], $0x3E80  }
0x2c8: {  	[sflag:s20] =	ssyncset.done $0x0  }
0x2c9: {  	s0 =	simm.s32 $0xE80;
	[sflag:s20] =	ssyncadd.s32 $0xFFFFC180  }
0x2ca: {  	[spmem:s2] =	stream.indirect.scatter.add.f32 [tilespmem:s17], [sflag:$0x3], $0x80, s0, s14, $0xb8;
	[tilespmem:$0x1D000] =	vst v63  }
0x2cb: {  	_ =	swait.ge [sflag:s12], $0x3E80  }
0x2cc: {  	[sflag:s12] =	ssyncset.done $0x0  }
0x2cd: {  	s0 =	simm.s32 $0x780;
	[sflag:s12] =	ssyncadd.s32 $0xFFFFC180  }
0x2ce: {  	[tilespmem:s17], [sflag:$0x2] =	stream.indirect.gather [hbm4b:s4+s14], $0x80, s0, s14, $0xb8;
	[tilespmem:$0x1D000] =	vst v63  }
0x2cf: {  	_ =	swait.ge [sflag:s18], $0x3E80  }
0x2d0: {  	[sflag:s18] =	ssyncset.done $0x0  }
0x2d1: {  	s0 =	simm.s32 $0xF00;
	[sflag:s18] =	ssyncadd.s32 $0xFFFFC180  }
0x2d2: {  	[spmem:s2] =	stream.indirect.scatter.add.f32 [tilespmem:s15], [sflag:$0x3], $0x80, s0, s14, $0xb8;
	[tilespmem:$0x1D000] =	vst v63  }
0x2d3: {  	_ =	swait.ge [sflag:s12], $0x3E80  }
0x2d4: {  	[sflag:s12] =	ssyncset.done $0x0  }
0x2d5: {  	[sflag:s12] =	ssyncadd.s32 $0xFFFFC180  }
0x2d6: {  	_ =	swait.ge [sflag:s20], $0x3E80  }
.Ltmp5:
0x2d7: {  	[sflag:s20] =	ssyncset.done $0x0;
	(pc) =	sbr.rel @!p1 .LBB2_3-.Ltmp5, $4  }
0x2d8: {  	s0 =	simm.s32 $0xF80;
	[sflag:s20] =	ssyncadd.s32 $0xFFFFC180  }
0x2d9: {  	[spmem:s2] =	stream.indirect.scatter.add.f32 [tilespmem:s17], [sflag:$0x3], $0x80, s0, s14, $0xb8;
	[tilespmem:$0x1D000] =	vst v63  }
0x2da: {  	_ =	swait.ge [sflag:s12], $0x3E80  }
0x2db: {  	s31 =	smov.u32 s6;
	s0 =	sadd.s32 s1, s10;
	[sflag:s12] =	ssyncset.done $0x0  }
0x2dc: {  	s1 =	sadd.s32 $0x5000, s0;
	[sflag:s12] =	ssyncadd.s32 $0xFFFFC180  }
0x2dd: {  	[tilespmem:s3], [sflag:$0x3] =	stream.linear.gather [hbm4b:s1+s3], $0x800, $0x38;
	[tilespmem:$0x1D000] =	vst v63  }
0x2de: {  	_ =	swait.ge [sflag:s12], $0x800  }
0x2df: {  	[sflag:s12] =	ssyncset.done $0x0  }
0x2e0: {  	[sflag:s12] =	ssyncadd.s32 $0xFFFFF800  }
0x2e1: {  	[tilespmem:s13], [sflag:$0x3] =	stream.linear.gather [hbm4b:s0+s3], $0x800, $0x38;
	[tilespmem:$0x1D000] =	vst v63  }
0x2e2: {  	_ =	swait.ge [sflag:s12], $0x800  }
0x2e3: {  	[sflag:s12] =	ssyncset.done $0x0  }
0x2e4: {  	[sflag:s12] =	ssyncadd.s32 $0xFFFFF800  }
0x2e5: {  	[tilespmem:s15], [sflag:$0x1] =	stream.indirect.gather [hbm4b:s4+s14], $0x80, s3, s14, $0xb8;
	[tilespmem:$0x1D000] =	vst v63  }
0x2e6: {  	_ = 	snop  }
0x2e7: {  	[tilespmem:s17], [sflag:$0x2] =	stream.indirect.gather [hbm4b:s4+s14], $0x80, s8, s14, $0xb8;
	[tilespmem:$0x1D000] =	vst v63  }
0x2e8: {  	_ =	swait.ge [sflag:s18], $0x3E80  }
0x2e9: {  	[sflag:s18] =	ssyncset.done $0x0  }
0x2ea: {  	[sflag:s18] =	ssyncadd.s32 $0xFFFFC180  }
0x2eb: {  	[spmem:s2] =	stream.indirect.scatter.add.f32 [tilespmem:s15], [sflag:$0x3], $0x80, s13, s14, $0xb8;
	[tilespmem:$0x1D000] =	vst v63  }
0x2ec: {  	_ =	swait.ge [sflag:s12], $0x3E80  }
0x2ed: {  	[sflag:s12] =	ssyncset.done $0x0  }
0x2ee: {  	[sflag:s12] =	ssyncadd.s32 $0xFFFFC180  }
0x2ef: {  	[tilespmem:s15], [sflag:$0x1] =	stream.indirect.gather [hbm4b:s4+s14], $0x80, s9, s14, $0xb8;
	[tilespmem:$0x1D000] =	vst v63  }
0x2f0: {  	_ =	swait.ge [sflag:s20], $0x3E80  }
0x2f1: {  	[sflag:s20] =	ssyncset.done $0x0  }
0x2f2: {  	[sflag:s20] =	ssyncadd.s32 $0xFFFFC180  }
0x2f3: {  	[spmem:s2] =	stream.indirect.scatter.add.f32 [tilespmem:s17], [sflag:$0x3], $0x80, s7, s14, $0xb8;
	[tilespmem:$0x1D000] =	vst v63  }
0x2f4: {  	_ =	swait.ge [sflag:s12], $0x3E80  }
0x2f5: {  	[sflag:s12] =	ssyncset.done $0x0  }
0x2f6: {  	[sflag:s12] =	ssyncadd.s32 $0xFFFFC180  }
0x2f7: {  	[tilespmem:s17], [sflag:$0x2] =	stream.indirect.gather [hbm4b:s4+s14], $0x80, s11, s14, $0xb8;
	[tilespmem:$0x1D000] =	vst v63  }
0x2f8: {  	_ =	swait.ge [sflag:s18], $0x3E80  }
0x2f9: {  	[sflag:s18] =	ssyncset.done $0x0  }
0x2fa: {  	[sflag:s18] =	ssyncadd.s32 $0xFFFFC180  }
0x2fb: {  	[spmem:s2] =	stream.indirect.scatter.add.f32 [tilespmem:s15], [sflag:$0x3], $0x80, s16, s14, $0xb8;
	[tilespmem:$0x1D000] =	vst v63  }
0x2fc: {  	_ =	swait.ge [sflag:s12], $0x3E80  }
0x2fd: {  	[sflag:s12] =	ssyncset.done $0x0  }
0x2fe: {  	[sflag:s12] =	ssyncadd.s32 $0xFFFFC180  }
0x2ff: {  	[tilespmem:s15], [sflag:$0x1] =	stream.indirect.gather [hbm4b:s4+s14], $0x80, s19, s14, $0xb8;
	[tilespmem:$0x1D000] =	vst v63  }
0x300: {  	_ =	swait.ge [sflag:s20], $0x3E80  }
0x301: {  	[sflag:s20] =	ssyncset.done $0x0  }
0x302: {  	[sflag:s20] =	ssyncadd.s32 $0xFFFFC180  }
0x303: {  	[spmem:s2] =	stream.indirect.scatter.add.f32 [tilespmem:s17], [sflag:$0x3], $0x80, s21, s14, $0xb8;
	[tilespmem:$0x1D000] =	vst v63  }
0x304: {  	_ =	swait.ge [sflag:s12], $0x3E80  }
0x305: {  	[sflag:s12] =	ssyncset.done $0x0  }
0x306: {  	[sflag:s12] =	ssyncadd.s32 $0xFFFFC180  }
0x307: {  	[tilespmem:s17], [sflag:$0x2] =	stream.indirect.gather [hbm4b:s4+s14], $0x80, s22, s14, $0xb8;
	[tilespmem:$0x1D000] =	vst v63  }
0x308: {  	_ =	swait.ge [sflag:s18], $0x3E80  }
0x309: {  	[sflag:s18] =	ssyncset.done $0x0  }
0x30a: {  	[sflag:s18] =	ssyncadd.s32 $0xFFFFC180  }
0x30b: {  	[spmem:s2] =	stream.indirect.scatter.add.f32 [tilespmem:s15], [sflag:$0x3], $0x80, s23, s14, $0xb8;
	[tilespmem:$0x1D000] =	vst v63  }
0x30c: {  	_ =	swait.ge [sflag:s12], $0x3E80  }
0x30d: {  	[sflag:s12] =	ssyncset.done $0x0  }
0x30e: {  	[sflag:s12] =	ssyncadd.s32 $0xFFFFC180  }
0x30f: {  	[tilespmem:s15], [sflag:$0x1] =	stream.indirect.gather [hbm4b:s4+s14], $0x80, s24, s14, $0xb8;
	[tilespmem:$0x1D000] =	vst v63  }
0x310: {  	_ =	swait.ge [sflag:s20], $0x3E80  }
0x311: {  	[sflag:s20] =	ssyncset.done $0x0  }
0x312: {  	[sflag:s20] =	ssyncadd.s32 $0xFFFFC180  }
0x313: {  	[spmem:s2] =	stream.indirect.scatter.add.f32 [tilespmem:s17], [sflag:$0x3], $0x80, s25, s14, $0xb8;
	[tilespmem:$0x1D000] =	vst v63  }
0x314: {  	_ =	swait.ge [sflag:s12], $0x3E80  }
0x315: {  	[sflag:s12] =	ssyncset.done $0x0  }
0x316: {  	[sflag:s12] =	ssyncadd.s32 $0xFFFFC180  }
0x317: {  	[tilespmem:s17], [sflag:$0x2] =	stream.indirect.gather [hbm4b:s4+s14], $0x80, s26, s14, $0xb8;
	[tilespmem:$0x1D000] =	vst v63  }
0x318: {  	_ =	swait.ge [sflag:s18], $0x3E80  }
0x319: {  	[sflag:s18] =	ssyncset.done $0x0  }
0x31a: {  	[sflag:s18] =	ssyncadd.s32 $0xFFFFC180  }
0x31b: {  	[spmem:s2] =	stream.indirect.scatter.add.f32 [tilespmem:s15], [sflag:$0x3], $0x80, s28, s14, $0xb8;
	[tilespmem:$0x1D000] =	vst v63  }
0x31c: {  	_ =	swait.ge [sflag:s12], $0x3E80  }
0x31d: {  	[sflag:s12] =	ssyncset.done $0x0  }
0x31e: {  	[sflag:s12] =	ssyncadd.s32 $0xFFFFC180  }
0x31f: {  	[tilespmem:s15], [sflag:$0x1] =	stream.indirect.gather [hbm4b:s4+s14], $0x80, s29, s14, $0xb8;
	[tilespmem:$0x1D000] =	vst v63  }
0x320: {  	_ =	swait.ge [sflag:s20], $0x3E80  }
0x321: {  	[sflag:s20] =	ssyncset.done $0x0  }
0x322: {  	[sflag:s20] =	ssyncadd.s32 $0xFFFFC180  }
0x323: {  	[spmem:s2] =	stream.indirect.scatter.add.f32 [tilespmem:s17], [sflag:$0x3], $0x80, s30, s14, $0xb8;
	[tilespmem:$0x1D000] =	vst v63  }
0x324: {  	_ =	swait.ge [sflag:s12], $0x3E80  }
0x325: {  	[sflag:s12] =	ssyncset.done $0x0  }
0x326: {  	s31 =	simm.s32 $0x480;
	[sflag:s12] =	ssyncadd.s32 $0xFFFFC180  }
0x327: {  	[tilespmem:s17], [sflag:$0x2] =	stream.indirect.gather [hbm4b:s4+s14], $0x80, s31, s14, $0xb8;
	[tilespmem:$0x1D000] =	vst v63  }
0x328: {  	_ =	swait.ge [sflag:s18], $0x3E80  }
0x329: {  	[sflag:s18] =	ssyncset.done $0x0  }
0x32a: {  	s1 =	simm.s32 $0xC00;
	[sflag:s18] =	ssyncadd.s32 $0xFFFFC180  }
0x32b: {  	[spmem:s2] =	stream.indirect.scatter.add.f32 [tilespmem:s15], [sflag:$0x3], $0x80, s1, s14, $0xb8;
	[tilespmem:$0x1D000] =	vst v63  }
0x32c: {  	_ =	swait.ge [sflag:s12], $0x3E80  }
0x32d: {  	[sflag:s12] =	ssyncset.done $0x0  }
0x32e: {  	s6 =	simm.s32 $0x500;
	[sflag:s12] =	ssyncadd.s32 $0xFFFFC180  }
0x32f: {  	[tilespmem:s15], [sflag:$0x1] =	stream.indirect.gather [hbm4b:s4+s14], $0x80, s6, s14, $0xb8;
	[tilespmem:$0x1D000] =	vst v63  }
0x330: {  	_ =	swait.ge [sflag:s20], $0x3E80  }
0x331: {  	[sflag:s20] =	ssyncset.done $0x0  }
0x332: {  	s7 =	simm.s32 $0xC80;
	[sflag:s20] =	ssyncadd.s32 $0xFFFFC180  }
0x333: {  	[spmem:s2] =	stream.indirect.scatter.add.f32 [tilespmem:s17], [sflag:$0x3], $0x80, s7, s14, $0xb8;
	[tilespmem:$0x1D000] =	vst v63  }
0x334: {  	_ =	swait.ge [sflag:s12], $0x3E80  }
0x335: {  	[sflag:s12] =	ssyncset.done $0x0  }
0x336: {  	s9 =	simm.s32 $0x580;
	[sflag:s12] =	ssyncadd.s32 $0xFFFFC180  }
0x337: {  	[tilespmem:s17], [sflag:$0x2] =	stream.indirect.gather [hbm4b:s4+s14], $0x80, s9, s14, $0xb8;
	[tilespmem:$0x1D000] =	vst v63  }
0x338: {  	_ =	swait.ge [sflag:s18], $0x3E80  }
0x339: {  	[sflag:s18] =	ssyncset.done $0x0  }
0x33a: {  	s11 =	simm.s32 $0xD00;
	[sflag:s18] =	ssyncadd.s32 $0xFFFFC180  }
0x33b: {  	[spmem:s2] =	stream.indirect.scatter.add.f32 [tilespmem:s15], [sflag:$0x3], $0x80, s11, s14, $0xb8;
	[tilespmem:$0x1D000] =	vst v63  }
0x33c: {  	_ =	swait.ge [sflag:s12], $0x3E80  }
0x33d: {  	[sflag:s12] =	ssyncset.done $0x0  }
0x33e: {  	s16 =	simm.s32 $0x600;
	[sflag:s12] =	ssyncadd.s32 $0xFFFFC180  }
0x33f: {  	[tilespmem:s15], [sflag:$0x1] =	stream.indirect.gather [hbm4b:s4+s14], $0x80, s16, s14, $0xb8;
	[tilespmem:$0x1D000] =	vst v63  }
0x340: {  	_ =	swait.ge [sflag:s20], $0x3E80  }
0x341: {  	[sflag:s20] =	ssyncset.done $0x0  }
0x342: {  	s19 =	simm.s32 $0xD80;
	[sflag:s20] =	ssyncadd.s32 $0xFFFFC180  }
0x343: {  	[spmem:s2] =	stream.indirect.scatter.add.f32 [tilespmem:s17], [sflag:$0x3], $0x80, s19, s14, $0xb8;
	[tilespmem:$0x1D000] =	vst v63  }
0x344: {  	_ =	swait.ge [sflag:s12], $0x3E80  }
0x345: {  	[sflag:s12] =	ssyncset.done $0x0  }
0x346: {  	s21 =	simm.s32 $0x680;
	[sflag:s12] =	ssyncadd.s32 $0xFFFFC180  }
0x347: {  	[tilespmem:s17], [sflag:$0x2] =	stream.indirect.gather [hbm4b:s4+s14], $0x80, s21, s14, $0xb8;
	[tilespmem:$0x1D000] =	vst v63  }
0x348: {  	_ =	swait.ge [sflag:s18], $0x3E80  }
0x349: {  	[sflag:s18] =	ssyncset.done $0x0  }
0x34a: {  	s22 =	simm.s32 $0xE00;
	[sflag:s18] =	ssyncadd.s32 $0xFFFFC180  }
0x34b: {  	[spmem:s2] =	stream.indirect.scatter.add.f32 [tilespmem:s15], [sflag:$0x3], $0x80, s22, s14, $0xb8;
	[tilespmem:$0x1D000] =	vst v63  }
0x34c: {  	_ =	swait.ge [sflag:s12], $0x3E80  }
0x34d: {  	[sflag:s12] =	ssyncset.done $0x0  }
0x34e: {  	s23 =	simm.s32 $0x700;
	[sflag:s12] =	ssyncadd.s32 $0xFFFFC180  }
0x34f: {  	[tilespmem:s15], [sflag:$0x1] =	stream.indirect.gather [hbm4b:s4+s14], $0x80, s23, s14, $0xb8;
	[tilespmem:$0x1D000] =	vst v63  }
0x350: {  	_ =	swait.ge [sflag:s20], $0x3E80  }
0x351: {  	[sflag:s20] =	ssyncset.done $0x0  }
0x352: {  	s24 =	simm.s32 $0xE80;
	[sflag:s20] =	ssyncadd.s32 $0xFFFFC180  }
0x353: {  	[spmem:s2] =	stream.indirect.scatter.add.f32 [tilespmem:s17], [sflag:$0x3], $0x80, s24, s14, $0xb8;
	[tilespmem:$0x1D000] =	vst v63  }
0x354: {  	_ =	swait.ge [sflag:s12], $0x3E80  }
0x355: {  	[sflag:s12] =	ssyncset.done $0x0  }
0x356: {  	s25 =	simm.s32 $0x780;
	[sflag:s12] =	ssyncadd.s32 $0xFFFFC180  }
0x357: {  	[tilespmem:s17], [sflag:$0x2] =	stream.indirect.gather [hbm4b:s4+s14], $0x80, s25, s14, $0xb8;
	[tilespmem:$0x1D000] =	vst v63  }
0x358: {  	_ =	swait.ge [sflag:s18], $0x3E80  }
0x359: {  	[sflag:s18] =	ssyncset.done $0x0  }
0x35a: {  	s26 =	simm.s32 $0xF00;
	[sflag:s18] =	ssyncadd.s32 $0xFFFFC180  }
0x35b: {  	[spmem:s2] =	stream.indirect.scatter.add.f32 [tilespmem:s15], [sflag:$0x3], $0x80, s26, s14, $0xb8;
	[tilespmem:$0x1D000] =	vst v63  }
0x35c: {  	s28 =	simm.s32 $0x400;
	_ =	swait.ge [sflag:s12], $0x3E80  }
0x35d: {  	s29 =	simm.s32 $0xB80;
	s31 =	simm.s32 $0xF80;
	[sflag:s12] =	ssyncset.done $0x0  }
0x35e: {  	s6 =	simm.s32 $0x100;
	s7 =	simm.s32 $0x880;
	[sflag:s12] =	ssyncadd.s32 $0xFFFFC180  }
0x35f: {  	s9 =	simm.s32 $0x180;
	s11 =	simm.s32 $0x900;
	_ =	swait.ge [sflag:s20], $0x3E80  }
0x360: {  	s16 =	simm.s32 $0x200;
	s19 =	simm.s32 $0x980;
	[sflag:s20] =	ssyncset.done $0x0  }
.Ltmp6:
0x361: {  	s21 =	simm.s32 $0x280;
	[sflag:s20] =	ssyncadd.s32 $0xFFFFC180;
	(pc) =	sbr.rel .LBB2_8-.Ltmp6, $4  }
0x362: {  	[spmem:s2] =	stream.indirect.scatter.add.f32 [tilespmem:s17], [sflag:$0x3], $0x80, s31, s14, $0xb8;
	[tilespmem:$0x1D000] =	vst v63  }
0x363: {  	s22 =	simm.s32 $0xA00;
	s23 =	simm.s32 $0x300;
	_ =	swait.ge [sflag:s12], $0x3E80  }
0x364: {  	s24 =	simm.s32 $0xA80;
	s25 =	simm.s32 $0x380;
	[sflag:s12] =	ssyncset.done $0x0  }
0x365: {  	s26 =	simm.s32 $0xB00;
	s30 =	rddreg [dreg:$0x8];
	[sflag:s12] =	ssyncadd.s32 $0xFFFFC180  }
.LBB2_9:
0x366: {  	_ =	sfence.sel $0x180000  }
0x367: {  	[bflag:$0x0] =	sbarrier.arrive $0xFFFF  }
0x368: {  	_ =	strace $0x9000004A  }
0x369: {  	s0 =	stileid.u32;
	[bflag:$0x2] =	sbarrier.arrive $0xFFFF  }
0x36a: {  	p0 =	sne.s32 s0, $0x0;
	s0 =	rddreg [dreg:$0x2]  }
0x36b: {  	s0 =	sadd.s32 @!p0 $0x100000, s0  }
0x36c: {  	[sflag:s0] =	ssyncadd.tile.s32 @!p0 $0x1;
	_ =	shalt  }
.Lfunc_end2:
_tile_overlayer_lowered:
.L_overlay_start_2:
0x36d: {  	(tag) =	ssettag $0x2  }
0x36e: {  	s0 =	rddreg [dreg:$0x0];
	s2 =	stileid.u32  }
0x36f: {  	s1 =	rddreg [dreg:$0x1];
	p0 =	sne.s32 s2, $0x0  }
0x370: {  	s3 =	rddreg [dreg:$0x2];
	[bflag:$0x3] =	sbarrier.arrive $0xFFFF;
	s2 =	simm.s32 @!p0 $0x1C03  }
0x371: {  	[timem:s3], [sflag:s2] =	dma.local @!p0 [hbm:s0], s1  }
0x372: {  	s0 =	simm.s32 @!p0 $0x3  }
0x373: {  	_ =	swait.ge @!p0 [sflag:s0], s1  }
0x374: {  	s1 =	ssub.s32 @!p0 $0x0, s1;
	[sflag:s0] =	ssyncset.done @!p0 $0x0  }
0x375: {  	[sflag:s0] =	ssyncadd.s32 @!p0 s1  }
0x376: {  	[bflag:$0x3] =	sbarrier.arrive $0xFFFF  }
0x377: {  	_ =	shalt  }

// kernel: kernel.15.cloned.1.call-start
scs
__scs_entry_jumppad:
0x0: {  	(pc) =	sbr.rel $0x88, $3  }
0x1: {  	(tag) =	ssettag $0x0;
	lr =	simm.s32 $0x1  }
0x2: {  	[smem:$0x3F9D] =	sst lr;
	_ =	strace $0xD0000000  }
0x3: {  	_ = 	snop  }
0x4: {  	_ = 	snop  }
0x5: {  	_ = 	snop  }
0x6: {  	_ = 	snop  }
0x7: {  	_ = 	snop  }
__scs_overlays_trampoline_lowered:
0x8: {  	[smem:$0x3FAC] =	sst s0  }
0x9: {  	[smem:$0x3FAD] =	sst s1  }
0xa: {  	[smem:$0x3FAE] =	sst s2  }
0xb: {  	[smem:$0x3FAF] =	sst s3  }
0xc: {  	[smem:$0x3FB0] =	sst s4  }
0xd: {  	[smem:$0x3FB1] =	sst s5  }
0xe: {  	[smem:$0x3FB2] =	sst s6  }
0xf: {  	[smem:$0x3FB3] =	sst s7  }
0x10: {  	[smem:$0x3FB4] =	sst s8  }
0x11: {  	[smem:$0x3FB5] =	sst s9;
	s0 =	simm.s32 @!p0 $0x0  }
0x12: {  	s1 =	sld [smem:$0x3F9B];
	s0 =	simm.s32 @p0 $0x1  }
0x13: {  	[smem:$0x3FB6] =	sst s0;
	s0 =	simm.s32 @!p1 $0x0  }
0x14: {  	s2 =	sld [smem:$0x3F9A];
	s0 =	simm.s32 @p1 $0x1  }
0x15: {  	[smem:$0x3FB7] =	sst s0;
	s0 =	simm.s32 @!p2 $0x0  }
0x16: {  	s3 =	sld [smem:$0x3FDB];
	s0 =	simm.s32 @p2 $0x1  }
0x17: {  	s4 =	simm.s32 $0x1BF5;
	[smem:$0x3FB9] =	sst s0  }
0x18: {  	s0 =	sld [smem:$0x3F9C];
	_ =	swait.ge [sflag:s4], $0x0  }
0x19: {  	s7 =	sld [smem:$0x3F9D]  }
0x1a: {  	s8 =	sadd.s32 $0xFFFFE003, lr  }
0x1b: {  	s9 =	sadd.s32 $0xFFFFFEF7, lr;
	s5 =	simm.s32 $0xFFFFFFFF;
	p2 =	slt.u32 s8, $0xFFFFF086  }
0x1c: {  	p1 =	slt.u32 s9, $0xF7A;
	s5 =	simm.s32 @!p2 $0x0  }
0x1d: {  	s5 =	simm.s32 @p1 $0x1;
	p0 =	seq.s32 s7, s2  }
0x1e: {  	s7 =	smul.u32 @!p0 $0xF7A, s2;
	p2 =	seq.s32 @!p0 s5, $0x0  }
0x1f: {  	s9 =	smul.u32 $0xF7A, s1;
	s8 =	simm.s32 @!p0 $0x1BF5;
	p2 =	por !p2, p0  }
0x20: {  	[sflag:s8] =	ssyncset.s32 @!p0 $0xFFFFF086;
	s6 =	sadd.s32 @!p0 s3, s7;
	s7 =	simm.s32 @!p0 $0x108  }
0x21: {  	s3 =	sadd.s32 s3, s9;
	s6 =	sadd.s32 @!p0 $0x88, s6;
	s7 =	simm.s32 @p2 $0x1082  }
0x22: {  	[simem:s7], [sflag:s8] =	dma.local @!p0 [hbm:s6], $0xF7A  }
0x23: {  	s9 =	sor.u32 $0xD0000000, s2;
	s6 =	simm.s32 $0x108;
	_ =	swait.ge @!p0 [sflag:s8], $0x0  }
0x24: {  	s3 =	sadd.s32 $0x88, s3;
	s6 =	simm.s32 @!p1 $0x1082;
	[sflag:s4] =	ssyncset.s32 $0xFFFFF086  }
0x25: {  	[simem:s6], [sflag:s4] =	dma.local [hbm:s3], $0xF7A  }
0x26: {  	[smem:$0x3F9D] =	sst s1;
	(tag) =	ssettag s2;
	_ =	strace s9  }
0x27: {  	s1 =	sld [smem:$0x3FAD]  }
0x28: {  	s2 =	sld [smem:$0x3FAE]  }
0x29: {  	s4 =	sld [smem:$0x3FB0]  }
0x2a: {  	p0 =	seq.s32 s5, $0x0;
	s5 =	sld [smem:$0x3FB1]  }
0x2b: {  	s6 =	sld [smem:$0x3FB2]  }
0x2c: {  	s7 =	sld [smem:$0x3FB3]  }
0x2d: {  	s3 =	simm.s32 $0x108;
	s8 =	sld [smem:$0x3FB4]  }
0x2e: {  	s3 =	simm.s32 @!p0 $0x1082;
	s9 =	sld [smem:$0x3FB5]  }
0x2f: {  	lr =	sadd.s32 s0, s3;
	s0 =	sld [smem:$0x3FAC]  }
0x30: {  	s3 =	sld [smem:$0x3FAF]  }
0x31: {  	[smem:$0x3FB8] =	sst s10  }
0x32: {  	s10 =	sld [smem:$0x3FB6];
	_ =	sdelay $0x3  }
0x33: {  	p0 =	seq.s32 s10, $0x1;
	s10 =	sld [smem:$0x3FB8];
	_ =	sdelay $0x3  }
0x34: {  	[smem:$0x3FB8] =	sst s10  }
0x35: {  	s10 =	sld [smem:$0x3FB7];
	_ =	sdelay $0x3  }
0x36: {  	p1 =	seq.s32 s10, $0x1;
	s10 =	sld [smem:$0x3FB8];
	_ =	sdelay $0x3  }
0x37: {  	[smem:$0x3FB8] =	sst s10  }
0x38: {  	s10 =	sld [smem:$0x3FB9]  }
0x39: {  	_ = 	snop;
	(pc) =	sbr.ind lr, $3  }
0x3a: {  	_ = 	snop  }
0x3b: {  	_ = 	snop  }
0x3c: {  	p2 =	seq.s32 s10, $0x1;
	s10 =	sld [smem:$0x3FB8]  }
0x3d: {  	_ =	shalt  }
0x3e: {  	_ =	shalt  }
0x3f: {  	_ =	shalt  }
0x40: {  	_ =	shalt  }
0x41: {  	_ =	shalt  }
0x42: {  	_ =	shalt  }
0x43: {  	_ =	shalt  }
0x44: {  	_ =	shalt  }
0x45: {  	_ =	shalt  }
0x46: {  	_ =	shalt  }
0x47: {  	_ =	shalt  }
0x48: {  	_ =	shalt  }
0x49: {  	_ =	shalt  }
0x4a: {  	_ =	shalt  }
0x4b: {  	_ =	shalt  }
0x4c: {  	_ =	shalt  }
0x4d: {  	_ =	shalt  }
0x4e: {  	_ =	shalt  }
0x4f: {  	_ =	shalt  }
0x50: {  	_ =	shalt  }
0x51: {  	_ =	shalt  }
0x52: {  	_ =	shalt  }
0x53: {  	_ =	shalt  }
0x54: {  	_ =	shalt  }
0x55: {  	_ =	shalt  }
0x56: {  	_ =	shalt  }
0x57: {  	_ =	shalt  }
0x58: {  	_ =	shalt  }
0x59: {  	_ =	shalt  }
0x5a: {  	_ =	shalt  }
0x5b: {  	_ =	shalt  }
0x5c: {  	_ =	shalt  }
0x5d: {  	_ =	shalt  }
0x5e: {  	_ =	shalt  }
0x5f: {  	_ =	shalt  }
0x60: {  	_ =	shalt  }
0x61: {  	_ =	shalt  }
0x62: {  	_ =	shalt  }
0x63: {  	_ =	shalt  }
0x64: {  	_ =	shalt  }
0x65: {  	_ =	shalt  }
0x66: {  	_ =	shalt  }
0x67: {  	_ =	shalt  }
0x68: {  	_ =	shalt  }
0x69: {  	_ =	shalt  }
0x6a: {  	_ =	shalt  }
0x6b: {  	_ =	shalt  }
0x6c: {  	_ =	shalt  }
0x6d: {  	_ =	shalt  }
0x6e: {  	_ =	shalt  }
0x6f: {  	_ =	shalt  }
0x70: {  	_ =	shalt  }
0x71: {  	_ =	shalt  }
0x72: {  	_ =	shalt  }
0x73: {  	_ =	shalt  }
0x74: {  	_ =	shalt  }
0x75: {  	_ =	shalt  }
0x76: {  	_ =	shalt  }
0x77: {  	_ =	shalt  }
0x78: {  	_ =	shalt  }
0x79: {  	_ =	shalt  }
0x7a: {  	_ =	shalt  }
0x7b: {  	_ =	shalt  }
0x7c: {  	_ =	shalt  }
0x7d: {  	_ =	shalt  }
0x7e: {  	_ =	shalt  }
0x7f: {  	_ =	shalt  }
0x80: {  	_ =	shalt  }
0x81: {  	_ =	shalt  }
0x82: {  	_ =	shalt  }
0x83: {  	_ =	shalt  }
0x84: {  	_ =	shalt  }
0x85: {  	_ =	shalt  }
0x86: {  	_ =	shalt  }
0x87: {  	_ =	shalt  }
.Lfunc_end0:
.L_simem_size_0:
called_computation.2_lowered:
.L_overlay_start_0:
0x88: {  	s2 =	sld [smem:$0x3FD9]  }
0x89: {  	s3 =	sld [smem:$0x3FFE];
	_ =	sdelay $0x1  }
0x8a: {  	s1 =	srdreg.scid  }
0x8b: {  	s0 =	sand.u32 $0x1, s1  }
0x8c: {  	s16 =	sshll.u32 s0, $0xA;
	s2 =	sadd.s32 s3, s2  }
0x8d: {  	s2 =	sadd.s32 s2, s16  }
0x8e: {  	[smem:$0x3FC4] =	sst s2  }
0x8f: {  	_ = 	snop  }
0x90: {  	(tm) =	ssettm $0x1  }
0x91: {  	s17 =	sld [smem:$0x3FFB];
	_ =	sdelay $0x3  }
0x92: {  	_ =	strace s17  }
0x93: {  	s2 =	sld [smem:$0x3FFC];
	_ =	sdelay $0x3  }
0x94: {  	_ =	strace s2  }
0x95: {  	s2 =	sld [smem:$0x3FFD];
	_ =	sdelay $0x3  }
0x96: {  	_ =	strace s2  }
0x97: {  	_ =	strace $0x8FFFFFFF  }
0x98: {  	s18 =	sld [smem:$0x3FDB];
	_ =	sdelay $0x1  }
0x99: {  	s19 =	simm.s32 $_scs_section_size  }
0x9a: {  	s4 =	simm.s32 $_size__tile_overlayer_lowered;
	s5 =	simm.s32 $_tile_overlayer_lowered  }
0x9b: {  	s22 =	simm.s32 $0x1BFF;
	s21 =	sshll.u32 s5, $0x1;
	s2 =	sadd.s32 s19, s18  }
0x9c: {  	s6 =	simm.s32 $0x0;
	s20 =	sshll.u32 s4, $0x1;
	s4 =	sadd.s32 s21, s2  }
0x9d: {  	[timem:s6], [sflag:s22] =	dma.local [hbm:s4], s20  }
0x9e: {  	_ =	swait.ge [sflag:s22], s20  }
0x9f: {  	s3 =	ssub.s32 $0x0, s20;
	[sflag:s22] =	ssyncset.done $0x0  }
0xa0: {  	[sflag:s22] =	ssyncadd.s32 s3;
	_ =	sdelay $0x1  }
0xa1: {  	s23 =	simm.s32 $0x1B8B  }
0xa2: {  	_ =	swait.ge [sflag:s23], $0x1  }
0xa3: {  	[sflag:s23] =	ssyncset.done $0x0  }
0xa4: {  	s25 =	simm.s32 $0x1B8E;
	s24 =	sld [smem:$0x3FFE];
	[sflag:s23] =	ssyncadd.s32 $0xFFFFFFFF  }
0xa5: {  	s26 =	simm.s32 $execute0_lowered;
	[smem:$0x3FD2] =	sst s25  }
0xa6: {  	s4 =	sshll.u32 s26, $0x1;
	_ =	strace $0x8000004C;
	[dreg:$0x1] =	wrdreg $0xFFFFFFFF  }
0xa7: {  	s28 =	simm.s32 $_size_execute0_lowered;
	s2 =	sadd.s32 s2, s4;
	[dreg:$0x0] =	wrdreg $0x0  }
0xa8: {  	s4 =	sshll.u32 s28, $0x1;
	[dreg:$0x2] =	wrdreg s2  }
0xa9: {  	[dreg:$0x3] =	wrdreg s4  }
0xaa: {  	[dreg:$0x4] =	wrdreg $0xC0  }
0xab: {  	_ =	task [dreg:s6], $0x5FFFF  }
0xac: {  	[dreg:$0x1] =	wrdreg $0xFFFFFFFF  }
0xad: {  	[dreg:$0x0] =	wrdreg $0x60  }
0xae: {  	[dreg:$0x2] =	wrdreg s24  }
0xaf: {  	[dreg:$0x3] =	wrdreg $0x46800  }
0xb0: {  	[dreg:$0x4] =	wrdreg $0x9  }
0xb1: {  	_ =	task.clear_ibuf [dreg:s6], $0x5FFFF;
	_ =	strace $0x9000004C  }
0xb2: {  	s29 =	simm.s32 $0x9;
	_ =	strace $0x8000004E  }
0xb3: {  	_ =	swait.ge [sflag:s29], $0x1  }
0xb4: {  	[sflag:s29] =	ssyncadd.s32 $0xFFFFFFFF  }
0xb5: {  	_ =	strace $0x9000004E  }
0xb6: {  	_ =	sfence  }
0xb7: {  	s30 =	sld [smem:$0x0];
	_ =	sdelay $0x2  }
0xb8: {  	s31 =	sshll.u32 s1, $0xD;
	s1 =	sshrl.u32 s1, $0x2  }
0xb9: {  	s3 =	sand.u32 $0x4000, s31;
	s1 =	sadd.s32 s1, s30  }
0xba: {  	s0 =	sor.u32 s3, s0;
	s1 =	sshll.u32 s1, $0x11  }
0xbb: {  	s0 =	sor.u32 s1, s0  }
0xbc: {  	s0 =	sadd.s32 $0x8F2B, s0  }
0xbd: {  	[sflag:s0] =	ssyncadd.remote.s32 $0x1  }
0xbe: {  	_ =	sfence.sel $0xFFFF  }
0xbf: {  	[dreg:$0x0] =	wrdreg $0xFFFFFFFF;
	(pc) =	sbr.abs _section_cstart, $3  }
0xc0: {  	[dreg:$0x1] =	wrdreg $0xFFFFFFFF  }
0xc1: {  	_ =	task.clear_ibuf [dreg:s6], $0x2FFFF;
	_ =	strace $0x9FFFFFFF  }
0xc2: {  	(tm) =	ssettm $0x7FFFFFFF  }
0xc3: {  	_ =	shalt  }
tec
execute0_lowered:
.L_overlay_start_1:
0x0: {  	(tag) =	ssettag $0x1  }
0x1: {  	s0 =	rddreg [dreg:$0x0]  }
0x2: {  	s2 =	rddreg [dreg:$0x1];
	s3 =	simm.s32 $0x0  }
0x3: {  	s1 =	srdreg.scid;
	s11 =	stileid.u32;
	s12 =	simm.s32 $0x3  }
0x4: {  	s13 =	simm.s32 $0x400;
	s14 =	simm.s32 $0x7D;
	s15 =	simm.s32 $0x800  }
0x5: {  	s16 =	simm.s32 $0x80;
	s17 =	simm.s32 $0x2740;
	s18 =	simm.s32 $0x1  }
0x6: {  	s19 =	simm.s32 $0x100;
	s20 =	simm.s32 $0x2;
	s21 =	simm.s32 $0x480  }
0x7: {  	s28 =	simm.s32 $0x600;
	s29 =	simm.s32 $0x300;
	s30 =	simm.s32 $0x680  }
0x8: {  	s31 =	simm.s32 $0x380;
	[smem:$0x7FF] =	sst s3;
	s1 =	sand.u32 $0x1, s1  }
0x9: {  	s5 =	smul.u32 $0xA000, s11;
	s4 =	sadd.s32 $0x16600, s0;
	s7 =	sadd.s32 $0xC600, s0  }
0xa: {  	s8 =	sadd.s32 $0x2600, s0;
	s9 =	smul.u32 $0x2800, s11;
	s24 =	sshll.u32 s11, $0x6  }
0xb: {  	_ =	strace $0x8000004D;
	s6 =	smul.u32 $0xA0000, s1;
	[dreg:$0x3] =	wrdreg s8  }
0xc: {  	s22 =	ssub.s32 $0x2, s1;
	s1 =	smul.u32 $0x1400, s1;
	s8 =	sor.u32 $0x1C03, s24  }
0xd: {  	s24 =	simm.s32 $0x200;
	s10 =	sshrl.u32 s22, $0x1;
	[dreg:$0x4] =	wrdreg s8  }
0xe: {  	s6 =	sadd.s32 s5, s6;
	s23 =	ssub.s32 s22, s10;
	s5 =	sadd.s32 s5, s2  }
0xf: {  	s1 =	sadd.s32 s1, s9;
	s22 =	simm.s32 $0x180;
	s6 =	sshrl.u32 s6, $0x3  }
0x10: {  	s25 =	sshrl.u32 s1, $0x3;
	s1 =	sadd.s32 $0x28000, s1;
	s0 =	sadd.s32 s6, s0  }
0x11: {  	s6 =	smax.u32 s23, $0x1;
	s9 =	sadd.s32 s25, s7;
	s26 =	sshrl.u32 s1, $0x3  }
0x12: {  	s23 =	simm.s32 $0x500;
	s25 =	simm.s32 $0x580;
	s1 =	simm.s32 $0x780  }
0x13: {  	s0 =	sadd.s32 $0x2A000, s0;
	[dreg:$0x6] =	wrdreg s6;
	s10 =	sadd.s32 s26, s7  }
0x14: {  	s6 =	sshrl.u32 s5, $0x3;
	s26 =	simm.s32 $0x280;
	[dreg:$0x5] =	wrdreg s0  }
0x15: {  	s7 =	simm.s32 $0x0;
	s0 =	simm.s32 $0x700;
	[dreg:$0x7] =	wrdreg s6  }
.LBB2_1:
0x16: {  	[dreg:$0x8] =	wrdreg s7  }
0x17: {  	s5 =	rddreg [dreg:$0x3]  }
0x18: {  	[spmem:s6], [sflag:s8] =	dma.local [hbm:s5], $0x1400  }
0x19: {  	_ =	swait.ge [sflag:s12], $0x1400  }
0x1a: {  	[sflag:s12] =	ssyncset.done $0x0  }
0x1b: {  	[sflag:s12] =	ssyncadd.s32 $0xFFFFEC00  }
0x1c: {  	s8 =	sadd.s32 $0x0, s10;
	[bflag:$0x0] =	sbarrier.arrive $0xFFFF  }
0x1d: {  	[tilespmem:s3], [sflag:$0x3] =	stream.linear.gather [hbm4b:s8+s3], $0x400, $0x38;
	[tilespmem:$0xE680] =	vst v63  }
0x1e: {  	_ =	swait.ge [sflag:s12], $0x400  }
0x1f: {  	[sflag:s12] =	ssyncset.done $0x0  }
0x20: {  	s11 =	sadd.s32 $0x0, s9;
	[sflag:s12] =	ssyncadd.s32 $0xFFFFFC00  }
0x21: {  	[tilespmem:s13], [sflag:$0x3] =	stream.linear.gather [hbm4b:s11+s3], $0x400, $0x38;
	[tilespmem:$0xE680] =	vst v63  }
0x22: {  	_ =	swait.ge [sflag:s12], $0x400  }
0x23: {  	[sflag:s12] =	ssyncset.done $0x0  }
0x24: {  	[sflag:s12] =	ssyncadd.s32 $0xFFFFFC00  }
0x25: {  	[tilespmem:s15], [sflag:$0x1] =	stream.indirect.gather [hbm4b:s4+s14], $0x40, s3, s14, $0xb8;
	[tilespmem:$0xE680] =	vst v63  }
0x26: {  	_ = 	snop  }
0x27: {  	[tilespmem:s17], [sflag:$0x2] =	stream.indirect.gather [hbm4b:s4+s14], $0x40, s16, s14, $0xb8;
	[tilespmem:$0xE680] =	vst v63  }
0x28: {  	_ =	swait.ge [sflag:s18], $0x1F40  }
0x29: {  	[sflag:s18] =	ssyncset.done $0x0  }
0x2a: {  	[sflag:s18] =	ssyncadd.s32 $0xFFFFE0C0  }
0x2b: {  	[spmem:s2] =	stream.indirect.scatter.add.f32 [tilespmem:s15], [sflag:$0x3], $0x40, s13, s14, $0xb8;
	[tilespmem:$0xE680] =	vst v63  }
0x2c: {  	_ =	swait.ge [sflag:s12], $0x1F40  }
0x2d: {  	[sflag:s12] =	ssyncset.done $0x0  }
0x2e: {  	[sflag:s12] =	ssyncadd.s32 $0xFFFFE0C0  }
0x2f: {  	[tilespmem:s15], [sflag:$0x1] =	stream.indirect.gather [hbm4b:s4+s14], $0x40, s19, s14, $0xb8;
	[tilespmem:$0xE680] =	vst v63  }
0x30: {  	_ =	swait.ge [sflag:s20], $0x1F40  }
0x31: {  	[sflag:s20] =	ssyncset.done $0x0  }
0x32: {  	[sflag:s20] =	ssyncadd.s32 $0xFFFFE0C0  }
0x33: {  	[spmem:s2] =	stream.indirect.scatter.add.f32 [tilespmem:s17], [sflag:$0x3], $0x40, s21, s14, $0xb8;
	[tilespmem:$0xE680] =	vst v63  }
0x34: {  	_ =	swait.ge [sflag:s12], $0x1F40  }
0x35: {  	[sflag:s12] =	ssyncset.done $0x0  }
0x36: {  	[sflag:s12] =	ssyncadd.s32 $0xFFFFE0C0  }
0x37: {  	[tilespmem:s17], [sflag:$0x2] =	stream.indirect.gather [hbm4b:s4+s14], $0x40, s22, s14, $0xb8;
	[tilespmem:$0xE680] =	vst v63  }
0x38: {  	_ =	swait.ge [sflag:s18], $0x1F40  }
0x39: {  	[sflag:s18] =	ssyncset.done $0x0  }
0x3a: {  	[sflag:s18] =	ssyncadd.s32 $0xFFFFE0C0  }
0x3b: {  	[spmem:s2] =	stream.indirect.scatter.add.f32 [tilespmem:s15], [sflag:$0x3], $0x40, s23, s14, $0xb8;
	[tilespmem:$0xE680] =	vst v63  }
0x3c: {  	_ =	swait.ge [sflag:s12], $0x1F40  }
0x3d: {  	[sflag:s12] =	ssyncset.done $0x0  }
0x3e: {  	[sflag:s12] =	ssyncadd.s32 $0xFFFFE0C0  }
0x3f: {  	[tilespmem:s15], [sflag:$0x1] =	stream.indirect.gather [hbm4b:s4+s14], $0x40, s24, s14, $0xb8;
	[tilespmem:$0xE680] =	vst v63  }
0x40: {  	_ =	swait.ge [sflag:s20], $0x1F40  }
0x41: {  	[sflag:s20] =	ssyncset.done $0x0  }
0x42: {  	[sflag:s20] =	ssyncadd.s32 $0xFFFFE0C0  }
0x43: {  	[spmem:s2] =	stream.indirect.scatter.add.f32 [tilespmem:s17], [sflag:$0x3], $0x40, s25, s14, $0xb8;
	[tilespmem:$0xE680] =	vst v63  }
0x44: {  	_ =	swait.ge [sflag:s12], $0x1F40  }
0x45: {  	[sflag:s12] =	ssyncset.done $0x0  }
0x46: {  	[sflag:s12] =	ssyncadd.s32 $0xFFFFE0C0  }
0x47: {  	[tilespmem:s17], [sflag:$0x2] =	stream.indirect.gather [hbm4b:s4+s14], $0x40, s26, s14, $0xb8;
	[tilespmem:$0xE680] =	vst v63  }
0x48: {  	_ =	swait.ge [sflag:s18], $0x1F40  }
0x49: {  	[sflag:s18] =	ssyncset.done $0x0  }
0x4a: {  	[sflag:s18] =	ssyncadd.s32 $0xFFFFE0C0  }
0x4b: {  	[spmem:s2] =	stream.indirect.scatter.add.f32 [tilespmem:s15], [sflag:$0x3], $0x40, s28, s14, $0xb8;
	[tilespmem:$0xE680] =	vst v63  }
0x4c: {  	_ =	swait.ge [sflag:s12], $0x1F40  }
0x4d: {  	[sflag:s12] =	ssyncset.done $0x0  }
0x4e: {  	[sflag:s12] =	ssyncadd.s32 $0xFFFFE0C0  }
0x4f: {  	[tilespmem:s15], [sflag:$0x1] =	stream.indirect.gather [hbm4b:s4+s14], $0x40, s29, s14, $0xb8;
	[tilespmem:$0xE680] =	vst v63  }
0x50: {  	_ =	swait.ge [sflag:s20], $0x1F40  }
0x51: {  	[sflag:s20] =	ssyncset.done $0x0  }
0x52: {  	[sflag:s20] =	ssyncadd.s32 $0xFFFFE0C0  }
0x53: {  	[spmem:s2] =	stream.indirect.scatter.add.f32 [tilespmem:s17], [sflag:$0x3], $0x40, s30, s14, $0xb8;
	[tilespmem:$0xE680] =	vst v63  }
0x54: {  	_ =	swait.ge [sflag:s12], $0x1F40  }
0x55: {  	[sflag:s12] =	ssyncset.done $0x0  }
0x56: {  	[sflag:s12] =	ssyncadd.s32 $0xFFFFE0C0  }
0x57: {  	[tilespmem:s17], [sflag:$0x2] =	stream.indirect.gather [hbm4b:s4+s14], $0x40, s31, s14, $0xb8;
	[tilespmem:$0xE680] =	vst v63  }
0x58: {  	_ =	swait.ge [sflag:s18], $0x1F40  }
0x59: {  	[sflag:s18] =	ssyncset.done $0x0  }
0x5a: {  	[sflag:s18] =	ssyncadd.s32 $0xFFFFE0C0  }
0x5b: {  	[spmem:s2] =	stream.indirect.scatter.add.f32 [tilespmem:s15], [sflag:$0x3], $0x40, s0, s14, $0xb8;
	[tilespmem:$0xE680] =	vst v63  }
0x5c: {  	_ =	swait.ge [sflag:s12], $0x1F40  }
0x5d: {  	[sflag:s12] =	ssyncset.done $0x0  }
0x5e: {  	[sflag:s12] =	ssyncadd.s32 $0xFFFFE0C0  }
0x5f: {  	_ =	swait.ge [sflag:s20], $0x1F40  }
0x60: {  	[sflag:s20] =	ssyncset.done $0x0  }
0x61: {  	[sflag:s20] =	ssyncadd.s32 $0xFFFFE0C0  }
0x62: {  	[spmem:s2] =	stream.indirect.scatter.add.f32 [tilespmem:s17], [sflag:$0x3], $0x40, s1, s14, $0xb8;
	[tilespmem:$0xE680] =	vst v63  }
0x63: {  	_ =	swait.ge [sflag:s12], $0x1F40  }
0x64: {  	s7 =	simm.s32 $0x80;
	s8 =	simm.s32 $0x100;
	[sflag:s12] =	ssyncset.done $0x0  }
.LBB2_2:
0x65: {  	s11 =	sadd.s32 s7, s10  }
0x66: {  	[sflag:s12] =	ssyncadd.s32 $0xFFFFE0C0;
	s5 =	smov.u32 s8;
	s6 =	sadd.s32 $0x80, s8  }
0x67: {  	[tilespmem:s3], [sflag:$0x3] =	stream.linear.gather [hbm4b:s11+s3], $0x400, $0x38;
	[tilespmem:$0xE680] =	vst v63  }
0x68: {  	p0 =	sne.s32 s8, $0x200;
	_ =	swait.ge [sflag:s12], $0x400  }
0x69: {  	[sflag:s12] =	ssyncset.done $0x0  }
0x6a: {  	s8 =	sadd.s32 s7, s9;
	s7 =	smov.u32 s5;
	[sflag:s12] =	ssyncadd.s32 $0xFFFFFC00  }
0x6b: {  	[tilespmem:s13], [sflag:$0x3] =	stream.linear.gather [hbm4b:s8+s3], $0x400, $0x38;
	[tilespmem:$0xE680] =	vst v63  }
0x6c: {  	_ =	swait.ge [sflag:s12], $0x400  }
0x6d: {  	[sflag:s12] =	ssyncset.done $0x0  }
0x6e: {  	[sflag:s12] =	ssyncadd.s32 $0xFFFFFC00  }
0x6f: {  	[tilespmem:s15], [sflag:$0x1] =	stream.indirect.gather [hbm4b:s4+s14], $0x40, s3, s14, $0xb8;
	[tilespmem:$0xE680] =	vst v63  }
0x70: {  	_ = 	snop  }
0x71: {  	[tilespmem:s17], [sflag:$0x2] =	stream.indirect.gather [hbm4b:s4+s14], $0x40, s16, s14, $0xb8;
	[tilespmem:$0xE680] =	vst v63  }
0x72: {  	_ =	swait.ge [sflag:s18], $0x1F40  }
0x73: {  	[sflag:s18] =	ssyncset.done $0x0  }
0x74: {  	[sflag:s18] =	ssyncadd.s32 $0xFFFFE0C0  }
0x75: {  	[spmem:s2] =	stream.indirect.scatter.add.f32 [tilespmem:s15], [sflag:$0x3], $0x40, s13, s14, $0xb8;
	[tilespmem:$0xE680] =	vst v63  }
0x76: {  	_ =	swait.ge [sflag:s12], $0x1F40  }
0x77: {  	[sflag:s12] =	ssyncset.done $0x0  }
0x78: {  	[sflag:s12] =	ssyncadd.s32 $0xFFFFE0C0  }
0x79: {  	[tilespmem:s15], [sflag:$0x1] =	stream.indirect.gather [hbm4b:s4+s14], $0x40, s19, s14, $0xb8;
	[tilespmem:$0xE680] =	vst v63  }
0x7a: {  	_ =	swait.ge [sflag:s20], $0x1F40  }
0x7b: {  	[sflag:s20] =	ssyncset.done $0x0  }
0x7c: {  	[sflag:s20] =	ssyncadd.s32 $0xFFFFE0C0  }
0x7d: {  	[spmem:s2] =	stream.indirect.scatter.add.f32 [tilespmem:s17], [sflag:$0x3], $0x40, s21, s14, $0xb8;
	[tilespmem:$0xE680] =	vst v63  }
0x7e: {  	_ =	swait.ge [sflag:s12], $0x1F40  }
0x7f: {  	[sflag:s12] =	ssyncset.done $0x0  }
0x80: {  	[sflag:s12] =	ssyncadd.s32 $0xFFFFE0C0  }
0x81: {  	[tilespmem:s17], [sflag:$0x2] =	stream.indirect.gather [hbm4b:s4+s14], $0x40, s22, s14, $0xb8;
	[tilespmem:$0xE680] =	vst v63  }
0x82: {  	_ =	swait.ge [sflag:s18], $0x1F40  }
0x83: {  	[sflag:s18] =	ssyncset.done $0x0  }
0x84: {  	[sflag:s18] =	ssyncadd.s32 $0xFFFFE0C0  }
0x85: {  	[spmem:s2] =	stream.indirect.scatter.add.f32 [tilespmem:s15], [sflag:$0x3], $0x40, s23, s14, $0xb8;
	[tilespmem:$0xE680] =	vst v63  }
0x86: {  	_ =	swait.ge [sflag:s12], $0x1F40  }
0x87: {  	[sflag:s12] =	ssyncset.done $0x0  }
0x88: {  	[sflag:s12] =	ssyncadd.s32 $0xFFFFE0C0  }
0x89: {  	[tilespmem:s15], [sflag:$0x1] =	stream.indirect.gather [hbm4b:s4+s14], $0x40, s24, s14, $0xb8;
	[tilespmem:$0xE680] =	vst v63  }
0x8a: {  	_ =	swait.ge [sflag:s20], $0x1F40  }
0x8b: {  	[sflag:s20] =	ssyncset.done $0x0  }
0x8c: {  	[sflag:s20] =	ssyncadd.s32 $0xFFFFE0C0  }
0x8d: {  	[spmem:s2] =	stream.indirect.scatter.add.f32 [tilespmem:s17], [sflag:$0x3], $0x40, s25, s14, $0xb8;
	[tilespmem:$0xE680] =	vst v63  }
0x8e: {  	_ =	swait.ge [sflag:s12], $0x1F40  }
0x8f: {  	[sflag:s12] =	ssyncset.done $0x0  }
0x90: {  	[sflag:s12] =	ssyncadd.s32 $0xFFFFE0C0  }
0x91: {  	[tilespmem:s17], [sflag:$0x2] =	stream.indirect.gather [hbm4b:s4+s14], $0x40, s26, s14, $0xb8;
	[tilespmem:$0xE680] =	vst v63  }
0x92: {  	_ =	swait.ge [sflag:s18], $0x1F40  }
0x93: {  	[sflag:s18] =	ssyncset.done $0x0  }
0x94: {  	[sflag:s18] =	ssyncadd.s32 $0xFFFFE0C0  }
0x95: {  	[spmem:s2] =	stream.indirect.scatter.add.f32 [tilespmem:s15], [sflag:$0x3], $0x40, s28, s14, $0xb8;
	[tilespmem:$0xE680] =	vst v63  }
0x96: {  	_ =	swait.ge [sflag:s12], $0x1F40  }
0x97: {  	[sflag:s12] =	ssyncset.done $0x0  }
0x98: {  	[sflag:s12] =	ssyncadd.s32 $0xFFFFE0C0  }
0x99: {  	[tilespmem:s15], [sflag:$0x1] =	stream.indirect.gather [hbm4b:s4+s14], $0x40, s29, s14, $0xb8;
	[tilespmem:$0xE680] =	vst v63  }
0x9a: {  	_ =	swait.ge [sflag:s20], $0x1F40  }
0x9b: {  	[sflag:s20] =	ssyncset.done $0x0  }
0x9c: {  	[sflag:s20] =	ssyncadd.s32 $0xFFFFE0C0  }
0x9d: {  	[spmem:s2] =	stream.indirect.scatter.add.f32 [tilespmem:s17], [sflag:$0x3], $0x40, s30, s14, $0xb8;
	[tilespmem:$0xE680] =	vst v63  }
0x9e: {  	_ =	swait.ge [sflag:s12], $0x1F40  }
0x9f: {  	[sflag:s12] =	ssyncset.done $0x0  }
0xa0: {  	[sflag:s12] =	ssyncadd.s32 $0xFFFFE0C0  }
0xa1: {  	[tilespmem:s17], [sflag:$0x2] =	stream.indirect.gather [hbm4b:s4+s14], $0x40, s31, s14, $0xb8;
	[tilespmem:$0xE680] =	vst v63  }
0xa2: {  	_ =	swait.ge [sflag:s18], $0x1F40  }
0xa3: {  	[sflag:s18] =	ssyncset.done $0x0  }
0xa4: {  	[sflag:s18] =	ssyncadd.s32 $0xFFFFE0C0  }
0xa5: {  	[spmem:s2] =	stream.indirect.scatter.add.f32 [tilespmem:s15], [sflag:$0x3], $0x40, s0, s14, $0xb8;
	[tilespmem:$0xE680] =	vst v63  }
0xa6: {  	_ =	swait.ge [sflag:s12], $0x1F40  }
0xa7: {  	[sflag:s12] =	ssyncset.done $0x0  }
0xa8: {  	[sflag:s12] =	ssyncadd.s32 $0xFFFFE0C0  }
0xa9: {  	_ =	swait.ge [sflag:s20], $0x1F40  }
.Ltmp0:
0xaa: {  	[sflag:s20] =	ssyncset.done $0x0;
	(pc) =	sbr.rel @p0 .LBB2_2-.Ltmp0, $4  }
0xab: {  	[sflag:s20] =	ssyncadd.s32 $0xFFFFE0C0  }
0xac: {  	[spmem:s2] =	stream.indirect.scatter.add.f32 [tilespmem:s17], [sflag:$0x3], $0x40, s1, s14, $0xb8;
	[tilespmem:$0xE680] =	vst v63  }
0xad: {  	_ =	swait.ge [sflag:s12], $0x1F40  }
0xae: {  	s8 =	smov.u32 s6;
	[sflag:s12] =	ssyncset.done $0x0  }
0xaf: {  	s5 =	sadd.s32 s7, s10;
	[sflag:s12] =	ssyncadd.s32 $0xFFFFE0C0  }
0xb0: {  	[tilespmem:s3], [sflag:$0x3] =	stream.linear.gather [hbm4b:s5+s3], $0x400, $0x38;
	[tilespmem:$0xE680] =	vst v63  }
0xb1: {  	_ =	swait.ge [sflag:s12], $0x400  }
0xb2: {  	[sflag:s12] =	ssyncset.done $0x0  }
0xb3: {  	s8 =	sadd.s32 s7, s9;
	[sflag:s12] =	ssyncadd.s32 $0xFFFFFC00  }
0xb4: {  	[tilespmem:s13], [sflag:$0x3] =	stream.linear.gather [hbm4b:s8+s3], $0x400, $0x38;
	[tilespmem:$0xE680] =	vst v63  }
0xb5: {  	_ =	swait.ge [sflag:s12], $0x400  }
0xb6: {  	[sflag:s12] =	ssyncset.done $0x0  }
0xb7: {  	[sflag:s12] =	ssyncadd.s32 $0xFFFFFC00  }
0xb8: {  	[tilespmem:s15], [sflag:$0x1] =	stream.indirect.gather [hbm4b:s4+s14], $0x40, s3, s14, $0xb8;
	[tilespmem:$0xE680] =	vst v63  }
0xb9: {  	_ = 	snop  }
0xba: {  	[tilespmem:s17], [sflag:$0x2] =	stream.indirect.gather [hbm4b:s4+s14], $0x40, s16, s14, $0xb8;
	[tilespmem:$0xE680] =	vst v63  }
0xbb: {  	_ =	swait.ge [sflag:s18], $0x1F40  }
0xbc: {  	[sflag:s18] =	ssyncset.done $0x0  }
0xbd: {  	[sflag:s18] =	ssyncadd.s32 $0xFFFFE0C0  }
0xbe: {  	[spmem:s2] =	stream.indirect.scatter.add.f32 [tilespmem:s15], [sflag:$0x3], $0x40, s13, s14, $0xb8;
	[tilespmem:$0xE680] =	vst v63  }
0xbf: {  	_ =	swait.ge [sflag:s12], $0x1F40  }
0xc0: {  	[sflag:s12] =	ssyncset.done $0x0  }
0xc1: {  	[sflag:s12] =	ssyncadd.s32 $0xFFFFE0C0  }
0xc2: {  	[tilespmem:s15], [sflag:$0x1] =	stream.indirect.gather [hbm4b:s4+s14], $0x40, s19, s14, $0xb8;
	[tilespmem:$0xE680] =	vst v63  }
0xc3: {  	_ =	swait.ge [sflag:s20], $0x1F40  }
0xc4: {  	[sflag:s20] =	ssyncset.done $0x0  }
0xc5: {  	[sflag:s20] =	ssyncadd.s32 $0xFFFFE0C0  }
0xc6: {  	[spmem:s2] =	stream.indirect.scatter.add.f32 [tilespmem:s17], [sflag:$0x3], $0x40, s21, s14, $0xb8;
	[tilespmem:$0xE680] =	vst v63  }
0xc7: {  	_ =	swait.ge [sflag:s12], $0x1F40  }
0xc8: {  	[sflag:s12] =	ssyncset.done $0x0  }
0xc9: {  	[sflag:s12] =	ssyncadd.s32 $0xFFFFE0C0  }
0xca: {  	[tilespmem:s17], [sflag:$0x2] =	stream.indirect.gather [hbm4b:s4+s14], $0x40, s22, s14, $0xb8;
	[tilespmem:$0xE680] =	vst v63  }
0xcb: {  	_ =	swait.ge [sflag:s18], $0x1F40  }
0xcc: {  	[sflag:s18] =	ssyncset.done $0x0  }
0xcd: {  	[sflag:s18] =	ssyncadd.s32 $0xFFFFE0C0  }
0xce: {  	[spmem:s2] =	stream.indirect.scatter.add.f32 [tilespmem:s15], [sflag:$0x3], $0x40, s23, s14, $0xb8;
	[tilespmem:$0xE680] =	vst v63  }
0xcf: {  	_ =	swait.ge [sflag:s12], $0x1F40  }
0xd0: {  	[sflag:s12] =	ssyncset.done $0x0  }
0xd1: {  	[sflag:s12] =	ssyncadd.s32 $0xFFFFE0C0  }
0xd2: {  	[tilespmem:s15], [sflag:$0x1] =	stream.indirect.gather [hbm4b:s4+s14], $0x40, s24, s14, $0xb8;
	[tilespmem:$0xE680] =	vst v63  }
0xd3: {  	_ =	swait.ge [sflag:s20], $0x1F40  }
0xd4: {  	[sflag:s20] =	ssyncset.done $0x0  }
0xd5: {  	[sflag:s20] =	ssyncadd.s32 $0xFFFFE0C0  }
0xd6: {  	[spmem:s2] =	stream.indirect.scatter.add.f32 [tilespmem:s17], [sflag:$0x3], $0x40, s25, s14, $0xb8;
	[tilespmem:$0xE680] =	vst v63  }
0xd7: {  	_ =	swait.ge [sflag:s12], $0x1F40  }
0xd8: {  	[sflag:s12] =	ssyncset.done $0x0  }
0xd9: {  	[sflag:s12] =	ssyncadd.s32 $0xFFFFE0C0  }
0xda: {  	[tilespmem:s17], [sflag:$0x2] =	stream.indirect.gather [hbm4b:s4+s14], $0x40, s26, s14, $0xb8;
	[tilespmem:$0xE680] =	vst v63  }
0xdb: {  	_ =	swait.ge [sflag:s18], $0x1F40  }
0xdc: {  	[sflag:s18] =	ssyncset.done $0x0  }
0xdd: {  	[sflag:s18] =	ssyncadd.s32 $0xFFFFE0C0  }
0xde: {  	[spmem:s2] =	stream.indirect.scatter.add.f32 [tilespmem:s15], [sflag:$0x3], $0x40, s28, s14, $0xb8;
	[tilespmem:$0xE680] =	vst v63  }
0xdf: {  	_ =	swait.ge [sflag:s12], $0x1F40  }
0xe0: {  	[sflag:s12] =	ssyncset.done $0x0  }
0xe1: {  	[sflag:s12] =	ssyncadd.s32 $0xFFFFE0C0  }
0xe2: {  	[tilespmem:s15], [sflag:$0x1] =	stream.indirect.gather [hbm4b:s4+s14], $0x40, s29, s14, $0xb8;
	[tilespmem:$0xE680] =	vst v63  }
0xe3: {  	_ =	swait.ge [sflag:s20], $0x1F40  }
0xe4: {  	[sflag:s20] =	ssyncset.done $0x0  }
0xe5: {  	[sflag:s20] =	ssyncadd.s32 $0xFFFFE0C0  }
0xe6: {  	[spmem:s2] =	stream.indirect.scatter.add.f32 [tilespmem:s17], [sflag:$0x3], $0x40, s30, s14, $0xb8;
	[tilespmem:$0xE680] =	vst v63  }
0xe7: {  	_ =	swait.ge [sflag:s12], $0x1F40  }
0xe8: {  	[sflag:s12] =	ssyncset.done $0x0  }
0xe9: {  	[sflag:s12] =	ssyncadd.s32 $0xFFFFE0C0  }
0xea: {  	[tilespmem:s17], [sflag:$0x2] =	stream.indirect.gather [hbm4b:s4+s14], $0x40, s31, s14, $0xb8;
	[tilespmem:$0xE680] =	vst v63  }
0xeb: {  	_ =	swait.ge [sflag:s18], $0x1F40  }
0xec: {  	[sflag:s18] =	ssyncset.done $0x0  }
0xed: {  	[sflag:s18] =	ssyncadd.s32 $0xFFFFE0C0  }
0xee: {  	[spmem:s2] =	stream.indirect.scatter.add.f32 [tilespmem:s15], [sflag:$0x3], $0x40, s0, s14, $0xb8;
	[tilespmem:$0xE680] =	vst v63  }
0xef: {  	_ =	swait.ge [sflag:s12], $0x1F40  }
0xf0: {  	[sflag:s12] =	ssyncset.done $0x0  }
0xf1: {  	[sflag:s12] =	ssyncadd.s32 $0xFFFFE0C0  }
0xf2: {  	_ =	swait.ge [sflag:s20], $0x1F40  }
0xf3: {  	[sflag:s20] =	ssyncset.done $0x0  }
0xf4: {  	[sflag:s20] =	ssyncadd.s32 $0xFFFFE0C0  }
0xf5: {  	[spmem:s2] =	stream.indirect.scatter.add.f32 [tilespmem:s17], [sflag:$0x3], $0x40, s1, s14, $0xb8;
	[tilespmem:$0xE680] =	vst v63  }
0xf6: {  	_ =	swait.ge [sflag:s12], $0x1F40  }
0xf7: {  	[sflag:s12] =	ssyncset.done $0x0  }
0xf8: {  	[sflag:s12] =	ssyncadd.s32 $0xFFFFE0C0  }
0xf9: {  	[bflag:$0x0] =	sbarrier.arrive $0xFFFF  }
0xfa: {  	s8 =	rddreg [dreg:$0x4]  }
0xfb: {  	s11 =	rddreg [dreg:$0x5]  }
0xfc: {  	s6 =	rddreg [dreg:$0x7]  }
0xfd: {  	[hbm:s11], [sflag:s8] =	dma.local [spmem:s6], $0x1400  }
0xfe: {  	_ =	swait.ge [sflag:s12], $0x1400  }
0xff: {  	s5 =	rddreg [dreg:$0x8]  }
0x100: {  	s11 =	rddreg [dreg:$0x6];
	s7 =	sadd.s32 $0x1, s5  }
0x101: {  	p0 =	sne.s32 s7, s11  }
.Ltmp1:
0x102: {  	_ = 	snop;
	(pc) =	sbr.rel @p0 .LBB2_1-.Ltmp1, $3  }
0x103: {  	_ =	sdelay $0x1  }
0x104: {  	[sflag:s12] =	ssyncset.done $0x0  }
0x105: {  	[sflag:s12] =	ssyncadd.s32 $0xFFFFEC00  }
0x106: {  	_ =	sfence.sel $0x180000  }
0x107: {  	[bflag:$0x0] =	sbarrier.arrive $0xFFFF  }
0x108: {  	_ =	strace $0x9000004D  }
0x109: {  	s0 =	stileid.u32;
	[bflag:$0x2] =	sbarrier.arrive $0xFFFF  }
0x10a: {  	p0 =	sne.s32 s0, $0x0;
	s0 =	rddreg [dreg:$0x2]  }
0x10b: {  	s0 =	sadd.s32 @!p0 $0x100000, s0  }
0x10c: {  	[sflag:s0] =	ssyncadd.tile.s32 @!p0 $0x1;
	_ =	shalt  }
.Lfunc_end2:
_tile_overlayer_lowered:
.L_overlay_start_2:
0x10d: {  	(tag) =	ssettag $0x2  }
0x10e: {  	s0 =	rddreg [dreg:$0x0];
	s2 =	stileid.u32  }
0x10f: {  	s1 =	rddreg [dreg:$0x1];
	p0 =	sne.s32 s2, $0x0  }
0x110: {  	s3 =	rddreg [dreg:$0x2];
	[bflag:$0x3] =	sbarrier.arrive $0xFFFF;
	s2 =	simm.s32 @!p0 $0x1C03  }
0x111: {  	[timem:s3], [sflag:s2] =	dma.local @!p0 [hbm:s0], s1  }
0x112: {  	s0 =	simm.s32 @!p0 $0x3  }
0x113: {  	_ =	swait.ge @!p0 [sflag:s0], s1  }
0x114: {  	s1 =	ssub.s32 @!p0 $0x0, s1;
	[sflag:s0] =	ssyncset.done @!p0 $0x0  }
0x115: {  	[sflag:s0] =	ssyncadd.s32 @!p0 s1  }
0x116: {  	[bflag:$0x3] =	sbarrier.arrive $0xFFFF  }
0x117: {  	_ =	shalt  }

// kernel: kernel.9.cloned.1.call-start
scs
__scs_entry_jumppad:
0x0: {  	(pc) =	sbr.rel $0x88, $3  }
0x1: {  	(tag) =	ssettag $0x0;
	lr =	simm.s32 $0x1  }
0x2: {  	[smem:$0x3F9D] =	sst lr;
	_ =	strace $0xD0000000  }
0x3: {  	_ = 	snop  }
0x4: {  	_ = 	snop  }
0x5: {  	_ = 	snop  }
0x6: {  	_ = 	snop  }
0x7: {  	_ = 	snop  }
__scs_overlays_trampoline_lowered:
0x8: {  	[smem:$0x3FAC] =	sst s0  }
0x9: {  	[smem:$0x3FAD] =	sst s1  }
0xa: {  	[smem:$0x3FAE] =	sst s2  }
0xb: {  	[smem:$0x3FAF] =	sst s3  }
0xc: {  	[smem:$0x3FB0] =	sst s4  }
0xd: {  	[smem:$0x3FB1] =	sst s5  }
0xe: {  	[smem:$0x3FB2] =	sst s6  }
0xf: {  	[smem:$0x3FB3] =	sst s7  }
0x10: {  	[smem:$0x3FB4] =	sst s8  }
0x11: {  	[smem:$0x3FB5] =	sst s9;
	s0 =	simm.s32 @!p0 $0x0  }
0x12: {  	s1 =	sld [smem:$0x3F9B];
	s0 =	simm.s32 @p0 $0x1  }
0x13: {  	[smem:$0x3FB6] =	sst s0;
	s0 =	simm.s32 @!p1 $0x0  }
0x14: {  	s2 =	sld [smem:$0x3F9A];
	s0 =	simm.s32 @p1 $0x1  }
0x15: {  	[smem:$0x3FB7] =	sst s0;
	s0 =	simm.s32 @!p2 $0x0  }
0x16: {  	s3 =	sld [smem:$0x3FDB];
	s0 =	simm.s32 @p2 $0x1  }
0x17: {  	s4 =	simm.s32 $0x1BF5;
	[smem:$0x3FB9] =	sst s0  }
0x18: {  	s0 =	sld [smem:$0x3F9C];
	_ =	swait.ge [sflag:s4], $0x0  }
0x19: {  	s7 =	sld [smem:$0x3F9D]  }
0x1a: {  	s8 =	sadd.s32 $0xFFFFE003, lr  }
0x1b: {  	s9 =	sadd.s32 $0xFFFFFEF7, lr;
	s5 =	simm.s32 $0xFFFFFFFF;
	p2 =	slt.u32 s8, $0xFFFFF086  }
0x1c: {  	p1 =	slt.u32 s9, $0xF7A;
	s5 =	simm.s32 @!p2 $0x0  }
0x1d: {  	s5 =	simm.s32 @p1 $0x1;
	p0 =	seq.s32 s7, s2  }
0x1e: {  	s7 =	smul.u32 @!p0 $0xF7A, s2;
	p2 =	seq.s32 @!p0 s5, $0x0  }
0x1f: {  	s9 =	smul.u32 $0xF7A, s1;
	s8 =	simm.s32 @!p0 $0x1BF5;
	p2 =	por !p2, p0  }
0x20: {  	[sflag:s8] =	ssyncset.s32 @!p0 $0xFFFFF086;
	s6 =	sadd.s32 @!p0 s3, s7;
	s7 =	simm.s32 @!p0 $0x108  }
0x21: {  	s3 =	sadd.s32 s3, s9;
	s6 =	sadd.s32 @!p0 $0x88, s6;
	s7 =	simm.s32 @p2 $0x1082  }
0x22: {  	[simem:s7], [sflag:s8] =	dma.local @!p0 [hbm:s6], $0xF7A  }
0x23: {  	s9 =	sor.u32 $0xD0000000, s2;
	s6 =	simm.s32 $0x108;
	_ =	swait.ge @!p0 [sflag:s8], $0x0  }
0x24: {  	s3 =	sadd.s32 $0x88, s3;
	s6 =	simm.s32 @!p1 $0x1082;
	[sflag:s4] =	ssyncset.s32 $0xFFFFF086  }
0x25: {  	[simem:s6], [sflag:s4] =	dma.local [hbm:s3], $0xF7A  }
0x26: {  	[smem:$0x3F9D] =	sst s1;
	(tag) =	ssettag s2;
	_ =	strace s9  }
0x27: {  	s1 =	sld [smem:$0x3FAD]  }
0x28: {  	s2 =	sld [smem:$0x3FAE]  }
0x29: {  	s4 =	sld [smem:$0x3FB0]  }
0x2a: {  	p0 =	seq.s32 s5, $0x0;
	s5 =	sld [smem:$0x3FB1]  }
0x2b: {  	s6 =	sld [smem:$0x3FB2]  }
0x2c: {  	s7 =	sld [smem:$0x3FB3]  }
0x2d: {  	s3 =	simm.s32 $0x108;
	s8 =	sld [smem:$0x3FB4]  }
0x2e: {  	s3 =	simm.s32 @!p0 $0x1082;
	s9 =	sld [smem:$0x3FB5]  }
0x2f: {  	lr =	sadd.s32 s0, s3;
	s0 =	sld [smem:$0x3FAC]  }
0x30: {  	s3 =	sld [smem:$0x3FAF]  }
0x31: {  	[smem:$0x3FB8] =	sst s10  }
0x32: {  	s10 =	sld [smem:$0x3FB6];
	_ =	sdelay $0x3  }
0x33: {  	p0 =	seq.s32 s10, $0x1;
	s10 =	sld [smem:$0x3FB8];
	_ =	sdelay $0x3  }
0x34: {  	[smem:$0x3FB8] =	sst s10  }
0x35: {  	s10 =	sld [smem:$0x3FB7];
	_ =	sdelay $0x3  }
0x36: {  	p1 =	seq.s32 s10, $0x1;
	s10 =	sld [smem:$0x3FB8];
	_ =	sdelay $0x3  }
0x37: {  	[smem:$0x3FB8] =	sst s10  }
0x38: {  	s10 =	sld [smem:$0x3FB9]  }
0x39: {  	_ = 	snop;
	(pc) =	sbr.ind lr, $3  }
0x3a: {  	_ = 	snop  }
0x3b: {  	_ = 	snop  }
0x3c: {  	p2 =	seq.s32 s10, $0x1;
	s10 =	sld [smem:$0x3FB8]  }
0x3d: {  	_ =	shalt  }
0x3e: {  	_ =	shalt  }
0x3f: {  	_ =	shalt  }
0x40: {  	_ =	shalt  }
0x41: {  	_ =	shalt  }
0x42: {  	_ =	shalt  }
0x43: {  	_ =	shalt  }
0x44: {  	_ =	shalt  }
0x45: {  	_ =	shalt  }
0x46: {  	_ =	shalt  }
0x47: {  	_ =	shalt  }
0x48: {  	_ =	shalt  }
0x49: {  	_ =	shalt  }
0x4a: {  	_ =	shalt  }
0x4b: {  	_ =	shalt  }
0x4c: {  	_ =	shalt  }
0x4d: {  	_ =	shalt  }
0x4e: {  	_ =	shalt  }
0x4f: {  	_ =	shalt  }
0x50: {  	_ =	shalt  }
0x51: {  	_ =	shalt  }
0x52: {  	_ =	shalt  }
0x53: {  	_ =	shalt  }
0x54: {  	_ =	shalt  }
0x55: {  	_ =	shalt  }
0x56: {  	_ =	shalt  }
0x57: {  	_ =	shalt  }
0x58: {  	_ =	shalt  }
0x59: {  	_ =	shalt  }
0x5a: {  	_ =	shalt  }
0x5b: {  	_ =	shalt  }
0x5c: {  	_ =	shalt  }
0x5d: {  	_ =	shalt  }
0x5e: {  	_ =	shalt  }
0x5f: {  	_ =	shalt  }
0x60: {  	_ =	shalt  }
0x61: {  	_ =	shalt  }
0x62: {  	_ =	shalt  }
0x63: {  	_ =	shalt  }
0x64: {  	_ =	shalt  }
0x65: {  	_ =	shalt  }
0x66: {  	_ =	shalt  }
0x67: {  	_ =	shalt  }
0x68: {  	_ =	shalt  }
0x69: {  	_ =	shalt  }
0x6a: {  	_ =	shalt  }
0x6b: {  	_ =	shalt  }
0x6c: {  	_ =	shalt  }
0x6d: {  	_ =	shalt  }
0x6e: {  	_ =	shalt  }
0x6f: {  	_ =	shalt  }
0x70: {  	_ =	shalt  }
0x71: {  	_ =	shalt  }
0x72: {  	_ =	shalt  }
0x73: {  	_ =	shalt  }
0x74: {  	_ =	shalt  }
0x75: {  	_ =	shalt  }
0x76: {  	_ =	shalt  }
0x77: {  	_ =	shalt  }
0x78: {  	_ =	shalt  }
0x79: {  	_ =	shalt  }
0x7a: {  	_ =	shalt  }
0x7b: {  	_ =	shalt  }
0x7c: {  	_ =	shalt  }
0x7d: {  	_ =	shalt  }
0x7e: {  	_ =	shalt  }
0x7f: {  	_ =	shalt  }
0x80: {  	_ =	shalt  }
0x81: {  	_ =	shalt  }
0x82: {  	_ =	shalt  }
0x83: {  	_ =	shalt  }
0x84: {  	_ =	shalt  }
0x85: {  	_ =	shalt  }
0x86: {  	_ =	shalt  }
0x87: {  	_ =	shalt  }
.Lfunc_end0:
.L_simem_size_0:
called_computation_lowered:
.L_overlay_start_0:
0x88: {  	s2 =	sld [smem:$0x3FD9]  }
0x89: {  	s3 =	sld [smem:$0x3FFE];
	_ =	sdelay $0x1  }
0x8a: {  	s1 =	srdreg.scid  }
0x8b: {  	s0 =	sand.u32 $0x1, s1  }
0x8c: {  	s17 =	sshll.u32 s0, $0xA;
	s2 =	sadd.s32 s3, s2  }
0x8d: {  	s2 =	sadd.s32 s2, s17  }
0x8e: {  	[smem:$0x3FC4] =	sst s2  }
0x8f: {  	_ = 	snop  }
0x90: {  	s2 =	sld [smem:$0x3FD0];
	(tm) =	ssettm $0x1  }
0x91: {  	s18 =	sld [smem:$0x3FFB];
	_ =	sdelay $0x3  }
0x92: {  	_ =	strace s18  }
0x93: {  	s3 =	sld [smem:$0x3FFC];
	_ =	sdelay $0x3  }
0x94: {  	_ =	strace s3  }
0x95: {  	s3 =	sld [smem:$0x3FFD];
	_ =	sdelay $0x3  }
0x96: {  	_ =	strace s3  }
0x97: {  	_ =	strace $0x8FFFFFFF  }
0x98: {  	s19 =	sld [smem:$0x3FDB];
	_ =	sdelay $0x1  }
0x99: {  	s4 =	simm.s32 $_scs_section_size  }
0x9a: {  	s5 =	simm.s32 $_size__tile_overlayer_lowered;
	s6 =	simm.s32 $_tile_overlayer_lowered  }
0x9b: {  	s22 =	simm.s32 $0x1BFF;
	s21 =	sshll.u32 s6, $0x1;
	s3 =	sadd.s32 s4, s19  }
0x9c: {  	s7 =	simm.s32 $0x0;
	s20 =	sshll.u32 s5, $0x1;
	s5 =	sadd.s32 s21, s3  }
0x9d: {  	[timem:s7], [sflag:s22] =	dma.local [hbm:s5], s20  }
0x9e: {  	_ =	swait.ge [sflag:s22], s20  }
0x9f: {  	s4 =	ssub.s32 $0x0, s20;
	[sflag:s22] =	ssyncset.done $0x0  }
0xa0: {  	[sflag:s22] =	ssyncadd.s32 s4;
	_ =	sdelay $0x1  }
0xa1: {  	s23 =	simm.s32 $0x1B8B  }
0xa2: {  	_ =	swait.ge [sflag:s23], $0x1  }
0xa3: {  	[sflag:s23] =	ssyncset.done $0x0  }
0xa4: {  	s25 =	simm.s32 $0x1B8E;
	s24 =	sld [smem:$0x3FFE];
	[sflag:s23] =	ssyncadd.s32 $0xFFFFFFFF  }
0xa5: {  	s26 =	simm.s32 $execute0_lowered;
	[smem:$0x3FD2] =	sst s25  }
0xa6: {  	s5 =	sshll.u32 s26, $0x1;
	_ =	strace $0x80000046;
	[dreg:$0x1] =	wrdreg $0xFFFFFFFF  }
0xa7: {  	s28 =	simm.s32 $_size_execute0_lowered;
	s3 =	sadd.s32 s3, s5;
	[dreg:$0x0] =	wrdreg $0x0  }
0xa8: {  	s5 =	sshll.u32 s28, $0x1;
	[dreg:$0x2] =	wrdreg s3  }
0xa9: {  	[dreg:$0x3] =	wrdreg s5  }
0xaa: {  	[dreg:$0x4] =	wrdreg $0xC0  }
0xab: {  	_ =	task [dreg:s7], $0x5FFFF  }
0xac: {  	[dreg:$0x1] =	wrdreg $0xFFFFFFFF  }
0xad: {  	[dreg:$0x0] =	wrdreg $0x60  }
0xae: {  	[dreg:$0x2] =	wrdreg s24  }
0xaf: {  	[dreg:$0x3] =	wrdreg s2  }
0xb0: {  	[dreg:$0x4] =	wrdreg $0x1BD00  }
0xb1: {  	[dreg:$0x5] =	wrdreg $0x9  }
0xb2: {  	_ =	task.clear_ibuf [dreg:s7], $0x6FFFF;
	_ =	strace $0x90000046  }
0xb3: {  	s29 =	simm.s32 $0x9;
	_ =	strace $0x80000048  }
0xb4: {  	_ =	swait.ge [sflag:s29], $0x1  }
0xb5: {  	[sflag:s29] =	ssyncadd.s32 $0xFFFFFFFF  }
0xb6: {  	_ =	strace $0x90000048  }
0xb7: {  	_ =	sfence  }
0xb8: {  	s30 =	sld [smem:$0x0];
	_ =	sdelay $0x2  }
0xb9: {  	s31 =	sshll.u32 s1, $0xD;
	s1 =	sshrl.u32 s1, $0x2  }
0xba: {  	s3 =	sand.u32 $0x4000, s31;
	s1 =	sadd.s32 s1, s30  }
0xbb: {  	s0 =	sor.u32 s3, s0;
	s1 =	sshll.u32 s1, $0x11  }
0xbc: {  	s0 =	sor.u32 s1, s0  }
0xbd: {  	s0 =	sadd.s32 $0x8F2B, s0  }
0xbe: {  	[sflag:s0] =	ssyncadd.remote.s32 $0x1  }
0xbf: {  	_ =	sfence.sel $0xFFFF  }
0xc0: {  	[dreg:$0x0] =	wrdreg $0xFFFFFFFF;
	(pc) =	sbr.abs _section_cstart, $3  }
0xc1: {  	[dreg:$0x1] =	wrdreg $0xFFFFFFFF  }
0xc2: {  	_ =	task.clear_ibuf [dreg:s7], $0x2FFFF;
	_ =	strace $0x9FFFFFFF  }
0xc3: {  	(tm) =	ssettm $0x7FFFFFFF  }
tec
execute0_lowered:
.L_overlay_start_1:
0x0: {  	(tag) =	ssettag $0x1  }
0x1: {  	s6 =	rddreg [dreg:$0x0];
	s1 =	srdreg.scid  }
0x2: {  	s0 =	stileid.u32;
	s2 =	rddreg [dreg:$0x1]  }
0x3: {  	s3 =	rddreg [dreg:$0x2];
	s4 =	simm.s32 $0x0;
	s12 =	simm.s32 $0x1400  }
0x4: {  	s13 =	simm.s32 $0x7D;
	s5 =	sand.u32 $0x1, s1;
	s7 =	smul.u32 $0x2800, s0  }
0x5: {  	s14 =	simm.s32 $0x0;
	s1 =	rddreg [dreg:$0x3];
	s8 =	smul.u32 $0x1400, s5  }
0x6: {  	[smem:$0x7FF] =	sst s4;
	s31 =	sshll.u32 s0, $0x6;
	s9 =	smul.u32 $0x28000, s5  }
0x7: {  	_ =	strace $0x80000047;
	s10 =	ssub.s32 $0x2, s5;
	s5 =	sadd.s32 $0x16600, s6  }
0x8: {  	s30 =	sshrl.u32 s10, $0x1;
	s8 =	sadd.s32 s8, s7;
	s9 =	sadd.s32 s7, s9  }
0x9: {  	s11 =	sadd.s32 s7, s3;
	s8 =	sshrl.u32 s8, $0x3;
	s9 =	sshrl.u32 s9, $0x3  }
0xa: {  	s10 =	ssub.s32 s10, s30;
	s8 =	sadd.s32 s8, s6;
	s9 =	sadd.s32 s9, s6  }
0xb: {  	s6 =	sor.u32 $0x1C01, s31;
	s7 =	sadd.s32 $0xC600, s8;
	s8 =	sadd.s32 $0x16800, s9  }
0xc: {  	s9 =	smax.u32 s10, $0x1;
	s10 =	sshrl.u32 s11, $0x3;
	s11 =	simm.s32 $0x1  }
.LBB2_1:
0xd: {  	[spmem:s10], [sflag:s6] =	dma.local [hbm:s2], $0x500  }
0xe: {  	_ =	swait.ge [sflag:s11], $0x500  }
0xf: {  	[sflag:s11] =	ssyncset.done $0x0  }
0x10: {  	[sflag:s11] =	ssyncadd.s32 $0xFFFFFB00  }
0x11: {  	[tilespmem:s12], [sflag:$0x1] =	stream.linear.gather [hbm4b:s5+s4], $0x7D0, $0x38;
	[tilespmem:$0x43D0] =	vst v63  }
0x12: {  	_ =	swait.ge [sflag:s11], $0x7D0  }
0x13: {  	[sflag:s11] =	ssyncset.done $0x0  }
0x14: {  	[sflag:s11] =	ssyncadd.s32 $0xFFFFF830  }
0x15: {  	[tilespmem:s4], [sflag:$0x1] =	stream.linear.gather [hbm4b:s7+s4], $0x1400, $0x38;
	[tilespmem:$0x43D0] =	vst v63  }
0x16: {  	_ =	swait.ge [sflag:s11], $0x1400  }
0x17: {  	[sflag:s11] =	ssyncset.done $0x0  }
0x18: {  	[sflag:s11] =	ssyncadd.s32 $0xFFFFEC00  }
0x19: {  	s15 =	simm.s32 $0x0;
	[bflag:$0x0] =	sbarrier.arrive $0xFFFF  }
0x1a: {  	[spmem:s3] =	stream.indirect.scatter.add.f32 [tilespmem:s12], [sflag:$0x1], $0x10, s15, s13, $0xb8;
	[tilespmem:$0x43D0] =	vst v63  }
0x1b: {  	_ =	swait.ge [sflag:s11], $0x7D0  }
0x1c: {  	s15 =	simm.s32 $0x200;
	[sflag:s11] =	ssyncset.done $0x0  }
.LBB2_2:
0x1d: {  	s16 =	sshra.s32 s15, $0x2;
	[sflag:s11] =	ssyncadd.s32 $0xFFFFF830;
	p0 =	sne.s32 s15, $0x4E00  }
0x1e: {  	[spmem:s3] =	stream.indirect.scatter.add.f32 [tilespmem:s12], [sflag:$0x1], $0x10, s16, s13, $0xb8;
	[tilespmem:$0x43D0] =	vst v63  }
.Ltmp0:
0x1f: {  	_ = 	snop;
	(pc) =	sbr.rel @p0 .LBB2_2-.Ltmp0, $4  }
0x20: {  	_ = 	snop  }
0x21: {  	s15 =	sadd.s32 $0x200, s15  }
0x22: {  	_ =	swait.ge [sflag:s11], $0x7D0  }
0x23: {  	[sflag:s11] =	ssyncset.done $0x0  }
0x24: {  	s14 =	sadd.s32 $0x1, s14  }
0x25: {  	[sflag:s11] =	ssyncadd.s32 $0xFFFFF830;
	p0 =	sne.s32 s14, s9  }
.Ltmp1:
0x26: {  	[bflag:$0x0] =	sbarrier.arrive $0xFFFF;
	(pc) =	sbr.rel @p0 .LBB2_1-.Ltmp1, $4  }
0x27: {  	[hbm:s8], [sflag:s6] =	dma.local [spmem:s10], $0x500  }
0x28: {  	_ =	swait.ge [sflag:s11], $0x500  }
0x29: {  	[sflag:s11] =	ssyncset.done $0x0  }
0x2a: {  	[sflag:s11] =	ssyncadd.s32 $0xFFFFFB00  }
0x2b: {  	_ =	sfence.sel $0x180000  }
0x2c: {  	[bflag:$0x0] =	sbarrier.arrive $0xFFFF  }
0x2d: {  	p0 =	sne.s32 s0, $0x0;
	_ =	strace $0x90000047  }
0x2e: {  	s0 =	sadd.s32 @!p0 $0x100000, s1;
	[bflag:$0x2] =	sbarrier.arrive $0xFFFF  }
0x2f: {  	[sflag:s0] =	ssyncadd.tile.s32 @!p0 $0x1;
	_ =	shalt  }
.Lfunc_end2:
_tile_overlayer_lowered:
.L_overlay_start_2:
0x30: {  	(tag) =	ssettag $0x2  }
0x31: {  	s0 =	rddreg [dreg:$0x0];
	s2 =	stileid.u32  }
0x32: {  	s1 =	rddreg [dreg:$0x1];
	p0 =	sne.s32 s2, $0x0  }
0x33: {  	s3 =	rddreg [dreg:$0x2];
	[bflag:$0x3] =	sbarrier.arrive $0xFFFF;
	s2 =	simm.s32 @!p0 $0x1C01  }
0x34: {  	[timem:s3], [sflag:s2] =	dma.local @!p0 [hbm:s0], s1  }
0x35: {  	s0 =	simm.s32 @!p0 $0x1  }
0x36: {  	_ =	swait.ge @!p0 [sflag:s0], s1  }
0x37: {  	s1 =	ssub.s32 @!p0 $0x0, s1;
	[sflag:s0] =	ssyncset.done @!p0 $0x0  }
0x38: {  	[sflag:s0] =	ssyncadd.s32 @!p0 s1  }
0x39: {  	[bflag:$0x3] =	sbarrier.arrive $0xFFFF  }
0x3a: {  	_ =	shalt  }

</sc_bundles>
